<compile_context>
chip_gen: v7x
topology: tpu7x:2x2x1
jax: 0.10.2.dev20260603
libtpu: 0.0.44.dev20260713+nightly
codegen_flags: <defaults>
</compile_context>

<pallas_src>
import functools

import jax
import jax.numpy as jnp
from jax import lax
from jax.experimental import pallas as pl
from jax.experimental.pallas import tpu as pltpu
from jax.experimental.pallas import tpu_sc as plsc

NC = 2
NS = 16
NW = NC * NS
D = 128
N_PAD = 10240
RPT = N_PAD // NS
K = 128
RB = 1000


def _sc_mesh():
    return plsc.VectorSubcoreMesh(
        core_axis_name="c", subcore_axis_name="s", num_cores=NC, num_subcores=NS
    )


def _chunk_range(wid, total_chunks):
    base = total_chunks // NW
    rem = total_chunks - base * NW
    start = wid * base + jnp.minimum(wid, rem)
    cnt = base + (wid < rem).astype(jnp.int32)
    return start, cnt


def _deg_body(dst_hbm, p0_hbm, p1_hbm, ones_v, dst_v, zbuf_v, deg_sh):
    cid = lax.axis_index("c")
    sid = lax.axis_index("s")
    wid = cid * NS + sid
    one16 = jnp.ones((16,), jnp.float32)
    z16 = jnp.zeros((16,), jnp.float32)
    for l in range(K // 16):
        ones_v[pl.ds(l * 16, 16)] = one16
        zbuf_v[pl.ds(l * 16, 16)] = z16
    for r in range(RPT // K):
        pltpu.sync_copy(zbuf_v, deg_sh.at[pl.ds(sid * RPT + r * K, K)])
    plsc.subcore_barrier()

    total_chunks = dst_hbm.shape[0] // K
    start, cnt = _chunk_range(wid, total_chunks)

    def body(i, carry):
        off = (start + i) * K
        pltpu.sync_copy(dst_hbm.at[pl.ds(off, K)], dst_v)
        pltpu.sync_copy(ones_v, deg_sh.at[dst_v], add=True)
        return carry

    lax.fori_loop(0, cnt, body, 0)
    plsc.subcore_barrier()

    row0 = sid * RPT

    @pl.when(cid == 0)
    def _():
        pltpu.sync_copy(deg_sh.at[pl.ds(row0, RPT)], p0_hbm.at[pl.ds(row0, RPT)])

    @pl.when(cid == 1)
    def _():
        pltpu.sync_copy(deg_sh.at[pl.ds(row0, RPT)], p1_hbm.at[pl.ds(row0, RPT)])


def _deg_call(dst):
    f = pl.kernel(
        _deg_body,
        out_type=(
            jax.ShapeDtypeStruct((N_PAD,), jnp.float32),
            jax.ShapeDtypeStruct((N_PAD,), jnp.float32),
        ),
        mesh=_sc_mesh(),
        scratch_types=[
            pltpu.VMEM((K,), jnp.float32),
            pltpu.VMEM((K,), jnp.int32),
            pltpu.VMEM((K,), jnp.float32),
            pltpu.VMEM_SHARED((N_PAD,), jnp.float32),
        ],
    )
    return f(dst)


def _agg_body(y_hbm, src_hbm, dst_hbm, p0_hbm, p1_hbm,
              src_v0, dst_v0, rows_v0, src_v1, dst_v1, rows_v1,
              acc_sh, sem0, sem1):
    cid = lax.axis_index("c")
    sid = lax.axis_index("s")
    wid = cid * NS + sid
    z16 = jnp.zeros((16,), jnp.float32)

    def zrow(i, carry):
        for l in range(D // 16):
            rows_v0[i, pl.ds(l * 16, 16)] = z16
        return carry

    lax.fori_loop(0, K, zrow, 0)
    for r in range(RPT // K):
        pltpu.sync_copy(rows_v0, acc_sh.at[pl.ds(sid * RPT + r * K, K)])
    plsc.subcore_barrier()

    total_chunks = src_hbm.shape[0] // K
    start, cnt = _chunk_range(wid, total_chunks)

    def load_idx(c, src_v, dst_v):
        off = (start + c) * K
        pltpu.sync_copy(src_hbm.at[pl.ds(off, K)], src_v)
        pltpu.sync_copy(dst_hbm.at[pl.ds(off, K)], dst_v)

    @pl.when(cnt > 0)
    def _():
        load_idx(0, src_v0, dst_v0)
        pltpu.async_copy(y_hbm.at[src_v0], rows_v0, sem0)

    def step(c, src_a, dst_a, rows_a, sem_a, src_b, dst_b, rows_b, sem_b):
        @pl.when(c + 1 < cnt)
        def _():
            load_idx(c + 1, src_b, dst_b)
            pltpu.async_copy(y_hbm.at[src_b], rows_b, sem_b)

        pltpu.make_async_copy(y_hbm.at[src_a], rows_a, sem_a).wait()
        pltpu.sync_copy(rows_a, acc_sh.at[dst_a], add=True)

    def pair_body(j, carry):
        c0 = 2 * j

        @pl.when(c0 < cnt)
        def _():
            step(c0, src_v0, dst_v0, rows_v0, sem0,
                 src_v1, dst_v1, rows_v1, sem1)

        @pl.when(c0 + 1 < cnt)
        def _():
            step(c0 + 1, src_v1, dst_v1, rows_v1, sem1,
                 src_v0, dst_v0, rows_v0, sem0)

        return carry

    lax.fori_loop(0, (cnt + 1) // 2, pair_body, 0)
    plsc.subcore_barrier()

    row0 = sid * RPT

    @pl.when(cid == 0)
    def _():
        pltpu.sync_copy(acc_sh.at[pl.ds(row0, RPT)], p0_hbm.at[pl.ds(row0, RPT)])

    @pl.when(cid == 1)
    def _():
        pltpu.sync_copy(acc_sh.at[pl.ds(row0, RPT)], p1_hbm.at[pl.ds(row0, RPT)])


def _agg_call(y, src, dst):
    f = pl.kernel(
        _agg_body,
        out_type=(
            jax.ShapeDtypeStruct((N_PAD, D), jnp.float32),
            jax.ShapeDtypeStruct((N_PAD, D), jnp.float32),
        ),
        mesh=_sc_mesh(),
        scratch_types=[
            pltpu.VMEM((K,), jnp.int32),
            pltpu.VMEM((K,), jnp.int32),
            pltpu.VMEM((K, D), jnp.float32),
            pltpu.VMEM((K,), jnp.int32),
            pltpu.VMEM((K,), jnp.int32),
            pltpu.VMEM((K, D), jnp.float32),
            pltpu.VMEM_SHARED((N_PAD, D), jnp.float32),
            pltpu.SemaphoreType.DMA,
            pltpu.SemaphoreType.DMA,
        ],
    )
    return f(y, src, dst)


def _dis_body(d0_ref, d1_ref, o_ref):
    o_ref[...] = lax.rsqrt(d0_ref[...] + d1_ref[...] + 1.0)


def _dis_call(d0, d1):
    return pl.pallas_call(
        _dis_body,
        out_shape=jax.ShapeDtypeStruct((N_PAD // D, D), jnp.float32),
    )(d0, d1)


def _lin_body(x_ref, w_ref, d_ref, o_ref):
    xw = jnp.dot(x_ref[...], w_ref[...], preferred_element_type=jnp.float32)
    o_ref[...] = xw * d_ref[...]


def _lin_call(xp, w, dis_col):
    return pl.pallas_call(
        _lin_body,
        grid=(10,),
        in_specs=[
            pl.BlockSpec((RB, D), lambda i: (i, 0)),
            pl.BlockSpec((D, D), lambda i: (0, 0)),
            pl.BlockSpec((RB, 1), lambda i: (i, 0)),
        ],
        out_specs=pl.BlockSpec((RB, D), lambda i: (i, 0)),
        out_shape=jax.ShapeDtypeStruct((10 * RB, D), jnp.float32),
    )(xp, w, dis_col)


def _mid_body(a0_ref, a1_ref, y_ref, d_ref, b_ref, w_ref, o_ref):
    h = d_ref[...] * (a0_ref[...] + a1_ref[...] + y_ref[...]) + b_ref[...]
    h = jnp.maximum(h, 0.0)
    o_ref[...] = d_ref[...] * jnp.dot(
        h, w_ref[...], preferred_element_type=jnp.float32
    )


def _mid_call(a0, a1, y1, dis_col, b1, w2):
    return pl.pallas_call(
        _mid_body,
        grid=(10,),
        in_specs=[
            pl.BlockSpec((RB, D), lambda i: (i, 0)),
            pl.BlockSpec((RB, D), lambda i: (i, 0)),
            pl.BlockSpec((RB, D), lambda i: (i, 0)),
            pl.BlockSpec((RB, 1), lambda i: (i, 0)),
            pl.BlockSpec((1, D), lambda i: (0, 0)),
            pl.BlockSpec((D, D), lambda i: (0, 0)),
        ],
        out_specs=pl.BlockSpec((RB, D), lambda i: (i, 0)),
        out_shape=jax.ShapeDtypeStruct((10 * RB, D), jnp.float32),
    )(a0, a1, y1, dis_col, b1, w2)


def _out_body(a0_ref, a1_ref, y_ref, d_ref, b_ref, o_ref):
    o_ref[...] = (
        d_ref[...] * (a0_ref[...] + a1_ref[...] + y_ref[...]) + b_ref[...]
    )


def _out_call(a0, a1, y2, dis_col, b2):
    return pl.pallas_call(
        _out_body,
        grid=(10,),
        in_specs=[
            pl.BlockSpec((RB, D), lambda i: (i, 0)),
            pl.BlockSpec((RB, D), lambda i: (i, 0)),
            pl.BlockSpec((RB, D), lambda i: (i, 0)),
            pl.BlockSpec((RB, 1), lambda i: (i, 0)),
            pl.BlockSpec((1, D), lambda i: (0, 0)),
        ],
        out_specs=pl.BlockSpec((RB, D), lambda i: (i, 0)),
        out_shape=jax.ShapeDtypeStruct((10 * RB, D), jnp.float32),
    )(a0, a1, y2, dis_col, b2)


def kernel(x, edge_index, W1, b1, W2, b2):
    n, d_in = x.shape
    src = edge_index[0].astype(jnp.int32)
    dst = edge_index[1].astype(jnp.int32)

    deg0, deg1 = _deg_call(dst)
    dis = _dis_call(deg0.reshape(N_PAD // D, D), deg1.reshape(N_PAD // D, D))
    dis_col = dis.reshape(N_PAD, 1)[:n]

    y1 = _lin_call(x, W1, dis_col)
    a0, a1 = _agg_call(y1, src, dst)
    y2 = _mid_call(a0, a1, y1, dis_col, b1.reshape(1, D), W2)
    o0, o1 = _agg_call(y2, src, dst)
    return _out_call(o0, o1, y2, dis_col, b2.reshape(1, D))

# --- scband reference (transcript-rebuilt; emitter-appended) ---
"""Pipeline reference for scband-gcn-15925738733667 (READ-ONLY COPY).

The authoritative reference and input builder live on the scoring server;
editing this copy changes nothing except your own understanding.
"""

import jax, jax.numpy as jnp
import numpy as np

N_NODES = 10000
N_EDGES = 320000
D_IN = 128
D_HID = 128
D_OUT = 128


def gcn_conv(x, edge_index, W, b, n_nodes):
    # PyG-style GCNConv: add self-loops, symmetric normalization, linear, aggregate, bias
    src = edge_index[0]
    dst = edge_index[1]
    loop = jnp.arange(n_nodes, dtype=src.dtype)
    src = jnp.concatenate([src, loop])
    dst = jnp.concatenate([dst, loop])
    # linear transform first (out_dim may be smaller)
    xw = x @ W
    # degree (with self-loops) computed on dst
    deg = jnp.zeros((n_nodes,), dtype=x.dtype).at[dst].add(1.0)
    deg_inv_sqrt = jnp.where(deg > 0, jax.lax.rsqrt(deg), 0.0)
    norm = deg_inv_sqrt[src] * deg_inv_sqrt[dst]
    msgs = jnp.take(xw, src, axis=0) * norm[:, None]
    out = jax.ops.segment_sum(msgs, dst, num_segments=n_nodes)
    return out + b


def setup_inputs(seed: int = 0) -> dict:
    key = jax.random.key(seed)
    k1, k2, k3, k4 = jax.random.split(key, 4)
    x = jax.random.normal(k1, (N_NODES, D_IN), dtype=jnp.float32)
    edge_index = jax.random.randint(k2, (2, N_EDGES), 0, N_NODES)
    W1 = jax.random.normal(k3, (D_IN, D_HID), dtype=jnp.float32) * 0.05
    b1 = jnp.zeros((D_HID,), dtype=jnp.float32)
    W2 = jax.random.normal(k4, (D_HID, D_OUT), dtype=jnp.float32) * 0.05
    b2 = jnp.zeros((D_OUT,), dtype=jnp.float32)
    return {"x": x, "edge_index": edge_index, "W1": W1, "b1": b1, "W2": W2, "b2": b2}


def reference(x, edge_index, W1, b1, W2, b2):
    # layer 1 + relu (dropout is identity in eval mode)
    h = gcn_conv(x, edge_index, W1, b1, N_NODES)
    h = jax.nn.relu(h)
    # layer 2 (last layer, no activation)
    out = gcn_conv(h, edge_index, W2, b2, N_NODES)
    return out

if __name__ == "__main__":
    import jax
    _d = setup_inputs()
    print(jax.jit(kernel)(*tuple(_d.values())))

</pallas_src>

<mosaic_0001>
#map = affine_map<(d0, d1) -> (0, 0)>
#map1 = affine_map<(d0, d1) -> (0)>
module attributes {stable_mosaic.version = 14 : i64} {
  func.func @_agg_body(%arg0: i32, %arg1: i32, %arg2: memref<10000x128xf32, #tpu.memory_space<hbm>>, %arg3: memref<320000xi32, #tpu.memory_space<hbm>>, %arg4: memref<320000xi32, #tpu.memory_space<hbm>>, %arg5: memref<10240x128xf32, #tpu.memory_space<hbm>>, %arg6: memref<10240x128xf32, #tpu.memory_space<hbm>>, %arg7: memref<128xi32, #tpu.memory_space<vmem>>, %arg8: memref<128xi32, #tpu.memory_space<vmem>>, %arg9: memref<128x128xf32, #tpu.memory_space<vmem>>, %arg10: memref<128xi32, #tpu.memory_space<vmem>>, %arg11: memref<128xi32, #tpu.memory_space<vmem>>, %arg12: memref<128x128xf32, #tpu.memory_space<vmem>>, %arg13: memref<10240x128xf32, #tpu.memory_space<vmem_shared>>, %arg14: memref<!tpu.dma_semaphore, #tpu.memory_space<semaphore_mem>>, %arg15: memref<!tpu.dma_semaphore, #tpu.memory_space<semaphore_mem>>) attributes {dimension_semantics = [#tpu.dimension_semantics<core_parallel>, #tpu.dimension_semantics<subcore_parallel>], iteration_bounds = array<i64: 2, 16>, scalar_prefetch = 0 : i64, scratch_operands = 9 : i64, tpu.core_type = #tpu.core_type<sc_vector_subcore>, window_params = [{transform_indices = #map}, {transform_indices = #map1}, {transform_indices = #map1}, {transform_indices = #map}, {transform_indices = #map}]} {
    %mul3A = arith.constant 16 : i32
    %mul3A_0 = arith.muli %arg0, %mul3A : i32
    %add3A = arith.addi %mul3A_0, %arg1 : i32
    %broadcast_in_dim3A = arith.constant 0.000000e+00 : f32
    %broadcast_in_dim3A_1 = vector.broadcast %broadcast_in_dim3A : f32 to vector<16xf32>
    %scan3A = arith.constant 0 : i32
    %scan3A_2 = arith.constant 0 : i32
    %scan3A_3 = arith.constant 128 : i32
    %scan3A_4 = arith.addi %scan3A_2, %scan3A_3 : i32
    %scan3A_5 = arith.constant 1 : i32
    scf.for %scan3A_76 = %scan3A_2 to %scan3A_4 step %scan3A_5  : i32 {
      %swap3A = arith.index_cast %scan3A_76 : i32 to index
      %swap3A_77 = arith.constant 0 : index
      %swap3A_78 = tpu.vector_load %arg9[%swap3A, %swap3A_77] {strides = array<i32>} : memref<128x128xf32, #tpu.memory_space<vmem>>, vector<1x16xf32>,
      %swap3A_79 = vector.shape_cast %swap3A_78 : vector<1x16xf32> to vector<16xf32>
      %swap3A_80 = vector.shape_cast %broadcast_in_dim3A_1 : vector<16xf32> to vector<1x16xf32>
      tpu.vector_store %arg9[%swap3A, %swap3A_77], %swap3A_80 {strides = array<i32>} : memref<128x128xf32, #tpu.memory_space<vmem>>, vector<1x16xf32>,
      %swap3A_81 = arith.index_cast %scan3A_76 : i32 to index
      %swap3A_82 = arith.constant 16 : index
      %swap3A_83 = tpu.vector_load %arg9[%swap3A_81, %swap3A_82] {strides = array<i32>} : memref<128x128xf32, #tpu.memory_space<vmem>>, vector<1x16xf32>,
      %swap3A_84 = vector.shape_cast %swap3A_83 : vector<1x16xf32> to vector<16xf32>
      %swap3A_85 = vector.shape_cast %broadcast_in_dim3A_1 : vector<16xf32> to vector<1x16xf32>
      tpu.vector_store %arg9[%swap3A_81, %swap3A_82], %swap3A_85 {strides = array<i32>} : memref<128x128xf32, #tpu.memory_space<vmem>>, vector<1x16xf32>,
      %swap3A_86 = arith.index_cast %scan3A_76 : i32 to index
      %swap3A_87 = arith.constant 32 : index
      %swap3A_88 = tpu.vector_load %arg9[%swap3A_86, %swap3A_87] {strides = array<i32>} : memref<128x128xf32, #tpu.memory_space<vmem>>, vector<1x16xf32>,
      %swap3A_89 = vector.shape_cast %swap3A_88 : vector<1x16xf32> to vector<16xf32>
      %swap3A_90 = vector.shape_cast %broadcast_in_dim3A_1 : vector<16xf32> to vector<1x16xf32>
      tpu.vector_store %arg9[%swap3A_86, %swap3A_87], %swap3A_90 {strides = array<i32>} : memref<128x128xf32, #tpu.memory_space<vmem>>, vector<1x16xf32>,
      %swap3A_91 = arith.index_cast %scan3A_76 : i32 to index
      %swap3A_92 = arith.constant 48 : index
      %swap3A_93 = tpu.vector_load %arg9[%swap3A_91, %swap3A_92] {strides = array<i32>} : memref<128x128xf32, #tpu.memory_space<vmem>>, vector<1x16xf32>,
      %swap3A_94 = vector.shape_cast %swap3A_93 : vector<1x16xf32> to vector<16xf32>
      %swap3A_95 = vector.shape_cast %broadcast_in_dim3A_1 : vector<16xf32> to vector<1x16xf32>
      tpu.vector_store %arg9[%swap3A_91, %swap3A_92], %swap3A_95 {strides = array<i32>} : memref<128x128xf32, #tpu.memory_space<vmem>>, vector<1x16xf32>,
      %swap3A_96 = arith.index_cast %scan3A_76 : i32 to index
      %swap3A_97 = arith.constant 64 : index
      %swap3A_98 = tpu.vector_load %arg9[%swap3A_96, %swap3A_97] {strides = array<i32>} : memref<128x128xf32, #tpu.memory_space<vmem>>, vector<1x16xf32>,
      %swap3A_99 = vector.shape_cast %swap3A_98 : vector<1x16xf32> to vector<16xf32>
      %swap3A_100 = vector.shape_cast %broadcast_in_dim3A_1 : vector<16xf32> to vector<1x16xf32>
      tpu.vector_store %arg9[%swap3A_96, %swap3A_97], %swap3A_100 {strides = array<i32>} : memref<128x128xf32, #tpu.memory_space<vmem>>, vector<1x16xf32>,
      %swap3A_101 = arith.index_cast %scan3A_76 : i32 to index
      %swap3A_102 = arith.constant 80 : index
      %swap3A_103 = tpu.vector_load %arg9[%swap3A_101, %swap3A_102] {strides = array<i32>} : memref<128x128xf32, #tpu.memory_space<vmem>>, vector<1x16xf32>,
      %swap3A_104 = vector.shape_cast %swap3A_103 : vector<1x16xf32> to vector<16xf32>
      %swap3A_105 = vector.shape_cast %broadcast_in_dim3A_1 : vector<16xf32> to vector<1x16xf32>
      tpu.vector_store %arg9[%swap3A_101, %swap3A_102], %swap3A_105 {strides = array<i32>} : memref<128x128xf32, #tpu.memory_space<vmem>>, vector<1x16xf32>,
      %swap3A_106 = arith.index_cast %scan3A_76 : i32 to index
      %swap3A_107 = arith.constant 96 : index
      %swap3A_108 = tpu.vector_load %arg9[%swap3A_106, %swap3A_107] {strides = array<i32>} : memref<128x128xf32, #tpu.memory_space<vmem>>, vector<1x16xf32>,
      %swap3A_109 = vector.shape_cast %swap3A_108 : vector<1x16xf32> to vector<16xf32>
      %swap3A_110 = vector.shape_cast %broadcast_in_dim3A_1 : vector<16xf32> to vector<1x16xf32>
      tpu.vector_store %arg9[%swap3A_106, %swap3A_107], %swap3A_110 {strides = array<i32>} : memref<128x128xf32, #tpu.memory_space<vmem>>, vector<1x16xf32>,
      %swap3A_111 = arith.index_cast %scan3A_76 : i32 to index
      %swap3A_112 = arith.constant 112 : index
      %swap3A_113 = tpu.vector_load %arg9[%swap3A_111, %swap3A_112] {strides = array<i32>} : memref<128x128xf32, #tpu.memory_space<vmem>>, vector<1x16xf32>,
      %swap3A_114 = vector.shape_cast %swap3A_113 : vector<1x16xf32> to vector<16xf32>
      %swap3A_115 = vector.shape_cast %broadcast_in_dim3A_1 : vector<16xf32> to vector<1x16xf32>
      tpu.vector_store %arg9[%swap3A_111, %swap3A_112], %swap3A_115 {strides = array<i32>} : memref<128x128xf32, #tpu.memory_space<vmem>>, vector<1x16xf32>,
    }
    %scan3A_6 = arith.constant 128 : i32
    %mul3A_7 = arith.constant 640 : i32
    %mul3A_8 = arith.muli %arg1, %mul3A_7 : i32
    %add3A_9 = arith.constant 0 : i32
    %add3A_10 = arith.addi %mul3A_8, %add3A_9 : i32
    "tpu.region"() ({
      %run_scoped3A = tpu.sem_alloc : memref<!tpu.dma_semaphore, #tpu.memory_space<semaphore_mem>>
      %dma_start3A = arith.constant 0 : i32
      %dma_start3A_76 = tpu.memref_slice %arg13[%add3A_10, %dma_start3A] : memref<10240x128xf32, #tpu.memory_space<vmem_shared>> -> memref<128x128xf32, #tpu.memory_space<vmem_shared>>
      %dma_start3A_77 = arith.constant 0 : i32
      %dma_start3A_78 = tpu.memref_slice %arg13[%add3A_10, %dma_start3A_77] : memref<10240x128xf32, #tpu.memory_space<vmem_shared>> -> memref<128x128xf32, #tpu.memory_space<vmem_shared>>
      tpu.enqueue_dma source(%arg9 : memref<128x128xf32, #tpu.memory_space<vmem>>) target(%dma_start3A_78 : memref<128x128xf32, #tpu.memory_space<vmem_shared>>) target_semaphore(%run_scoped3A : memref<!tpu.dma_semaphore, #tpu.memory_space<semaphore_mem>>)
      %dma_wait3A = arith.constant 0 : i32
      %dma_wait3A_79 = tpu.memref_slice %arg13[%add3A_10, %dma_wait3A] : memref<10240x128xf32, #tpu.memory_space<vmem_shared>> -> memref<128x128xf32, #tpu.memory_space<vmem_shared>>
      %dma_wait3A_80 = arith.constant 0 : i32
      %dma_wait3A_81 = tpu.memref_slice %arg13[%add3A_10, %dma_wait3A_80] : memref<10240x128xf32, #tpu.memory_space<vmem_shared>> -> memref<128x128xf32, #tpu.memory_space<vmem_shared>>
      tpu.wait_dma2 semaphore(%run_scoped3A : memref<!tpu.dma_semaphore, #tpu.memory_space<semaphore_mem>>) src(%arg9 : memref<128x128xf32, #tpu.memory_space<vmem>>) dst(%dma_wait3A_81 : memref<128x128xf32, #tpu.memory_space<vmem_shared>>)
      tpu.yield
    }) : () -> ()
    %mul3A_11 = arith.constant 640 : i32
    %mul3A_12 = arith.muli %arg1, %mul3A_11 : i32
    %add3A_13 = arith.constant 128 : i32
    %add3A_14 = arith.addi %mul3A_12, %add3A_13 : i32
    "tpu.region"() ({
      %run_scoped3A = tpu.sem_alloc : memref<!tpu.dma_semaphore, #tpu.memory_space<semaphore_mem>>
      %dma_start3A = arith.constant 0 : i32
      %dma_start3A_76 = tpu.memref_slice %arg13[%add3A_14, %dma_start3A] : memref<10240x128xf32, #tpu.memory_space<vmem_shared>> -> memref<128x128xf32, #tpu.memory_space<vmem_shared>>
      %dma_start3A_77 = arith.constant 0 : i32
      %dma_start3A_78 = tpu.memref_slice %arg13[%add3A_14, %dma_start3A_77] : memref<10240x128xf32, #tpu.memory_space<vmem_shared>> -> memref<128x128xf32, #tpu.memory_space<vmem_shared>>
      tpu.enqueue_dma source(%arg9 : memref<128x128xf32, #tpu.memory_space<vmem>>) target(%dma_start3A_78 : memref<128x128xf32, #tpu.memory_space<vmem_shared>>) target_semaphore(%run_scoped3A : memref<!tpu.dma_semaphore, #tpu.memory_space<semaphore_mem>>)
      %dma_wait3A = arith.constant 0 : i32
      %dma_wait3A_79 = tpu.memref_slice %arg13[%add3A_14, %dma_wait3A] : memref<10240x128xf32, #tpu.memory_space<vmem_shared>> -> memref<128x128xf32, #tpu.memory_space<vmem_shared>>
      %dma_wait3A_80 = arith.constant 0 : i32
      %dma_wait3A_81 = tpu.memref_slice %arg13[%add3A_14, %dma_wait3A_80] : memref<10240x128xf32, #tpu.memory_space<vmem_shared>> -> memref<128x128xf32, #tpu.memory_space<vmem_shared>>
      tpu.wait_dma2 semaphore(%run_scoped3A : memref<!tpu.dma_semaphore, #tpu.memory_space<semaphore_mem>>) src(%arg9 : memref<128x128xf32, #tpu.memory_space<vmem>>) dst(%dma_wait3A_81 : memref<128x128xf32, #tpu.memory_space<vmem_shared>>)
      tpu.yield
    }) : () -> ()
    %mul3A_15 = arith.constant 640 : i32
    %mul3A_16 = arith.muli %arg1, %mul3A_15 : i32
    %add3A_17 = arith.constant 256 : i32
    %add3A_18 = arith.addi %mul3A_16, %add3A_17 : i32
    "tpu.region"() ({
      %run_scoped3A = tpu.sem_alloc : memref<!tpu.dma_semaphore, #tpu.memory_space<semaphore_mem>>
      %dma_start3A = arith.constant 0 : i32
      %dma_start3A_76 = tpu.memref_slice %arg13[%add3A_18, %dma_start3A] : memref<10240x128xf32, #tpu.memory_space<vmem_shared>> -> memref<128x128xf32, #tpu.memory_space<vmem_shared>>
      %dma_start3A_77 = arith.constant 0 : i32
      %dma_start3A_78 = tpu.memref_slice %arg13[%add3A_18, %dma_start3A_77] : memref<10240x128xf32, #tpu.memory_space<vmem_shared>> -> memref<128x128xf32, #tpu.memory_space<vmem_shared>>
      tpu.enqueue_dma source(%arg9 : memref<128x128xf32, #tpu.memory_space<vmem>>) target(%dma_start3A_78 : memref<128x128xf32, #tpu.memory_space<vmem_shared>>) target_semaphore(%run_scoped3A : memref<!tpu.dma_semaphore, #tpu.memory_space<semaphore_mem>>)
      %dma_wait3A = arith.constant 0 : i32
      %dma_wait3A_79 = tpu.memref_slice %arg13[%add3A_18, %dma_wait3A] : memref<10240x128xf32, #tpu.memory_space<vmem_shared>> -> memref<128x128xf32, #tpu.memory_space<vmem_shared>>
      %dma_wait3A_80 = arith.constant 0 : i32
      %dma_wait3A_81 = tpu.memref_slice %arg13[%add3A_18, %dma_wait3A_80] : memref<10240x128xf32, #tpu.memory_space<vmem_shared>> -> memref<128x128xf32, #tpu.memory_space<vmem_shared>>
      tpu.wait_dma2 semaphore(%run_scoped3A : memref<!tpu.dma_semaphore, #tpu.memory_space<semaphore_mem>>) src(%arg9 : memref<128x128xf32, #tpu.memory_space<vmem>>) dst(%dma_wait3A_81 : memref<128x128xf32, #tpu.memory_space<vmem_shared>>)
      tpu.yield
    }) : () -> ()
    %mul3A_19 = arith.constant 640 : i32
    %mul3A_20 = arith.muli %arg1, %mul3A_19 : i32
    %add3A_21 = arith.constant 384 : i32
    %add3A_22 = arith.addi %mul3A_20, %add3A_21 : i32
    "tpu.region"() ({
      %run_scoped3A = tpu.sem_alloc : memref<!tpu.dma_semaphore, #tpu.memory_space<semaphore_mem>>
      %dma_start3A = arith.constant 0 : i32
      %dma_start3A_76 = tpu.memref_slice %arg13[%add3A_22, %dma_start3A] : memref<10240x128xf32, #tpu.memory_space<vmem_shared>> -> memref<128x128xf32, #tpu.memory_space<vmem_shared>>
      %dma_start3A_77 = arith.constant 0 : i32
      %dma_start3A_78 = tpu.memref_slice %arg13[%add3A_22, %dma_start3A_77] : memref<10240x128xf32, #tpu.memory_space<vmem_shared>> -> memref<128x128xf32, #tpu.memory_space<vmem_shared>>
      tpu.enqueue_dma source(%arg9 : memref<128x128xf32, #tpu.memory_space<vmem>>) target(%dma_start3A_78 : memref<128x128xf32, #tpu.memory_space<vmem_shared>>) target_semaphore(%run_scoped3A : memref<!tpu.dma_semaphore, #tpu.memory_space<semaphore_mem>>)
      %dma_wait3A = arith.constant 0 : i32
      %dma_wait3A_79 = tpu.memref_slice %arg13[%add3A_22, %dma_wait3A] : memref<10240x128xf32, #tpu.memory_space<vmem_shared>> -> memref<128x128xf32, #tpu.memory_space<vmem_shared>>
      %dma_wait3A_80 = arith.constant 0 : i32
      %dma_wait3A_81 = tpu.memref_slice %arg13[%add3A_22, %dma_wait3A_80] : memref<10240x128xf32, #tpu.memory_space<vmem_shared>> -> memref<128x128xf32, #tpu.memory_space<vmem_shared>>
      tpu.wait_dma2 semaphore(%run_scoped3A : memref<!tpu.dma_semaphore, #tpu.memory_space<semaphore_mem>>) src(%arg9 : memref<128x128xf32, #tpu.memory_space<vmem>>) dst(%dma_wait3A_81 : memref<128x128xf32, #tpu.memory_space<vmem_shared>>)
      tpu.yield
    }) : () -> ()
    %mul3A_23 = arith.constant 640 : i32
    %mul3A_24 = arith.muli %arg1, %mul3A_23 : i32
    %add3A_25 = arith.constant 512 : i32
    %add3A_26 = arith.addi %mul3A_24, %add3A_25 : i32
    "tpu.region"() ({
      %run_scoped3A = tpu.sem_alloc : memref<!tpu.dma_semaphore, #tpu.memory_space<semaphore_mem>>
      %dma_start3A = arith.constant 0 : i32
      %dma_start3A_76 = tpu.memref_slice %arg13[%add3A_26, %dma_start3A] : memref<10240x128xf32, #tpu.memory_space<vmem_shared>> -> memref<128x128xf32, #tpu.memory_space<vmem_shared>>
      %dma_start3A_77 = arith.constant 0 : i32
      %dma_start3A_78 = tpu.memref_slice %arg13[%add3A_26, %dma_start3A_77] : memref<10240x128xf32, #tpu.memory_space<vmem_shared>> -> memref<128x128xf32, #tpu.memory_space<vmem_shared>>
      tpu.enqueue_dma source(%arg9 : memref<128x128xf32, #tpu.memory_space<vmem>>) target(%dma_start3A_78 : memref<128x128xf32, #tpu.memory_space<vmem_shared>>) target_semaphore(%run_scoped3A : memref<!tpu.dma_semaphore, #tpu.memory_space<semaphore_mem>>)
      %dma_wait3A = arith.constant 0 : i32
      %dma_wait3A_79 = tpu.memref_slice %arg13[%add3A_26, %dma_wait3A] : memref<10240x128xf32, #tpu.memory_space<vmem_shared>> -> memref<128x128xf32, #tpu.memory_space<vmem_shared>>
      %dma_wait3A_80 = arith.constant 0 : i32
      %dma_wait3A_81 = tpu.memref_slice %arg13[%add3A_26, %dma_wait3A_80] : memref<10240x128xf32, #tpu.memory_space<vmem_shared>> -> memref<128x128xf32, #tpu.memory_space<vmem_shared>>
      tpu.wait_dma2 semaphore(%run_scoped3A : memref<!tpu.dma_semaphore, #tpu.memory_space<semaphore_mem>>) src(%arg9 : memref<128x128xf32, #tpu.memory_space<vmem>>) dst(%dma_wait3A_81 : memref<128x128xf32, #tpu.memory_space<vmem_shared>>)
      tpu.yield
    }) : () -> ()
    %barrier3A = arith.constant 0 : index
    tpu.barrier barrier_id(%barrier3A)
    %mul3A_27 = arith.constant 78 : i32
    %mul3A_28 = arith.muli %add3A, %mul3A_27 : i32
    %min3A = arith.constant 4 : i32
    %min3A_29 = arith.minsi %add3A, %min3A : i32
    %add3A_30 = arith.addi %mul3A_28, %min3A_29 : i32
    %lt3A = arith.constant 4 : i32
    %lt3A_31 = arith.cmpi slt, %add3A, %lt3A : i32
    %convert_element_type3A = arith.extui %lt3A_31 : i1 to i32
    %add3A_32 = arith.constant 78 : i32
    %add3A_33 = arith.addi %add3A_32, %convert_element_type3A : i32
    %gt3A = arith.constant 0 : i32
    %gt3A_34 = arith.cmpi sgt, %add3A_33, %gt3A : i32
    %convert_element_type3A_35 = arith.extui %gt3A_34 : i1 to i32
    %cond3A = arith.constant 0 : i32
    %cond3A_36 = arith.cmpi ne, %convert_element_type3A_35, %cond3A : i32
    scf.if %cond3A_36 {
      %add3A_76 = arith.constant 0 : i32
      %add3A_77 = arith.addi %add3A_30, %add3A_76 : i32
      %mul3A_78 = arith.constant 128 : i32
      %mul3A_79 = arith.muli %add3A_77, %mul3A_78 : i32
      "tpu.region"() ({
        %run_scoped3A = tpu.sem_alloc : memref<!tpu.dma_semaphore, #tpu.memory_space<semaphore_mem>>
        %dma_start3A_82 = tpu.memref_slice %arg3[%mul3A_79] : memref<320000xi32, #tpu.memory_space<hbm>> -> memref<128xi32, #tpu.memory_space<hbm>>
        %dma_start3A_83 = tpu.memref_slice %arg3[%mul3A_79] : memref<320000xi32, #tpu.memory_space<hbm>> -> memref<128xi32, #tpu.memory_space<hbm>>
        tpu.enqueue_dma source(%dma_start3A_83 : memref<128xi32, #tpu.memory_space<hbm>>) target(%arg7 : memref<128xi32, #tpu.memory_space<vmem>>) target_semaphore(%run_scoped3A : memref<!tpu.dma_semaphore, #tpu.memory_space<semaphore_mem>>)
        %dma_wait3A = tpu.memref_slice %arg3[%mul3A_79] : memref<320000xi32, #tpu.memory_space<hbm>> -> memref<128xi32, #tpu.memory_space<hbm>>
        %dma_wait3A_84 = tpu.memref_slice %arg3[%mul3A_79] : memref<320000xi32, #tpu.memory_space<hbm>> -> memref<128xi32, #tpu.memory_space<hbm>>
        tpu.wait_dma2 semaphore(%run_scoped3A : memref<!tpu.dma_semaphore, #tpu.memory_space<semaphore_mem>>) src(%dma_wait3A_84 : memref<128xi32, #tpu.memory_space<hbm>>) dst(%arg7 : memref<128xi32, #tpu.memory_space<vmem>>)
        tpu.yield
      }) : () -> ()
      "tpu.region"() ({
        %run_scoped3A = tpu.sem_alloc : memref<!tpu.dma_semaphore, #tpu.memory_space<semaphore_mem>>
        %dma_start3A_82 = tpu.memref_slice %arg4[%mul3A_79] : memref<320000xi32, #tpu.memory_space<hbm>> -> memref<128xi32, #tpu.memory_space<hbm>>
        %dma_start3A_83 = tpu.memref_slice %arg4[%mul3A_79] : memref<320000xi32, #tpu.memory_space<hbm>> -> memref<128xi32, #tpu.memory_space<hbm>>
        tpu.enqueue_dma source(%dma_start3A_83 : memref<128xi32, #tpu.memory_space<hbm>>) target(%arg8 : memref<128xi32, #tpu.memory_space<vmem>>) target_semaphore(%run_scoped3A : memref<!tpu.dma_semaphore, #tpu.memory_space<semaphore_mem>>)
        %dma_wait3A = tpu.memref_slice %arg4[%mul3A_79] : memref<320000xi32, #tpu.memory_space<hbm>> -> memref<128xi32, #tpu.memory_space<hbm>>
        %dma_wait3A_84 = tpu.memref_slice %arg4[%mul3A_79] : memref<320000xi32, #tpu.memory_space<hbm>> -> memref<128xi32, #tpu.memory_space<hbm>>
        tpu.wait_dma2 semaphore(%run_scoped3A : memref<!tpu.dma_semaphore, #tpu.memory_space<semaphore_mem>>) src(%dma_wait3A_84 : memref<128xi32, #tpu.memory_space<hbm>>) dst(%arg8 : memref<128xi32, #tpu.memory_space<vmem>>)
        tpu.yield
      }) : () -> ()
      %dma_start3A = arith.constant 0 : i32
      %dma_start3A_80 = arith.constant 0 : i32
      %dma_start3A_81 = tpu.memref_slice %arg2[%dma_start3A, %dma_start3A_80] : memref<10000x128xf32, #tpu.memory_space<hbm>> -> memref<10000x128xf32, #tpu.memory_space<hbm>>
      tpu.enqueue_indirect_dma source(%dma_start3A_81 : memref<10000x128xf32, #tpu.memory_space<hbm>>) target(%arg9 : memref<128x128xf32, #tpu.memory_space<vmem>>) offsets(%arg7 : memref<128xi32, #tpu.memory_space<vmem>>) semaphore(%arg14 : memref<!tpu.dma_semaphore, #tpu.memory_space<semaphore_mem>>)
    } else {
    }
    %add3A_37 = arith.constant 1 : i32
    %add3A_38 = arith.addi %add3A_33, %add3A_37 : i32
    %jit3A = arith.constant 2 : i32
    %div3A = arith.divsi %add3A_38, %jit3A : i32
    %sign3A = arith.constant 0 : i32
    %sign3A_39 = arith.cmpi sgt, %add3A_38, %sign3A : i32
    %sign3A_40 = arith.extui %sign3A_39 : i1 to i32
    %sign3A_41 = arith.constant 0 : i32
    %sign3A_42 = arith.cmpi slt, %add3A_38, %sign3A_41 : i32
    %sign3A_43 = arith.extui %sign3A_42 : i1 to i32
    %sign3A_44 = arith.subi %sign3A_40, %sign3A_43 : i32
    %sign3A_45 = arith.constant 0 : i32
    %sign3A_46 = arith.cmpi sgt, %jit3A, %sign3A_45 : i32
    %sign3A_47 = arith.extui %sign3A_46 : i1 to i32
    %sign3A_48 = arith.constant 0 : i32
    %sign3A_49 = arith.cmpi slt, %jit3A, %sign3A_48 : i32
    %sign3A_50 = arith.extui %sign3A_49 : i1 to i32
    %sign3A_51 = arith.subi %sign3A_47, %sign3A_50 : i32
    %ne3A = arith.cmpi ne, %sign3A_44, %sign3A_51 : i32
    %rem3A = arith.remsi %add3A_38, %jit3A : i32
    %ne3A_52 = arith.constant 0 : i32
    %ne3A_53 = arith.cmpi ne, %rem3A, %ne3A_52 : i32
    %and3A = arith.andi %ne3A, %ne3A_53 : i1
    %sub3A = arith.constant 1 : i32
    %sub3A_54 = arith.subi %div3A, %sub3A : i32
    %select_n3A = arith.select %and3A, %sub3A_54, %div3A : i32
    %while3A = arith.constant 0 : i32
    %while3A_55 = arith.constant 0 : i32
    %while3A_56 = arith.subi %select_n3A, %while3A_55 : i32
    %while3A_57 = arith.addi %while3A_55, %while3A_56 : i32
    %while3A_58 = arith.constant 1 : i32
    %while3A_59 = arith.divsi %while3A_56, %while3A_58 : i32
    %while3A_60 = arith.muli %while3A_59, %while3A_58 : i32
    %while3A_61 = arith.addi %while3A_55, %while3A_60 : i32
    %while3A_62 = arith.constant 1 : i32
    scf.for %while3A_76 = %while3A_55 to %while3A_61 step %while3A_62  : i32 {
      %mul3A_77 = arith.constant 2 : i32
      %mul3A_78 = arith.muli %mul3A_77, %while3A_76 : i32
      %lt3A_79 = arith.cmpi slt, %mul3A_78, %add3A_33 : i32
      %convert_element_type3A_80 = arith.extui %lt3A_79 : i1 to i32
      %cond3A_81 = arith.constant 0 : i32
      %cond3A_82 = arith.cmpi ne, %convert_element_type3A_80, %cond3A_81 : i32
      scf.if %cond3A_82 {
        %add3A_89 = arith.constant 1 : i32
        %add3A_90 = arith.addi %mul3A_78, %add3A_89 : i32
        %lt3A_91 = arith.cmpi slt, %add3A_90, %add3A_33 : i32
        %convert_element_type3A_92 = arith.extui %lt3A_91 : i1 to i32
        %cond3A_93 = arith.constant 0 : i32
        %cond3A_94 = arith.cmpi ne, %convert_element_type3A_92, %cond3A_93 : i32
        scf.if %cond3A_94 {
          %add3A_97 = arith.constant 1 : i32
          %add3A_98 = arith.addi %mul3A_78, %add3A_97 : i32
          %add3A_99 = arith.addi %add3A_30, %add3A_98 : i32
          %mul3A_100 = arith.constant 128 : i32
          %mul3A_101 = arith.muli %add3A_99, %mul3A_100 : i32
          "tpu.region"() ({
            %run_scoped3A = tpu.sem_alloc : memref<!tpu.dma_semaphore, #tpu.memory_space<semaphore_mem>>
            %dma_start3A_104 = tpu.memref_slice %arg3[%mul3A_101] : memref<320000xi32, #tpu.memory_space<hbm>> -> memref<128xi32, #tpu.memory_space<hbm>>
            %dma_start3A_105 = tpu.memref_slice %arg3[%mul3A_101] : memref<320000xi32, #tpu.memory_space<hbm>> -> memref<128xi32, #tpu.memory_space<hbm>>
            tpu.enqueue_dma source(%dma_start3A_105 : memref<128xi32, #tpu.memory_space<hbm>>) target(%arg10 : memref<128xi32, #tpu.memory_space<vmem>>) target_semaphore(%run_scoped3A : memref<!tpu.dma_semaphore, #tpu.memory_space<semaphore_mem>>)
            %dma_wait3A_106 = tpu.memref_slice %arg3[%mul3A_101] : memref<320000xi32, #tpu.memory_space<hbm>> -> memref<128xi32, #tpu.memory_space<hbm>>
            %dma_wait3A_107 = tpu.memref_slice %arg3[%mul3A_101] : memref<320000xi32, #tpu.memory_space<hbm>> -> memref<128xi32, #tpu.memory_space<hbm>>
            tpu.wait_dma2 semaphore(%run_scoped3A : memref<!tpu.dma_semaphore, #tpu.memory_space<semaphore_mem>>) src(%dma_wait3A_107 : memref<128xi32, #tpu.memory_space<hbm>>) dst(%arg10 : memref<128xi32, #tpu.memory_space<vmem>>)
            tpu.yield
          }) : () -> ()
          "tpu.region"() ({
            %run_scoped3A = tpu.sem_alloc : memref<!tpu.dma_semaphore, #tpu.memory_space<semaphore_mem>>
            %dma_start3A_104 = tpu.memref_slice %arg4[%mul3A_101] : memref<320000xi32, #tpu.memory_space<hbm>> -> memref<128xi32, #tpu.memory_space<hbm>>
            %dma_start3A_105 = tpu.memref_slice %arg4[%mul3A_101] : memref<320000xi32, #tpu.memory_space<hbm>> -> memref<128xi32, #tpu.memory_space<hbm>>
            tpu.enqueue_dma source(%dma_start3A_105 : memref<128xi32, #tpu.memory_space<hbm>>) target(%arg11 : memref<128xi32, #tpu.memory_space<vmem>>) target_semaphore(%run_scoped3A : memref<!tpu.dma_semaphore, #tpu.memory_space<semaphore_mem>>)
            %dma_wait3A_106 = tpu.memref_slice %arg4[%mul3A_101] : memref<320000xi32, #tpu.memory_space<hbm>> -> memref<128xi32, #tpu.memory_space<hbm>>
            %dma_wait3A_107 = tpu.memref_slice %arg4[%mul3A_101] : memref<320000xi32, #tpu.memory_space<hbm>> -> memref<128xi32, #tpu.memory_space<hbm>>
            tpu.wait_dma2 semaphore(%run_scoped3A : memref<!tpu.dma_semaphore, #tpu.memory_space<semaphore_mem>>) src(%dma_wait3A_107 : memref<128xi32, #tpu.memory_space<hbm>>) dst(%arg11 : memref<128xi32, #tpu.memory_space<vmem>>)
            tpu.yield
          }) : () -> ()
          %dma_start3A = arith.constant 0 : i32
          %dma_start3A_102 = arith.constant 0 : i32
          %dma_start3A_103 = tpu.memref_slice %arg2[%dma_start3A, %dma_start3A_102] : memref<10000x128xf32, #tpu.memory_space<hbm>> -> memref<10000x128xf32, #tpu.memory_space<hbm>>
          tpu.enqueue_indirect_dma source(%dma_start3A_103 : memref<10000x128xf32, #tpu.memory_space<hbm>>) target(%arg12 : memref<128x128xf32, #tpu.memory_space<vmem>>) offsets(%arg10 : memref<128xi32, #tpu.memory_space<vmem>>) semaphore(%arg15 : memref<!tpu.dma_semaphore, #tpu.memory_space<semaphore_mem>>)
        } else {
        }
        %dma_wait3A = arith.constant 0 : i32
        %dma_wait3A_95 = arith.constant 0 : i32
        %dma_wait3A_96 = tpu.memref_slice %arg2[%dma_wait3A, %dma_wait3A_95] : memref<10000x128xf32, #tpu.memory_space<hbm>> -> memref<10000x128xf32, #tpu.memory_space<hbm>>
        tpu.wait_indirect_dma semaphore(%arg14 : memref<!tpu.dma_semaphore, #tpu.memory_space<semaphore_mem>>) src(%dma_wait3A_96 : memref<10000x128xf32, #tpu.memory_space<hbm>>) dst(%arg9 : memref<128x128xf32, #tpu.memory_space<vmem>>)
        "tpu.region"() ({
          %run_scoped3A = tpu.sem_alloc : memref<!tpu.dma_semaphore, #tpu.memory_space<semaphore_mem>>
          %dma_start3A = arith.constant 0 : i32
          %dma_start3A_97 = arith.constant 0 : i32
          %dma_start3A_98 = tpu.memref_slice %arg13[%dma_start3A, %dma_start3A_97] : memref<10240x128xf32, #tpu.memory_space<vmem_shared>> -> memref<10240x128xf32, #tpu.memory_space<vmem_shared>>
          tpu.enqueue_indirect_dma source(%arg9 : memref<128x128xf32, #tpu.memory_space<vmem>>) target(%dma_start3A_98 : memref<10240x128xf32, #tpu.memory_space<vmem_shared>>) offsets(%arg8 : memref<128xi32, #tpu.memory_space<vmem>>) semaphore(%run_scoped3A : memref<!tpu.dma_semaphore, #tpu.memory_space<semaphore_mem>>) {add = true}
          %dma_wait3A_99 = arith.constant 0 : i32
          %dma_wait3A_100 = arith.constant 0 : i32
          %dma_wait3A_101 = tpu.memref_slice %arg13[%dma_wait3A_99, %dma_wait3A_100] : memref<10240x128xf32, #tpu.memory_space<vmem_shared>> -> memref<10240x128xf32, #tpu.memory_space<vmem_shared>>
          tpu.wait_indirect_dma semaphore(%run_scoped3A : memref<!tpu.dma_semaphore, #tpu.memory_space<semaphore_mem>>) src(%arg9 : memref<128x128xf32, #tpu.memory_space<vmem>>) dst(%dma_wait3A_101 : memref<10240x128xf32, #tpu.memory_space<vmem_shared>>)
          tpu.yield
        }) : () -> ()
      } else {
      }
      %add3A_83 = arith.constant 1 : i32
      %add3A_84 = arith.addi %mul3A_78, %add3A_83 : i32
      %lt3A_85 = arith.cmpi slt, %add3A_84, %add3A_33 : i32
      %convert_element_type3A_86 = arith.extui %lt3A_85 : i1 to i32
      %cond3A_87 = arith.constant 0 : i32
      %cond3A_88 = arith.cmpi ne, %convert_element_type3A_86, %cond3A_87 : i32
      scf.if %cond3A_88 {
        %add3A_89 = arith.constant 1 : i32
        %add3A_90 = arith.addi %mul3A_78, %add3A_89 : i32
        %add3A_91 = arith.constant 1 : i32
        %add3A_92 = arith.addi %add3A_90, %add3A_91 : i32
        %lt3A_93 = arith.cmpi slt, %add3A_92, %add3A_33 : i32
        %convert_element_type3A_94 = arith.extui %lt3A_93 : i1 to i32
        %cond3A_95 = arith.constant 0 : i32
        %cond3A_96 = arith.cmpi ne, %convert_element_type3A_94, %cond3A_95 : i32
        scf.if %cond3A_96 {
          %add3A_99 = arith.constant 1 : i32
          %add3A_100 = arith.addi %add3A_90, %add3A_99 : i32
          %add3A_101 = arith.addi %add3A_30, %add3A_100 : i32
          %mul3A_102 = arith.constant 128 : i32
          %mul3A_103 = arith.muli %add3A_101, %mul3A_102 : i32
          "tpu.region"() ({
            %run_scoped3A = tpu.sem_alloc : memref<!tpu.dma_semaphore, #tpu.memory_space<semaphore_mem>>
            %dma_start3A_106 = tpu.memref_slice %arg3[%mul3A_103] : memref<320000xi32, #tpu.memory_space<hbm>> -> memref<128xi32, #tpu.memory_space<hbm>>
            %dma_start3A_107 = tpu.memref_slice %arg3[%mul3A_103] : memref<320000xi32, #tpu.memory_space<hbm>> -> memref<128xi32, #tpu.memory_space<hbm>>
            tpu.enqueue_dma source(%dma_start3A_107 : memref<128xi32, #tpu.memory_space<hbm>>) target(%arg7 : memref<128xi32, #tpu.memory_space<vmem>>) target_semaphore(%run_scoped3A : memref<!tpu.dma_semaphore, #tpu.memory_space<semaphore_mem>>)
            %dma_wait3A_108 = tpu.memref_slice %arg3[%mul3A_103] : memref<320000xi32, #tpu.memory_space<hbm>> -> memref<128xi32, #tpu.memory_space<hbm>>
            %dma_wait3A_109 = tpu.memref_slice %arg3[%mul3A_103] : memref<320000xi32, #tpu.memory_space<hbm>> -> memref<128xi32, #tpu.memory_space<hbm>>
            tpu.wait_dma2 semaphore(%run_scoped3A : memref<!tpu.dma_semaphore, #tpu.memory_space<semaphore_mem>>) src(%dma_wait3A_109 : memref<128xi32, #tpu.memory_space<hbm>>) dst(%arg7 : memref<128xi32, #tpu.memory_space<vmem>>)
            tpu.yield
          }) : () -> ()
          "tpu.region"() ({
            %run_scoped3A = tpu.sem_alloc : memref<!tpu.dma_semaphore, #tpu.memory_space<semaphore_mem>>
            %dma_start3A_106 = tpu.memref_slice %arg4[%mul3A_103] : memref<320000xi32, #tpu.memory_space<hbm>> -> memref<128xi32, #tpu.memory_space<hbm>>
            %dma_start3A_107 = tpu.memref_slice %arg4[%mul3A_103] : memref<320000xi32, #tpu.memory_space<hbm>> -> memref<128xi32, #tpu.memory_space<hbm>>
            tpu.enqueue_dma source(%dma_start3A_107 : memref<128xi32, #tpu.memory_space<hbm>>) target(%arg8 : memref<128xi32, #tpu.memory_space<vmem>>) target_semaphore(%run_scoped3A : memref<!tpu.dma_semaphore, #tpu.memory_space<semaphore_mem>>)
            %dma_wait3A_108 = tpu.memref_slice %arg4[%mul3A_103] : memref<320000xi32, #tpu.memory_space<hbm>> -> memref<128xi32, #tpu.memory_space<hbm>>
            %dma_wait3A_109 = tpu.memref_slice %arg4[%mul3A_103] : memref<320000xi32, #tpu.memory_space<hbm>> -> memref<128xi32, #tpu.memory_space<hbm>>
            tpu.wait_dma2 semaphore(%run_scoped3A : memref<!tpu.dma_semaphore, #tpu.memory_space<semaphore_mem>>) src(%dma_wait3A_109 : memref<128xi32, #tpu.memory_space<hbm>>) dst(%arg8 : memref<128xi32, #tpu.memory_space<vmem>>)
            tpu.yield
          }) : () -> ()
          %dma_start3A = arith.constant 0 : i32
          %dma_start3A_104 = arith.constant 0 : i32
          %dma_start3A_105 = tpu.memref_slice %arg2[%dma_start3A, %dma_start3A_104] : memref<10000x128xf32, #tpu.memory_space<hbm>> -> memref<10000x128xf32, #tpu.memory_space<hbm>>
          tpu.enqueue_indirect_dma source(%dma_start3A_105 : memref<10000x128xf32, #tpu.memory_space<hbm>>) target(%arg9 : memref<128x128xf32, #tpu.memory_space<vmem>>) offsets(%arg7 : memref<128xi32, #tpu.memory_space<vmem>>) semaphore(%arg14 : memref<!tpu.dma_semaphore, #tpu.memory_space<semaphore_mem>>)
        } else {
        }
        %dma_wait3A = arith.constant 0 : i32
        %dma_wait3A_97 = arith.constant 0 : i32
        %dma_wait3A_98 = tpu.memref_slice %arg2[%dma_wait3A, %dma_wait3A_97] : memref<10000x128xf32, #tpu.memory_space<hbm>> -> memref<10000x128xf32, #tpu.memory_space<hbm>>
        tpu.wait_indirect_dma semaphore(%arg15 : memref<!tpu.dma_semaphore, #tpu.memory_space<semaphore_mem>>) src(%dma_wait3A_98 : memref<10000x128xf32, #tpu.memory_space<hbm>>) dst(%arg12 : memref<128x128xf32, #tpu.memory_space<vmem>>)
        "tpu.region"() ({
          %run_scoped3A = tpu.sem_alloc : memref<!tpu.dma_semaphore, #tpu.memory_space<semaphore_mem>>
          %dma_start3A = arith.constant 0 : i32
          %dma_start3A_99 = arith.constant 0 : i32
          %dma_start3A_100 = tpu.memref_slice %arg13[%dma_start3A, %dma_start3A_99] : memref<10240x128xf32, #tpu.memory_space<vmem_shared>> -> memref<10240x128xf32, #tpu.memory_space<vmem_shared>>
          tpu.enqueue_indirect_dma source(%arg12 : memref<128x128xf32, #tpu.memory_space<vmem>>) target(%dma_start3A_100 : memref<10240x128xf32, #tpu.memory_space<vmem_shared>>) offsets(%arg11 : memref<128xi32, #tpu.memory_space<vmem>>) semaphore(%run_scoped3A : memref<!tpu.dma_semaphore, #tpu.memory_space<semaphore_mem>>) {add = true}
          %dma_wait3A_101 = arith.constant 0 : i32
          %dma_wait3A_102 = arith.constant 0 : i32
          %dma_wait3A_103 = tpu.memref_slice %arg13[%dma_wait3A_101, %dma_wait3A_102] : memref<10240x128xf32, #tpu.memory_space<vmem_shared>> -> memref<10240x128xf32, #tpu.memory_space<vmem_shared>>
          tpu.wait_indirect_dma semaphore(%run_scoped3A : memref<!tpu.dma_semaphore, #tpu.memory_space<semaphore_mem>>) src(%arg12 : memref<128x128xf32, #tpu.memory_space<vmem>>) dst(%dma_wait3A_103 : memref<10240x128xf32, #tpu.memory_space<vmem_shared>>)
          tpu.yield
        }) : () -> ()
      } else {
      }
    }
    %while3A_63 = arith.constant 1 : i32
    scf.for %while3A_76 = %while3A_61 to %while3A_57 step %while3A_63  : i32 {
      %mul3A_77 = arith.constant 2 : i32
      %mul3A_78 = arith.muli %mul3A_77, %while3A_76 : i32
      %lt3A_79 = arith.cmpi slt, %mul3A_78, %add3A_33 : i32
      %convert_element_type3A_80 = arith.extui %lt3A_79 : i1 to i32
      %cond3A_81 = arith.constant 0 : i32
      %cond3A_82 = arith.cmpi ne, %convert_element_type3A_80, %cond3A_81 : i32
      scf.if %cond3A_82 {
        %add3A_89 = arith.constant 1 : i32
        %add3A_90 = arith.addi %mul3A_78, %add3A_89 : i32
        %lt3A_91 = arith.cmpi slt, %add3A_90, %add3A_33 : i32
        %convert_element_type3A_92 = arith.extui %lt3A_91 : i1 to i32
        %cond3A_93 = arith.constant 0 : i32
        %cond3A_94 = arith.cmpi ne, %convert_element_type3A_92, %cond3A_93 : i32
        scf.if %cond3A_94 {
          %add3A_97 = arith.constant 1 : i32
          %add3A_98 = arith.addi %mul3A_78, %add3A_97 : i32
          %add3A_99 = arith.addi %add3A_30, %add3A_98 : i32
          %mul3A_100 = arith.constant 128 : i32
          %mul3A_101 = arith.muli %add3A_99, %mul3A_100 : i32
          "tpu.region"() ({
            %run_scoped3A = tpu.sem_alloc : memref<!tpu.dma_semaphore, #tpu.memory_space<semaphore_mem>>
            %dma_start3A_104 = tpu.memref_slice %arg3[%mul3A_101] : memref<320000xi32, #tpu.memory_space<hbm>> -> memref<128xi32, #tpu.memory_space<hbm>>
            %dma_start3A_105 = tpu.memref_slice %arg3[%mul3A_101] : memref<320000xi32, #tpu.memory_space<hbm>> -> memref<128xi32, #tpu.memory_space<hbm>>
            tpu.enqueue_dma source(%dma_start3A_105 : memref<128xi32, #tpu.memory_space<hbm>>) target(%arg10 : memref<128xi32, #tpu.memory_space<vmem>>) target_semaphore(%run_scoped3A : memref<!tpu.dma_semaphore, #tpu.memory_space<semaphore_mem>>)
            %dma_wait3A_106 = tpu.memref_slice %arg3[%mul3A_101] : memref<320000xi32, #tpu.memory_space<hbm>> -> memref<128xi32, #tpu.memory_space<hbm>>
            %dma_wait3A_107 = tpu.memref_slice %arg3[%mul3A_101] : memref<320000xi32, #tpu.memory_space<hbm>> -> memref<128xi32, #tpu.memory_space<hbm>>
            tpu.wait_dma2 semaphore(%run_scoped3A : memref<!tpu.dma_semaphore, #tpu.memory_space<semaphore_mem>>) src(%dma_wait3A_107 : memref<128xi32, #tpu.memory_space<hbm>>) dst(%arg10 : memref<128xi32, #tpu.memory_space<vmem>>)
            tpu.yield
          }) : () -> ()
          "tpu.region"() ({
            %run_scoped3A = tpu.sem_alloc : memref<!tpu.dma_semaphore, #tpu.memory_space<semaphore_mem>>
            %dma_start3A_104 = tpu.memref_slice %arg4[%mul3A_101] : memref<320000xi32, #tpu.memory_space<hbm>> -> memref<128xi32, #tpu.memory_space<hbm>>
            %dma_start3A_105 = tpu.memref_slice %arg4[%mul3A_101] : memref<320000xi32, #tpu.memory_space<hbm>> -> memref<128xi32, #tpu.memory_space<hbm>>
            tpu.enqueue_dma source(%dma_start3A_105 : memref<128xi32, #tpu.memory_space<hbm>>) target(%arg11 : memref<128xi32, #tpu.memory_space<vmem>>) target_semaphore(%run_scoped3A : memref<!tpu.dma_semaphore, #tpu.memory_space<semaphore_mem>>)
            %dma_wait3A_106 = tpu.memref_slice %arg4[%mul3A_101] : memref<320000xi32, #tpu.memory_space<hbm>> -> memref<128xi32, #tpu.memory_space<hbm>>
            %dma_wait3A_107 = tpu.memref_slice %arg4[%mul3A_101] : memref<320000xi32, #tpu.memory_space<hbm>> -> memref<128xi32, #tpu.memory_space<hbm>>
            tpu.wait_dma2 semaphore(%run_scoped3A : memref<!tpu.dma_semaphore, #tpu.memory_space<semaphore_mem>>) src(%dma_wait3A_107 : memref<128xi32, #tpu.memory_space<hbm>>) dst(%arg11 : memref<128xi32, #tpu.memory_space<vmem>>)
            tpu.yield
          }) : () -> ()
          %dma_start3A = arith.constant 0 : i32
          %dma_start3A_102 = arith.constant 0 : i32
          %dma_start3A_103 = tpu.memref_slice %arg2[%dma_start3A, %dma_start3A_102] : memref<10000x128xf32, #tpu.memory_space<hbm>> -> memref<10000x128xf32, #tpu.memory_space<hbm>>
          tpu.enqueue_indirect_dma source(%dma_start3A_103 : memref<10000x128xf32, #tpu.memory_space<hbm>>) target(%arg12 : memref<128x128xf32, #tpu.memory_space<vmem>>) offsets(%arg10 : memref<128xi32, #tpu.memory_space<vmem>>) semaphore(%arg15 : memref<!tpu.dma_semaphore, #tpu.memory_space<semaphore_mem>>)
        } else {
        }
        %dma_wait3A = arith.constant 0 : i32
        %dma_wait3A_95 = arith.constant 0 : i32
        %dma_wait3A_96 = tpu.memref_slice %arg2[%dma_wait3A, %dma_wait3A_95] : memref<10000x128xf32, #tpu.memory_space<hbm>> -> memref<10000x128xf32, #tpu.memory_space<hbm>>
        tpu.wait_indirect_dma semaphore(%arg14 : memref<!tpu.dma_semaphore, #tpu.memory_space<semaphore_mem>>) src(%dma_wait3A_96 : memref<10000x128xf32, #tpu.memory_space<hbm>>) dst(%arg9 : memref<128x128xf32, #tpu.memory_space<vmem>>)
        "tpu.region"() ({
          %run_scoped3A = tpu.sem_alloc : memref<!tpu.dma_semaphore, #tpu.memory_space<semaphore_mem>>
          %dma_start3A = arith.constant 0 : i32
          %dma_start3A_97 = arith.constant 0 : i32
          %dma_start3A_98 = tpu.memref_slice %arg13[%dma_start3A, %dma_start3A_97] : memref<10240x128xf32, #tpu.memory_space<vmem_shared>> -> memref<10240x128xf32, #tpu.memory_space<vmem_shared>>
          tpu.enqueue_indirect_dma source(%arg9 : memref<128x128xf32, #tpu.memory_space<vmem>>) target(%dma_start3A_98 : memref<10240x128xf32, #tpu.memory_space<vmem_shared>>) offsets(%arg8 : memref<128xi32, #tpu.memory_space<vmem>>) semaphore(%run_scoped3A : memref<!tpu.dma_semaphore, #tpu.memory_space<semaphore_mem>>) {add = true}
          %dma_wait3A_99 = arith.constant 0 : i32
          %dma_wait3A_100 = arith.constant 0 : i32
          %dma_wait3A_101 = tpu.memref_slice %arg13[%dma_wait3A_99, %dma_wait3A_100] : memref<10240x128xf32, #tpu.memory_space<vmem_shared>> -> memref<10240x128xf32, #tpu.memory_space<vmem_shared>>
          tpu.wait_indirect_dma semaphore(%run_scoped3A : memref<!tpu.dma_semaphore, #tpu.memory_space<semaphore_mem>>) src(%arg9 : memref<128x128xf32, #tpu.memory_space<vmem>>) dst(%dma_wait3A_101 : memref<10240x128xf32, #tpu.memory_space<vmem_shared>>)
          tpu.yield
        }) : () -> ()
      } else {
      }
      %add3A_83 = arith.constant 1 : i32
      %add3A_84 = arith.addi %mul3A_78, %add3A_83 : i32
      %lt3A_85 = arith.cmpi slt, %add3A_84, %add3A_33 : i32
      %convert_element_type3A_86 = arith.extui %lt3A_85 : i1 to i32
      %cond3A_87 = arith.constant 0 : i32
      %cond3A_88 = arith.cmpi ne, %convert_element_type3A_86, %cond3A_87 : i32
      scf.if %cond3A_88 {
        %add3A_89 = arith.constant 1 : i32
        %add3A_90 = arith.addi %mul3A_78, %add3A_89 : i32
        %add3A_91 = arith.constant 1 : i32
        %add3A_92 = arith.addi %add3A_90, %add3A_91 : i32
        %lt3A_93 = arith.cmpi slt, %add3A_92, %add3A_33 : i32
        %convert_element_type3A_94 = arith.extui %lt3A_93 : i1 to i32
        %cond3A_95 = arith.constant 0 : i32
        %cond3A_96 = arith.cmpi ne, %convert_element_type3A_94, %cond3A_95 : i32
        scf.if %cond3A_96 {
          %add3A_99 = arith.constant 1 : i32
          %add3A_100 = arith.addi %add3A_90, %add3A_99 : i32
          %add3A_101 = arith.addi %add3A_30, %add3A_100 : i32
          %mul3A_102 = arith.constant 128 : i32
          %mul3A_103 = arith.muli %add3A_101, %mul3A_102 : i32
          "tpu.region"() ({
            %run_scoped3A = tpu.sem_alloc : memref<!tpu.dma_semaphore, #tpu.memory_space<semaphore_mem>>
            %dma_start3A_106 = tpu.memref_slice %arg3[%mul3A_103] : memref<320000xi32, #tpu.memory_space<hbm>> -> memref<128xi32, #tpu.memory_space<hbm>>
            %dma_start3A_107 = tpu.memref_slice %arg3[%mul3A_103] : memref<320000xi32, #tpu.memory_space<hbm>> -> memref<128xi32, #tpu.memory_space<hbm>>
            tpu.enqueue_dma source(%dma_start3A_107 : memref<128xi32, #tpu.memory_space<hbm>>) target(%arg7 : memref<128xi32, #tpu.memory_space<vmem>>) target_semaphore(%run_scoped3A : memref<!tpu.dma_semaphore, #tpu.memory_space<semaphore_mem>>)
            %dma_wait3A_108 = tpu.memref_slice %arg3[%mul3A_103] : memref<320000xi32, #tpu.memory_space<hbm>> -> memref<128xi32, #tpu.memory_space<hbm>>
            %dma_wait3A_109 = tpu.memref_slice %arg3[%mul3A_103] : memref<320000xi32, #tpu.memory_space<hbm>> -> memref<128xi32, #tpu.memory_space<hbm>>
            tpu.wait_dma2 semaphore(%run_scoped3A : memref<!tpu.dma_semaphore, #tpu.memory_space<semaphore_mem>>) src(%dma_wait3A_109 : memref<128xi32, #tpu.memory_space<hbm>>) dst(%arg7 : memref<128xi32, #tpu.memory_space<vmem>>)
            tpu.yield
          }) : () -> ()
          "tpu.region"() ({
            %run_scoped3A = tpu.sem_alloc : memref<!tpu.dma_semaphore, #tpu.memory_space<semaphore_mem>>
            %dma_start3A_106 = tpu.memref_slice %arg4[%mul3A_103] : memref<320000xi32, #tpu.memory_space<hbm>> -> memref<128xi32, #tpu.memory_space<hbm>>
            %dma_start3A_107 = tpu.memref_slice %arg4[%mul3A_103] : memref<320000xi32, #tpu.memory_space<hbm>> -> memref<128xi32, #tpu.memory_space<hbm>>
            tpu.enqueue_dma source(%dma_start3A_107 : memref<128xi32, #tpu.memory_space<hbm>>) target(%arg8 : memref<128xi32, #tpu.memory_space<vmem>>) target_semaphore(%run_scoped3A : memref<!tpu.dma_semaphore, #tpu.memory_space<semaphore_mem>>)
            %dma_wait3A_108 = tpu.memref_slice %arg4[%mul3A_103] : memref<320000xi32, #tpu.memory_space<hbm>> -> memref<128xi32, #tpu.memory_space<hbm>>
            %dma_wait3A_109 = tpu.memref_slice %arg4[%mul3A_103] : memref<320000xi32, #tpu.memory_space<hbm>> -> memref<128xi32, #tpu.memory_space<hbm>>
            tpu.wait_dma2 semaphore(%run_scoped3A : memref<!tpu.dma_semaphore, #tpu.memory_space<semaphore_mem>>) src(%dma_wait3A_109 : memref<128xi32, #tpu.memory_space<hbm>>) dst(%arg8 : memref<128xi32, #tpu.memory_space<vmem>>)
            tpu.yield
          }) : () -> ()
          %dma_start3A = arith.constant 0 : i32
          %dma_start3A_104 = arith.constant 0 : i32
          %dma_start3A_105 = tpu.memref_slice %arg2[%dma_start3A, %dma_start3A_104] : memref<10000x128xf32, #tpu.memory_space<hbm>> -> memref<10000x128xf32, #tpu.memory_space<hbm>>
          tpu.enqueue_indirect_dma source(%dma_start3A_105 : memref<10000x128xf32, #tpu.memory_space<hbm>>) target(%arg9 : memref<128x128xf32, #tpu.memory_space<vmem>>) offsets(%arg7 : memref<128xi32, #tpu.memory_space<vmem>>) semaphore(%arg14 : memref<!tpu.dma_semaphore, #tpu.memory_space<semaphore_mem>>)
        } else {
        }
        %dma_wait3A = arith.constant 0 : i32
        %dma_wait3A_97 = arith.constant 0 : i32
        %dma_wait3A_98 = tpu.memref_slice %arg2[%dma_wait3A, %dma_wait3A_97] : memref<10000x128xf32, #tpu.memory_space<hbm>> -> memref<10000x128xf32, #tpu.memory_space<hbm>>
        tpu.wait_indirect_dma semaphore(%arg15 : memref<!tpu.dma_semaphore, #tpu.memory_space<semaphore_mem>>) src(%dma_wait3A_98 : memref<10000x128xf32, #tpu.memory_space<hbm>>) dst(%arg12 : memref<128x128xf32, #tpu.memory_space<vmem>>)
        "tpu.region"() ({
          %run_scoped3A = tpu.sem_alloc : memref<!tpu.dma_semaphore, #tpu.memory_space<semaphore_mem>>
          %dma_start3A = arith.constant 0 : i32
          %dma_start3A_99 = arith.constant 0 : i32
          %dma_start3A_100 = tpu.memref_slice %arg13[%dma_start3A, %dma_start3A_99] : memref<10240x128xf32, #tpu.memory_space<vmem_shared>> -> memref<10240x128xf32, #tpu.memory_space<vmem_shared>>
          tpu.enqueue_indirect_dma source(%arg12 : memref<128x128xf32, #tpu.memory_space<vmem>>) target(%dma_start3A_100 : memref<10240x128xf32, #tpu.memory_space<vmem_shared>>) offsets(%arg11 : memref<128xi32, #tpu.memory_space<vmem>>) semaphore(%run_scoped3A : memref<!tpu.dma_semaphore, #tpu.memory_space<semaphore_mem>>) {add = true}
          %dma_wait3A_101 = arith.constant 0 : i32
          %dma_wait3A_102 = arith.constant 0 : i32
          %dma_wait3A_103 = tpu.memref_slice %arg13[%dma_wait3A_101, %dma_wait3A_102] : memref<10240x128xf32, #tpu.memory_space<vmem_shared>> -> memref<10240x128xf32, #tpu.memory_space<vmem_shared>>
          tpu.wait_indirect_dma semaphore(%run_scoped3A : memref<!tpu.dma_semaphore, #tpu.memory_space<semaphore_mem>>) src(%arg12 : memref<128x128xf32, #tpu.memory_space<vmem>>) dst(%dma_wait3A_103 : memref<10240x128xf32, #tpu.memory_space<vmem_shared>>)
          tpu.yield
        }) : () -> ()
      } else {
      }
    }
    %barrier3A_64 = arith.constant 0 : index
    tpu.barrier barrier_id(%barrier3A_64)
    %mul3A_65 = arith.constant 640 : i32
    %mul3A_66 = arith.muli %arg1, %mul3A_65 : i32
    %eq3A = arith.constant 0 : i32
    %eq3A_67 = arith.cmpi eq, %arg0, %eq3A : i32
    %convert_element_type3A_68 = arith.extui %eq3A_67 : i1 to i32
    %cond3A_69 = arith.constant 0 : i32
    %cond3A_70 = arith.cmpi ne, %convert_element_type3A_68, %cond3A_69 : i32
    scf.if %cond3A_70 {
      "tpu.region"() ({
        %run_scoped3A = tpu.sem_alloc : memref<!tpu.dma_semaphore, #tpu.memory_space<semaphore_mem>>
        %dma_start3A = arith.constant 0 : i32
        %dma_start3A_76 = tpu.memref_slice %arg5[%mul3A_66, %dma_start3A] : memref<10240x128xf32, #tpu.memory_space<hbm>> -> memref<640x128xf32, #tpu.memory_space<hbm>>
        %dma_start3A_77 = arith.constant 0 : i32
        %dma_start3A_78 = tpu.memref_slice %arg13[%mul3A_66, %dma_start3A_77] : memref<10240x128xf32, #tpu.memory_space<vmem_shared>> -> memref<640x128xf32, #tpu.memory_space<vmem_shared>>
        tpu.enqueue_dma source(%dma_start3A_78 : memref<640x128xf32, #tpu.memory_space<vmem_shared>>) target(%dma_start3A_76 : memref<640x128xf32, #tpu.memory_space<hbm>>) target_semaphore(%run_scoped3A : memref<!tpu.dma_semaphore, #tpu.memory_space<semaphore_mem>>)
        %dma_wait3A = arith.constant 0 : i32
        %dma_wait3A_79 = tpu.memref_slice %arg5[%mul3A_66, %dma_wait3A] : memref<10240x128xf32, #tpu.memory_space<hbm>> -> memref<640x128xf32, #tpu.memory_space<hbm>>
        %dma_wait3A_80 = arith.constant 0 : i32
        %dma_wait3A_81 = tpu.memref_slice %arg13[%mul3A_66, %dma_wait3A_80] : memref<10240x128xf32, #tpu.memory_space<vmem_shared>> -> memref<640x128xf32, #tpu.memory_space<vmem_shared>>
        tpu.wait_dma2 semaphore(%run_scoped3A : memref<!tpu.dma_semaphore, #tpu.memory_space<semaphore_mem>>) src(%dma_wait3A_81 : memref<640x128xf32, #tpu.memory_space<vmem_shared>>) dst(%dma_wait3A_79 : memref<640x128xf32, #tpu.memory_space<hbm>>)
        tpu.yield
      }) : () -> ()
    } else {
    }
    %eq3A_71 = arith.constant 1 : i32
    %eq3A_72 = arith.cmpi eq, %arg0, %eq3A_71 : i32
    %convert_element_type3A_73 = arith.extui %eq3A_72 : i1 to i32
    %cond3A_74 = arith.constant 0 : i32
    %cond3A_75 = arith.cmpi ne, %convert_element_type3A_73, %cond3A_74 : i32
    scf.if %cond3A_75 {
      "tpu.region"() ({
        %run_scoped3A = tpu.sem_alloc : memref<!tpu.dma_semaphore, #tpu.memory_space<semaphore_mem>>
        %dma_start3A = arith.constant 0 : i32
        %dma_start3A_76 = tpu.memref_slice %arg6[%mul3A_66, %dma_start3A] : memref<10240x128xf32, #tpu.memory_space<hbm>> -> memref<640x128xf32, #tpu.memory_space<hbm>>
        %dma_start3A_77 = arith.constant 0 : i32
        %dma_start3A_78 = tpu.memref_slice %arg13[%mul3A_66, %dma_start3A_77] : memref<10240x128xf32, #tpu.memory_space<vmem_shared>> -> memref<640x128xf32, #tpu.memory_space<vmem_shared>>
        tpu.enqueue_dma source(%dma_start3A_78 : memref<640x128xf32, #tpu.memory_space<vmem_shared>>) target(%dma_start3A_76 : memref<640x128xf32, #tpu.memory_space<hbm>>) target_semaphore(%run_scoped3A : memref<!tpu.dma_semaphore, #tpu.memory_space<semaphore_mem>>)
        %dma_wait3A = arith.constant 0 : i32
        %dma_wait3A_79 = tpu.memref_slice %arg6[%mul3A_66, %dma_wait3A] : memref<10240x128xf32, #tpu.memory_space<hbm>> -> memref<640x128xf32, #tpu.memory_space<hbm>>
        %dma_wait3A_80 = arith.constant 0 : i32
        %dma_wait3A_81 = tpu.memref_slice %arg13[%mul3A_66, %dma_wait3A_80] : memref<10240x128xf32, #tpu.memory_space<vmem_shared>> -> memref<640x128xf32, #tpu.memory_space<vmem_shared>>
        tpu.wait_dma2 semaphore(%run_scoped3A : memref<!tpu.dma_semaphore, #tpu.memory_space<semaphore_mem>>) src(%dma_wait3A_81 : memref<640x128xf32, #tpu.memory_space<vmem_shared>>) dst(%dma_wait3A_79 : memref<640x128xf32, #tpu.memory_space<hbm>>)
        tpu.yield
      }) : () -> ()
    } else {
    }
    return
  }
}

#map = affine_map<(d0, d1) -> (0)>
module attributes {stable_mosaic.version = 14 : i64} {
  func.func @_deg_body(%arg0: i32, %arg1: i32, %arg2: memref<320000xi32, #tpu.memory_space<hbm>>, %arg3: memref<10240xf32, #tpu.memory_space<hbm>>, %arg4: memref<10240xf32, #tpu.memory_space<hbm>>, %arg5: memref<128xf32, #tpu.memory_space<vmem>>, %arg6: memref<128xi32, #tpu.memory_space<vmem>>, %arg7: memref<128xf32, #tpu.memory_space<vmem>>, %arg8: memref<10240xf32, #tpu.memory_space<vmem_shared>>) attributes {dimension_semantics = [#tpu.dimension_semantics<core_parallel>, #tpu.dimension_semantics<subcore_parallel>], iteration_bounds = array<i64: 2, 16>, scalar_prefetch = 0 : i64, scratch_operands = 4 : i64, tpu.core_type = #tpu.core_type<sc_vector_subcore>, window_params = [{transform_indices = #map}, {transform_indices = #map}, {transform_indices = #map}]} {
    %mul3A = arith.constant 16 : i32
    %mul3A_0 = arith.muli %arg0, %mul3A : i32
    %add3A = arith.addi %mul3A_0, %arg1 : i32
    %broadcast_in_dim3A = arith.constant 1.000000e+00 : f32
    %broadcast_in_dim3A_1 = vector.broadcast %broadcast_in_dim3A : f32 to vector<16xf32>
    %broadcast_in_dim3A_2 = arith.constant 0.000000e+00 : f32
    %broadcast_in_dim3A_3 = vector.broadcast %broadcast_in_dim3A_2 : f32 to vector<16xf32>
    %swap3A = arith.constant 0 : index
    %swap3A_4 = tpu.vector_load %arg5[%swap3A] {strides = array<i32>} : memref<128xf32, #tpu.memory_space<vmem>>, vector<16xf32>,
    %swap3A_5 = vector.shape_cast %swap3A_4 : vector<16xf32> to vector<16xf32>
    %swap3A_6 = vector.shape_cast %broadcast_in_dim3A_1 : vector<16xf32> to vector<16xf32>
    tpu.vector_store %arg5[%swap3A], %swap3A_6 {strides = array<i32>} : memref<128xf32, #tpu.memory_space<vmem>>, vector<16xf32>,
    %swap3A_7 = arith.constant 0 : index
    %swap3A_8 = tpu.vector_load %arg7[%swap3A_7] {strides = array<i32>} : memref<128xf32, #tpu.memory_space<vmem>>, vector<16xf32>,
    %swap3A_9 = vector.shape_cast %swap3A_8 : vector<16xf32> to vector<16xf32>
    %swap3A_10 = vector.shape_cast %broadcast_in_dim3A_3 : vector<16xf32> to vector<16xf32>
    tpu.vector_store %arg7[%swap3A_7], %swap3A_10 {strides = array<i32>} : memref<128xf32, #tpu.memory_space<vmem>>, vector<16xf32>,
    %swap3A_11 = arith.constant 16 : index
    %swap3A_12 = tpu.vector_load %arg5[%swap3A_11] {strides = array<i32>} : memref<128xf32, #tpu.memory_space<vmem>>, vector<16xf32>,
    %swap3A_13 = vector.shape_cast %swap3A_12 : vector<16xf32> to vector<16xf32>
    %swap3A_14 = vector.shape_cast %broadcast_in_dim3A_1 : vector<16xf32> to vector<16xf32>
    tpu.vector_store %arg5[%swap3A_11], %swap3A_14 {strides = array<i32>} : memref<128xf32, #tpu.memory_space<vmem>>, vector<16xf32>,
    %swap3A_15 = arith.constant 16 : index
    %swap3A_16 = tpu.vector_load %arg7[%swap3A_15] {strides = array<i32>} : memref<128xf32, #tpu.memory_space<vmem>>, vector<16xf32>,
    %swap3A_17 = vector.shape_cast %swap3A_16 : vector<16xf32> to vector<16xf32>
    %swap3A_18 = vector.shape_cast %broadcast_in_dim3A_3 : vector<16xf32> to vector<16xf32>
    tpu.vector_store %arg7[%swap3A_15], %swap3A_18 {strides = array<i32>} : memref<128xf32, #tpu.memory_space<vmem>>, vector<16xf32>,
    %swap3A_19 = arith.constant 32 : index
    %swap3A_20 = tpu.vector_load %arg5[%swap3A_19] {strides = array<i32>} : memref<128xf32, #tpu.memory_space<vmem>>, vector<16xf32>,
    %swap3A_21 = vector.shape_cast %swap3A_20 : vector<16xf32> to vector<16xf32>
    %swap3A_22 = vector.shape_cast %broadcast_in_dim3A_1 : vector<16xf32> to vector<16xf32>
    tpu.vector_store %arg5[%swap3A_19], %swap3A_22 {strides = array<i32>} : memref<128xf32, #tpu.memory_space<vmem>>, vector<16xf32>,
    %swap3A_23 = arith.constant 32 : index
    %swap3A_24 = tpu.vector_load %arg7[%swap3A_23] {strides = array<i32>} : memref<128xf32, #tpu.memory_space<vmem>>, vector<16xf32>,
    %swap3A_25 = vector.shape_cast %swap3A_24 : vector<16xf32> to vector<16xf32>
    %swap3A_26 = vector.shape_cast %broadcast_in_dim3A_3 : vector<16xf32> to vector<16xf32>
    tpu.vector_store %arg7[%swap3A_23], %swap3A_26 {strides = array<i32>} : memref<128xf32, #tpu.memory_space<vmem>>, vector<16xf32>,
    %swap3A_27 = arith.constant 48 : index
    %swap3A_28 = tpu.vector_load %arg5[%swap3A_27] {strides = array<i32>} : memref<128xf32, #tpu.memory_space<vmem>>, vector<16xf32>,
    %swap3A_29 = vector.shape_cast %swap3A_28 : vector<16xf32> to vector<16xf32>
    %swap3A_30 = vector.shape_cast %broadcast_in_dim3A_1 : vector<16xf32> to vector<16xf32>
    tpu.vector_store %arg5[%swap3A_27], %swap3A_30 {strides = array<i32>} : memref<128xf32, #tpu.memory_space<vmem>>, vector<16xf32>,
    %swap3A_31 = arith.constant 48 : index
    %swap3A_32 = tpu.vector_load %arg7[%swap3A_31] {strides = array<i32>} : memref<128xf32, #tpu.memory_space<vmem>>, vector<16xf32>,
    %swap3A_33 = vector.shape_cast %swap3A_32 : vector<16xf32> to vector<16xf32>
    %swap3A_34 = vector.shape_cast %broadcast_in_dim3A_3 : vector<16xf32> to vector<16xf32>
    tpu.vector_store %arg7[%swap3A_31], %swap3A_34 {strides = array<i32>} : memref<128xf32, #tpu.memory_space<vmem>>, vector<16xf32>,
    %swap3A_35 = arith.constant 64 : index
    %swap3A_36 = tpu.vector_load %arg5[%swap3A_35] {strides = array<i32>} : memref<128xf32, #tpu.memory_space<vmem>>, vector<16xf32>,
    %swap3A_37 = vector.shape_cast %swap3A_36 : vector<16xf32> to vector<16xf32>
    %swap3A_38 = vector.shape_cast %broadcast_in_dim3A_1 : vector<16xf32> to vector<16xf32>
    tpu.vector_store %arg5[%swap3A_35], %swap3A_38 {strides = array<i32>} : memref<128xf32, #tpu.memory_space<vmem>>, vector<16xf32>,
    %swap3A_39 = arith.constant 64 : index
    %swap3A_40 = tpu.vector_load %arg7[%swap3A_39] {strides = array<i32>} : memref<128xf32, #tpu.memory_space<vmem>>, vector<16xf32>,
    %swap3A_41 = vector.shape_cast %swap3A_40 : vector<16xf32> to vector<16xf32>
    %swap3A_42 = vector.shape_cast %broadcast_in_dim3A_3 : vector<16xf32> to vector<16xf32>
    tpu.vector_store %arg7[%swap3A_39], %swap3A_42 {strides = array<i32>} : memref<128xf32, #tpu.memory_space<vmem>>, vector<16xf32>,
    %swap3A_43 = arith.constant 80 : index
    %swap3A_44 = tpu.vector_load %arg5[%swap3A_43] {strides = array<i32>} : memref<128xf32, #tpu.memory_space<vmem>>, vector<16xf32>,
    %swap3A_45 = vector.shape_cast %swap3A_44 : vector<16xf32> to vector<16xf32>
    %swap3A_46 = vector.shape_cast %broadcast_in_dim3A_1 : vector<16xf32> to vector<16xf32>
    tpu.vector_store %arg5[%swap3A_43], %swap3A_46 {strides = array<i32>} : memref<128xf32, #tpu.memory_space<vmem>>, vector<16xf32>,
    %swap3A_47 = arith.constant 80 : index
    %swap3A_48 = tpu.vector_load %arg7[%swap3A_47] {strides = array<i32>} : memref<128xf32, #tpu.memory_space<vmem>>, vector<16xf32>,
    %swap3A_49 = vector.shape_cast %swap3A_48 : vector<16xf32> to vector<16xf32>
    %swap3A_50 = vector.shape_cast %broadcast_in_dim3A_3 : vector<16xf32> to vector<16xf32>
    tpu.vector_store %arg7[%swap3A_47], %swap3A_50 {strides = array<i32>} : memref<128xf32, #tpu.memory_space<vmem>>, vector<16xf32>,
    %swap3A_51 = arith.constant 96 : index
    %swap3A_52 = tpu.vector_load %arg5[%swap3A_51] {strides = array<i32>} : memref<128xf32, #tpu.memory_space<vmem>>, vector<16xf32>,
    %swap3A_53 = vector.shape_cast %swap3A_52 : vector<16xf32> to vector<16xf32>
    %swap3A_54 = vector.shape_cast %broadcast_in_dim3A_1 : vector<16xf32> to vector<16xf32>
    tpu.vector_store %arg5[%swap3A_51], %swap3A_54 {strides = array<i32>} : memref<128xf32, #tpu.memory_space<vmem>>, vector<16xf32>,
    %swap3A_55 = arith.constant 96 : index
    %swap3A_56 = tpu.vector_load %arg7[%swap3A_55] {strides = array<i32>} : memref<128xf32, #tpu.memory_space<vmem>>, vector<16xf32>,
    %swap3A_57 = vector.shape_cast %swap3A_56 : vector<16xf32> to vector<16xf32>
    %swap3A_58 = vector.shape_cast %broadcast_in_dim3A_3 : vector<16xf32> to vector<16xf32>
    tpu.vector_store %arg7[%swap3A_55], %swap3A_58 {strides = array<i32>} : memref<128xf32, #tpu.memory_space<vmem>>, vector<16xf32>,
    %swap3A_59 = arith.constant 112 : index
    %swap3A_60 = tpu.vector_load %arg5[%swap3A_59] {strides = array<i32>} : memref<128xf32, #tpu.memory_space<vmem>>, vector<16xf32>,
    %swap3A_61 = vector.shape_cast %swap3A_60 : vector<16xf32> to vector<16xf32>
    %swap3A_62 = vector.shape_cast %broadcast_in_dim3A_1 : vector<16xf32> to vector<16xf32>
    tpu.vector_store %arg5[%swap3A_59], %swap3A_62 {strides = array<i32>} : memref<128xf32, #tpu.memory_space<vmem>>, vector<16xf32>,
    %swap3A_63 = arith.constant 112 : index
    %swap3A_64 = tpu.vector_load %arg7[%swap3A_63] {strides = array<i32>} : memref<128xf32, #tpu.memory_space<vmem>>, vector<16xf32>,
    %swap3A_65 = vector.shape_cast %swap3A_64 : vector<16xf32> to vector<16xf32>
    %swap3A_66 = vector.shape_cast %broadcast_in_dim3A_3 : vector<16xf32> to vector<16xf32>
    tpu.vector_store %arg7[%swap3A_63], %swap3A_66 {strides = array<i32>} : memref<128xf32, #tpu.memory_space<vmem>>, vector<16xf32>,
    %mul3A_67 = arith.constant 640 : i32
    %mul3A_68 = arith.muli %arg1, %mul3A_67 : i32
    %add3A_69 = arith.constant 0 : i32
    %add3A_70 = arith.addi %mul3A_68, %add3A_69 : i32
    "tpu.region"() ({
      %run_scoped3A = tpu.sem_alloc : memref<!tpu.dma_semaphore, #tpu.memory_space<semaphore_mem>>
      %dma_start3A = tpu.memref_slice %arg8[%add3A_70] : memref<10240xf32, #tpu.memory_space<vmem_shared>> -> memref<128xf32, #tpu.memory_space<vmem_shared>>
      %dma_start3A_114 = tpu.memref_slice %arg8[%add3A_70] : memref<10240xf32, #tpu.memory_space<vmem_shared>> -> memref<128xf32, #tpu.memory_space<vmem_shared>>
      tpu.enqueue_dma source(%arg7 : memref<128xf32, #tpu.memory_space<vmem>>) target(%dma_start3A_114 : memref<128xf32, #tpu.memory_space<vmem_shared>>) target_semaphore(%run_scoped3A : memref<!tpu.dma_semaphore, #tpu.memory_space<semaphore_mem>>)
      %dma_wait3A = tpu.memref_slice %arg8[%add3A_70] : memref<10240xf32, #tpu.memory_space<vmem_shared>> -> memref<128xf32, #tpu.memory_space<vmem_shared>>
      %dma_wait3A_115 = tpu.memref_slice %arg8[%add3A_70] : memref<10240xf32, #tpu.memory_space<vmem_shared>> -> memref<128xf32, #tpu.memory_space<vmem_shared>>
      tpu.wait_dma2 semaphore(%run_scoped3A : memref<!tpu.dma_semaphore, #tpu.memory_space<semaphore_mem>>) src(%arg7 : memref<128xf32, #tpu.memory_space<vmem>>) dst(%dma_wait3A_115 : memref<128xf32, #tpu.memory_space<vmem_shared>>)
      tpu.yield
    }) : () -> ()
    %mul3A_71 = arith.constant 640 : i32
    %mul3A_72 = arith.muli %arg1, %mul3A_71 : i32
    %add3A_73 = arith.constant 128 : i32
    %add3A_74 = arith.addi %mul3A_72, %add3A_73 : i32
    "tpu.region"() ({
      %run_scoped3A = tpu.sem_alloc : memref<!tpu.dma_semaphore, #tpu.memory_space<semaphore_mem>>
      %dma_start3A = tpu.memref_slice %arg8[%add3A_74] : memref<10240xf32, #tpu.memory_space<vmem_shared>> -> memref<128xf32, #tpu.memory_space<vmem_shared>>
      %dma_start3A_114 = tpu.memref_slice %arg8[%add3A_74] : memref<10240xf32, #tpu.memory_space<vmem_shared>> -> memref<128xf32, #tpu.memory_space<vmem_shared>>
      tpu.enqueue_dma source(%arg7 : memref<128xf32, #tpu.memory_space<vmem>>) target(%dma_start3A_114 : memref<128xf32, #tpu.memory_space<vmem_shared>>) target_semaphore(%run_scoped3A : memref<!tpu.dma_semaphore, #tpu.memory_space<semaphore_mem>>)
      %dma_wait3A = tpu.memref_slice %arg8[%add3A_74] : memref<10240xf32, #tpu.memory_space<vmem_shared>> -> memref<128xf32, #tpu.memory_space<vmem_shared>>
      %dma_wait3A_115 = tpu.memref_slice %arg8[%add3A_74] : memref<10240xf32, #tpu.memory_space<vmem_shared>> -> memref<128xf32, #tpu.memory_space<vmem_shared>>
      tpu.wait_dma2 semaphore(%run_scoped3A : memref<!tpu.dma_semaphore, #tpu.memory_space<semaphore_mem>>) src(%arg7 : memref<128xf32, #tpu.memory_space<vmem>>) dst(%dma_wait3A_115 : memref<128xf32, #tpu.memory_space<vmem_shared>>)
      tpu.yield
    }) : () -> ()
    %mul3A_75 = arith.constant 640 : i32
    %mul3A_76 = arith.muli %arg1, %mul3A_75 : i32
    %add3A_77 = arith.constant 256 : i32
    %add3A_78 = arith.addi %mul3A_76, %add3A_77 : i32
    "tpu.region"() ({
      %run_scoped3A = tpu.sem_alloc : memref<!tpu.dma_semaphore, #tpu.memory_space<semaphore_mem>>
      %dma_start3A = tpu.memref_slice %arg8[%add3A_78] : memref<10240xf32, #tpu.memory_space<vmem_shared>> -> memref<128xf32, #tpu.memory_space<vmem_shared>>
      %dma_start3A_114 = tpu.memref_slice %arg8[%add3A_78] : memref<10240xf32, #tpu.memory_space<vmem_shared>> -> memref<128xf32, #tpu.memory_space<vmem_shared>>
      tpu.enqueue_dma source(%arg7 : memref<128xf32, #tpu.memory_space<vmem>>) target(%dma_start3A_114 : memref<128xf32, #tpu.memory_space<vmem_shared>>) target_semaphore(%run_scoped3A : memref<!tpu.dma_semaphore, #tpu.memory_space<semaphore_mem>>)
      %dma_wait3A = tpu.memref_slice %arg8[%add3A_78] : memref<10240xf32, #tpu.memory_space<vmem_shared>> -> memref<128xf32, #tpu.memory_space<vmem_shared>>
      %dma_wait3A_115 = tpu.memref_slice %arg8[%add3A_78] : memref<10240xf32, #tpu.memory_space<vmem_shared>> -> memref<128xf32, #tpu.memory_space<vmem_shared>>
      tpu.wait_dma2 semaphore(%run_scoped3A : memref<!tpu.dma_semaphore, #tpu.memory_space<semaphore_mem>>) src(%arg7 : memref<128xf32, #tpu.memory_space<vmem>>) dst(%dma_wait3A_115 : memref<128xf32, #tpu.memory_space<vmem_shared>>)
      tpu.yield
    }) : () -> ()
    %mul3A_79 = arith.constant 640 : i32
    %mul3A_80 = arith.muli %arg1, %mul3A_79 : i32
    %add3A_81 = arith.constant 384 : i32
    %add3A_82 = arith.addi %mul3A_80, %add3A_81 : i32
    "tpu.region"() ({
      %run_scoped3A = tpu.sem_alloc : memref<!tpu.dma_semaphore, #tpu.memory_space<semaphore_mem>>
      %dma_start3A = tpu.memref_slice %arg8[%add3A_82] : memref<10240xf32, #tpu.memory_space<vmem_shared>> -> memref<128xf32, #tpu.memory_space<vmem_shared>>
      %dma_start3A_114 = tpu.memref_slice %arg8[%add3A_82] : memref<10240xf32, #tpu.memory_space<vmem_shared>> -> memref<128xf32, #tpu.memory_space<vmem_shared>>
      tpu.enqueue_dma source(%arg7 : memref<128xf32, #tpu.memory_space<vmem>>) target(%dma_start3A_114 : memref<128xf32, #tpu.memory_space<vmem_shared>>) target_semaphore(%run_scoped3A : memref<!tpu.dma_semaphore, #tpu.memory_space<semaphore_mem>>)
      %dma_wait3A = tpu.memref_slice %arg8[%add3A_82] : memref<10240xf32, #tpu.memory_space<vmem_shared>> -> memref<128xf32, #tpu.memory_space<vmem_shared>>
      %dma_wait3A_115 = tpu.memref_slice %arg8[%add3A_82] : memref<10240xf32, #tpu.memory_space<vmem_shared>> -> memref<128xf32, #tpu.memory_space<vmem_shared>>
      tpu.wait_dma2 semaphore(%run_scoped3A : memref<!tpu.dma_semaphore, #tpu.memory_space<semaphore_mem>>) src(%arg7 : memref<128xf32, #tpu.memory_space<vmem>>) dst(%dma_wait3A_115 : memref<128xf32, #tpu.memory_space<vmem_shared>>)
      tpu.yield
    }) : () -> ()
    %mul3A_83 = arith.constant 640 : i32
    %mul3A_84 = arith.muli %arg1, %mul3A_83 : i32
    %add3A_85 = arith.constant 512 : i32
    %add3A_86 = arith.addi %mul3A_84, %add3A_85 : i32
    "tpu.region"() ({
      %run_scoped3A = tpu.sem_alloc : memref<!tpu.dma_semaphore, #tpu.memory_space<semaphore_mem>>
      %dma_start3A = tpu.memref_slice %arg8[%add3A_86] : memref<10240xf32, #tpu.memory_space<vmem_shared>> -> memref<128xf32, #tpu.memory_space<vmem_shared>>
      %dma_start3A_114 = tpu.memref_slice %arg8[%add3A_86] : memref<10240xf32, #tpu.memory_space<vmem_shared>> -> memref<128xf32, #tpu.memory_space<vmem_shared>>
      tpu.enqueue_dma source(%arg7 : memref<128xf32, #tpu.memory_space<vmem>>) target(%dma_start3A_114 : memref<128xf32, #tpu.memory_space<vmem_shared>>) target_semaphore(%run_scoped3A : memref<!tpu.dma_semaphore, #tpu.memory_space<semaphore_mem>>)
      %dma_wait3A = tpu.memref_slice %arg8[%add3A_86] : memref<10240xf32, #tpu.memory_space<vmem_shared>> -> memref<128xf32, #tpu.memory_space<vmem_shared>>
      %dma_wait3A_115 = tpu.memref_slice %arg8[%add3A_86] : memref<10240xf32, #tpu.memory_space<vmem_shared>> -> memref<128xf32, #tpu.memory_space<vmem_shared>>
      tpu.wait_dma2 semaphore(%run_scoped3A : memref<!tpu.dma_semaphore, #tpu.memory_space<semaphore_mem>>) src(%arg7 : memref<128xf32, #tpu.memory_space<vmem>>) dst(%dma_wait3A_115 : memref<128xf32, #tpu.memory_space<vmem_shared>>)
      tpu.yield
    }) : () -> ()
    %barrier3A = arith.constant 0 : index
    tpu.barrier barrier_id(%barrier3A)
    %mul3A_87 = arith.constant 78 : i32
    %mul3A_88 = arith.muli %add3A, %mul3A_87 : i32
    %min3A = arith.constant 4 : i32
    %min3A_89 = arith.minsi %add3A, %min3A : i32
    %add3A_90 = arith.addi %mul3A_88, %min3A_89 : i32
    %lt3A = arith.constant 4 : i32
    %lt3A_91 = arith.cmpi slt, %add3A, %lt3A : i32
    %convert_element_type3A = arith.extui %lt3A_91 : i1 to i32
    %add3A_92 = arith.constant 78 : i32
    %add3A_93 = arith.addi %add3A_92, %convert_element_type3A : i32
    %while3A = arith.constant 0 : i32
    %while3A_94 = arith.constant 0 : i32
    %while3A_95 = arith.subi %add3A_93, %while3A_94 : i32
    %while3A_96 = arith.addi %while3A_94, %while3A_95 : i32
    %while3A_97 = arith.constant 1 : i32
    %while3A_98 = arith.divsi %while3A_95, %while3A_97 : i32
    %while3A_99 = arith.muli %while3A_98, %while3A_97 : i32
    %while3A_100 = arith.addi %while3A_94, %while3A_99 : i32
    %while3A_101 = arith.constant 1 : i32
    scf.for %while3A_114 = %while3A_94 to %while3A_100 step %while3A_101  : i32 {
      %add3A_115 = arith.addi %add3A_90, %while3A_114 : i32
      %mul3A_116 = arith.constant 128 : i32
      %mul3A_117 = arith.muli %add3A_115, %mul3A_116 : i32
      "tpu.region"() ({
        %run_scoped3A = tpu.sem_alloc : memref<!tpu.dma_semaphore, #tpu.memory_space<semaphore_mem>>
        %dma_start3A = tpu.memref_slice %arg2[%mul3A_117] : memref<320000xi32, #tpu.memory_space<hbm>> -> memref<128xi32, #tpu.memory_space<hbm>>
        %dma_start3A_118 = tpu.memref_slice %arg2[%mul3A_117] : memref<320000xi32, #tpu.memory_space<hbm>> -> memref<128xi32, #tpu.memory_space<hbm>>
        tpu.enqueue_dma source(%dma_start3A_118 : memref<128xi32, #tpu.memory_space<hbm>>) target(%arg6 : memref<128xi32, #tpu.memory_space<vmem>>) target_semaphore(%run_scoped3A : memref<!tpu.dma_semaphore, #tpu.memory_space<semaphore_mem>>)
        %dma_wait3A = tpu.memref_slice %arg2[%mul3A_117] : memref<320000xi32, #tpu.memory_space<hbm>> -> memref<128xi32, #tpu.memory_space<hbm>>
        %dma_wait3A_119 = tpu.memref_slice %arg2[%mul3A_117] : memref<320000xi32, #tpu.memory_space<hbm>> -> memref<128xi32, #tpu.memory_space<hbm>>
        tpu.wait_dma2 semaphore(%run_scoped3A : memref<!tpu.dma_semaphore, #tpu.memory_space<semaphore_mem>>) src(%dma_wait3A_119 : memref<128xi32, #tpu.memory_space<hbm>>) dst(%arg6 : memref<128xi32, #tpu.memory_space<vmem>>)
        tpu.yield
      }) : () -> ()
      "tpu.region"() ({
        %run_scoped3A = tpu.sem_alloc : memref<!tpu.dma_semaphore, #tpu.memory_space<semaphore_mem>>
        %dma_start3A = arith.constant 0 : i32
        %dma_start3A_118 = tpu.memref_slice %arg8[%dma_start3A] : memref<10240xf32, #tpu.memory_space<vmem_shared>> -> memref<10240xf32, #tpu.memory_space<vmem_shared>>
        tpu.enqueue_indirect_dma source(%arg5 : memref<128xf32, #tpu.memory_space<vmem>>) target(%dma_start3A_118 : memref<10240xf32, #tpu.memory_space<vmem_shared>>) offsets(%arg6 : memref<128xi32, #tpu.memory_space<vmem>>) semaphore(%run_scoped3A : memref<!tpu.dma_semaphore, #tpu.memory_space<semaphore_mem>>) {add = true}
        %dma_wait3A = arith.constant 0 : i32
        %dma_wait3A_119 = tpu.memref_slice %arg8[%dma_wait3A] : memref<10240xf32, #tpu.memory_space<vmem_shared>> -> memref<10240xf32, #tpu.memory_space<vmem_shared>>
        tpu.wait_indirect_dma semaphore(%run_scoped3A : memref<!tpu.dma_semaphore, #tpu.memory_space<semaphore_mem>>) src(%arg5 : memref<128xf32, #tpu.memory_space<vmem>>) dst(%dma_wait3A_119 : memref<10240xf32, #tpu.memory_space<vmem_shared>>)
        tpu.yield
      }) : () -> ()
    }
    %while3A_102 = arith.constant 1 : i32
    scf.for %while3A_114 = %while3A_100 to %while3A_96 step %while3A_102  : i32 {
      %add3A_115 = arith.addi %add3A_90, %while3A_114 : i32
      %mul3A_116 = arith.constant 128 : i32
      %mul3A_117 = arith.muli %add3A_115, %mul3A_116 : i32
      "tpu.region"() ({
        %run_scoped3A = tpu.sem_alloc : memref<!tpu.dma_semaphore, #tpu.memory_space<semaphore_mem>>
        %dma_start3A = tpu.memref_slice %arg2[%mul3A_117] : memref<320000xi32, #tpu.memory_space<hbm>> -> memref<128xi32, #tpu.memory_space<hbm>>
        %dma_start3A_118 = tpu.memref_slice %arg2[%mul3A_117] : memref<320000xi32, #tpu.memory_space<hbm>> -> memref<128xi32, #tpu.memory_space<hbm>>
        tpu.enqueue_dma source(%dma_start3A_118 : memref<128xi32, #tpu.memory_space<hbm>>) target(%arg6 : memref<128xi32, #tpu.memory_space<vmem>>) target_semaphore(%run_scoped3A : memref<!tpu.dma_semaphore, #tpu.memory_space<semaphore_mem>>)
        %dma_wait3A = tpu.memref_slice %arg2[%mul3A_117] : memref<320000xi32, #tpu.memory_space<hbm>> -> memref<128xi32, #tpu.memory_space<hbm>>
        %dma_wait3A_119 = tpu.memref_slice %arg2[%mul3A_117] : memref<320000xi32, #tpu.memory_space<hbm>> -> memref<128xi32, #tpu.memory_space<hbm>>
        tpu.wait_dma2 semaphore(%run_scoped3A : memref<!tpu.dma_semaphore, #tpu.memory_space<semaphore_mem>>) src(%dma_wait3A_119 : memref<128xi32, #tpu.memory_space<hbm>>) dst(%arg6 : memref<128xi32, #tpu.memory_space<vmem>>)
        tpu.yield
      }) : () -> ()
      "tpu.region"() ({
        %run_scoped3A = tpu.sem_alloc : memref<!tpu.dma_semaphore, #tpu.memory_space<semaphore_mem>>
        %dma_start3A = arith.constant 0 : i32
        %dma_start3A_118 = tpu.memref_slice %arg8[%dma_start3A] : memref<10240xf32, #tpu.memory_space<vmem_shared>> -> memref<10240xf32, #tpu.memory_space<vmem_shared>>
        tpu.enqueue_indirect_dma source(%arg5 : memref<128xf32, #tpu.memory_space<vmem>>) target(%dma_start3A_118 : memref<10240xf32, #tpu.memory_space<vmem_shared>>) offsets(%arg6 : memref<128xi32, #tpu.memory_space<vmem>>) semaphore(%run_scoped3A : memref<!tpu.dma_semaphore, #tpu.memory_space<semaphore_mem>>) {add = true}
        %dma_wait3A = arith.constant 0 : i32
        %dma_wait3A_119 = tpu.memref_slice %arg8[%dma_wait3A] : memref<10240xf32, #tpu.memory_space<vmem_shared>> -> memref<10240xf32, #tpu.memory_space<vmem_shared>>
        tpu.wait_indirect_dma semaphore(%run_scoped3A : memref<!tpu.dma_semaphore, #tpu.memory_space<semaphore_mem>>) src(%arg5 : memref<128xf32, #tpu.memory_space<vmem>>) dst(%dma_wait3A_119 : memref<10240xf32, #tpu.memory_space<vmem_shared>>)
        tpu.yield
      }) : () -> ()
    }
    %barrier3A_103 = arith.constant 0 : index
    tpu.barrier barrier_id(%barrier3A_103)
    %mul3A_104 = arith.constant 640 : i32
    %mul3A_105 = arith.muli %arg1, %mul3A_104 : i32
    %eq3A = arith.constant 0 : i32
    %eq3A_106 = arith.cmpi eq, %arg0, %eq3A : i32
    %convert_element_type3A_107 = arith.extui %eq3A_106 : i1 to i32
    %cond3A = arith.constant 0 : i32
    %cond3A_108 = arith.cmpi ne, %convert_element_type3A_107, %cond3A : i32
    scf.if %cond3A_108 {
      "tpu.region"() ({
        %run_scoped3A = tpu.sem_alloc : memref<!tpu.dma_semaphore, #tpu.memory_space<semaphore_mem>>
        %dma_start3A = tpu.memref_slice %arg3[%mul3A_105] : memref<10240xf32, #tpu.memory_space<hbm>> -> memref<640xf32, #tpu.memory_space<hbm>>
        %dma_start3A_114 = tpu.memref_slice %arg8[%mul3A_105] : memref<10240xf32, #tpu.memory_space<vmem_shared>> -> memref<640xf32, #tpu.memory_space<vmem_shared>>
        tpu.enqueue_dma source(%dma_start3A_114 : memref<640xf32, #tpu.memory_space<vmem_shared>>) target(%dma_start3A : memref<640xf32, #tpu.memory_space<hbm>>) target_semaphore(%run_scoped3A : memref<!tpu.dma_semaphore, #tpu.memory_space<semaphore_mem>>)
        %dma_wait3A = tpu.memref_slice %arg3[%mul3A_105] : memref<10240xf32, #tpu.memory_space<hbm>> -> memref<640xf32, #tpu.memory_space<hbm>>
        %dma_wait3A_115 = tpu.memref_slice %arg8[%mul3A_105] : memref<10240xf32, #tpu.memory_space<vmem_shared>> -> memref<640xf32, #tpu.memory_space<vmem_shared>>
        tpu.wait_dma2 semaphore(%run_scoped3A : memref<!tpu.dma_semaphore, #tpu.memory_space<semaphore_mem>>) src(%dma_wait3A_115 : memref<640xf32, #tpu.memory_space<vmem_shared>>) dst(%dma_wait3A : memref<640xf32, #tpu.memory_space<hbm>>)
        tpu.yield
      }) : () -> ()
    } else {
    }
    %eq3A_109 = arith.constant 1 : i32
    %eq3A_110 = arith.cmpi eq, %arg0, %eq3A_109 : i32
    %convert_element_type3A_111 = arith.extui %eq3A_110 : i1 to i32
    %cond3A_112 = arith.constant 0 : i32
    %cond3A_113 = arith.cmpi ne, %convert_element_type3A_111, %cond3A_112 : i32
    scf.if %cond3A_113 {
      "tpu.region"() ({
        %run_scoped3A = tpu.sem_alloc : memref<!tpu.dma_semaphore, #tpu.memory_space<semaphore_mem>>
        %dma_start3A = tpu.memref_slice %arg4[%mul3A_105] : memref<10240xf32, #tpu.memory_space<hbm>> -> memref<640xf32, #tpu.memory_space<hbm>>
        %dma_start3A_114 = tpu.memref_slice %arg8[%mul3A_105] : memref<10240xf32, #tpu.memory_space<vmem_shared>> -> memref<640xf32, #tpu.memory_space<vmem_shared>>
        tpu.enqueue_dma source(%dma_start3A_114 : memref<640xf32, #tpu.memory_space<vmem_shared>>) target(%dma_start3A : memref<640xf32, #tpu.memory_space<hbm>>) target_semaphore(%run_scoped3A : memref<!tpu.dma_semaphore, #tpu.memory_space<semaphore_mem>>)
        %dma_wait3A = tpu.memref_slice %arg4[%mul3A_105] : memref<10240xf32, #tpu.memory_space<hbm>> -> memref<640xf32, #tpu.memory_space<hbm>>
        %dma_wait3A_115 = tpu.memref_slice %arg8[%mul3A_105] : memref<10240xf32, #tpu.memory_space<vmem_shared>> -> memref<640xf32, #tpu.memory_space<vmem_shared>>
        tpu.wait_dma2 semaphore(%run_scoped3A : memref<!tpu.dma_semaphore, #tpu.memory_space<semaphore_mem>>) src(%dma_wait3A_115 : memref<640xf32, #tpu.memory_space<vmem_shared>>) dst(%dma_wait3A : memref<640xf32, #tpu.memory_space<hbm>>)
        tpu.yield
      }) : () -> ()
    } else {
    }
    return
  }
}

#map = affine_map<(d0, d1) -> (0, 0)>
#map1 = affine_map<(d0, d1) -> (0)>
module attributes {stable_mosaic.version = 14 : i64} {
  func.func @_agg_body(%arg0: i32, %arg1: i32, %arg2: memref<10000x128xf32, #tpu.memory_space<hbm>>, %arg3: memref<320000xi32, #tpu.memory_space<hbm>>, %arg4: memref<320000xi32, #tpu.memory_space<hbm>>, %arg5: memref<10240x128xf32, #tpu.memory_space<hbm>>, %arg6: memref<10240x128xf32, #tpu.memory_space<hbm>>, %arg7: memref<128xi32, #tpu.memory_space<vmem>>, %arg8: memref<128xi32, #tpu.memory_space<vmem>>, %arg9: memref<128x128xf32, #tpu.memory_space<vmem>>, %arg10: memref<128xi32, #tpu.memory_space<vmem>>, %arg11: memref<128xi32, #tpu.memory_space<vmem>>, %arg12: memref<128x128xf32, #tpu.memory_space<vmem>>, %arg13: memref<10240x128xf32, #tpu.memory_space<vmem_shared>>, %arg14: memref<!tpu.dma_semaphore, #tpu.memory_space<semaphore_mem>>, %arg15: memref<!tpu.dma_semaphore, #tpu.memory_space<semaphore_mem>>) attributes {dimension_semantics = [#tpu.dimension_semantics<core_parallel>, #tpu.dimension_semantics<subcore_parallel>], iteration_bounds = array<i64: 2, 16>, scalar_prefetch = 0 : i64, scratch_operands = 9 : i64, tpu.core_type = #tpu.core_type<sc_vector_subcore>, window_params = [{transform_indices = #map}, {transform_indices = #map1}, {transform_indices = #map1}, {transform_indices = #map}, {transform_indices = #map}]} {
    %mul3A = arith.constant 16 : i32
    %mul3A_0 = arith.muli %arg0, %mul3A : i32
    %add3A = arith.addi %mul3A_0, %arg1 : i32
    %broadcast_in_dim3A = arith.constant 0.000000e+00 : f32
    %broadcast_in_dim3A_1 = vector.broadcast %broadcast_in_dim3A : f32 to vector<16xf32>
    %scan3A = arith.constant 0 : i32
    %scan3A_2 = arith.constant 0 : i32
    %scan3A_3 = arith.constant 128 : i32
    %scan3A_4 = arith.addi %scan3A_2, %scan3A_3 : i32
    %scan3A_5 = arith.constant 1 : i32
    scf.for %scan3A_76 = %scan3A_2 to %scan3A_4 step %scan3A_5  : i32 {
      %swap3A = arith.index_cast %scan3A_76 : i32 to index
      %swap3A_77 = arith.constant 0 : index
      %swap3A_78 = tpu.vector_load %arg9[%swap3A, %swap3A_77] {strides = array<i32>} : memref<128x128xf32, #tpu.memory_space<vmem>>, vector<1x16xf32>,
      %swap3A_79 = vector.shape_cast %swap3A_78 : vector<1x16xf32> to vector<16xf32>
      %swap3A_80 = vector.shape_cast %broadcast_in_dim3A_1 : vector<16xf32> to vector<1x16xf32>
      tpu.vector_store %arg9[%swap3A, %swap3A_77], %swap3A_80 {strides = array<i32>} : memref<128x128xf32, #tpu.memory_space<vmem>>, vector<1x16xf32>,
      %swap3A_81 = arith.index_cast %scan3A_76 : i32 to index
      %swap3A_82 = arith.constant 16 : index
      %swap3A_83 = tpu.vector_load %arg9[%swap3A_81, %swap3A_82] {strides = array<i32>} : memref<128x128xf32, #tpu.memory_space<vmem>>, vector<1x16xf32>,
      %swap3A_84 = vector.shape_cast %swap3A_83 : vector<1x16xf32> to vector<16xf32>
      %swap3A_85 = vector.shape_cast %broadcast_in_dim3A_1 : vector<16xf32> to vector<1x16xf32>
      tpu.vector_store %arg9[%swap3A_81, %swap3A_82], %swap3A_85 {strides = array<i32>} : memref<128x128xf32, #tpu.memory_space<vmem>>, vector<1x16xf32>,
      %swap3A_86 = arith.index_cast %scan3A_76 : i32 to index
      %swap3A_87 = arith.constant 32 : index
      %swap3A_88 = tpu.vector_load %arg9[%swap3A_86, %swap3A_87] {strides = array<i32>} : memref<128x128xf32, #tpu.memory_space<vmem>>, vector<1x16xf32>,
      %swap3A_89 = vector.shape_cast %swap3A_88 : vector<1x16xf32> to vector<16xf32>
      %swap3A_90 = vector.shape_cast %broadcast_in_dim3A_1 : vector<16xf32> to vector<1x16xf32>
      tpu.vector_store %arg9[%swap3A_86, %swap3A_87], %swap3A_90 {strides = array<i32>} : memref<128x128xf32, #tpu.memory_space<vmem>>, vector<1x16xf32>,
      %swap3A_91 = arith.index_cast %scan3A_76 : i32 to index
      %swap3A_92 = arith.constant 48 : index
      %swap3A_93 = tpu.vector_load %arg9[%swap3A_91, %swap3A_92] {strides = array<i32>} : memref<128x128xf32, #tpu.memory_space<vmem>>, vector<1x16xf32>,
      %swap3A_94 = vector.shape_cast %swap3A_93 : vector<1x16xf32> to vector<16xf32>
      %swap3A_95 = vector.shape_cast %broadcast_in_dim3A_1 : vector<16xf32> to vector<1x16xf32>
      tpu.vector_store %arg9[%swap3A_91, %swap3A_92], %swap3A_95 {strides = array<i32>} : memref<128x128xf32, #tpu.memory_space<vmem>>, vector<1x16xf32>,
      %swap3A_96 = arith.index_cast %scan3A_76 : i32 to index
      %swap3A_97 = arith.constant 64 : index
      %swap3A_98 = tpu.vector_load %arg9[%swap3A_96, %swap3A_97] {strides = array<i32>} : memref<128x128xf32, #tpu.memory_space<vmem>>, vector<1x16xf32>,
      %swap3A_99 = vector.shape_cast %swap3A_98 : vector<1x16xf32> to vector<16xf32>
      %swap3A_100 = vector.shape_cast %broadcast_in_dim3A_1 : vector<16xf32> to vector<1x16xf32>
      tpu.vector_store %arg9[%swap3A_96, %swap3A_97], %swap3A_100 {strides = array<i32>} : memref<128x128xf32, #tpu.memory_space<vmem>>, vector<1x16xf32>,
      %swap3A_101 = arith.index_cast %scan3A_76 : i32 to index
      %swap3A_102 = arith.constant 80 : index
      %swap3A_103 = tpu.vector_load %arg9[%swap3A_101, %swap3A_102] {strides = array<i32>} : memref<128x128xf32, #tpu.memory_space<vmem>>, vector<1x16xf32>,
      %swap3A_104 = vector.shape_cast %swap3A_103 : vector<1x16xf32> to vector<16xf32>
      %swap3A_105 = vector.shape_cast %broadcast_in_dim3A_1 : vector<16xf32> to vector<1x16xf32>
      tpu.vector_store %arg9[%swap3A_101, %swap3A_102], %swap3A_105 {strides = array<i32>} : memref<128x128xf32, #tpu.memory_space<vmem>>, vector<1x16xf32>,
      %swap3A_106 = arith.index_cast %scan3A_76 : i32 to index
      %swap3A_107 = arith.constant 96 : index
      %swap3A_108 = tpu.vector_load %arg9[%swap3A_106, %swap3A_107] {strides = array<i32>} : memref<128x128xf32, #tpu.memory_space<vmem>>, vector<1x16xf32>,
      %swap3A_109 = vector.shape_cast %swap3A_108 : vector<1x16xf32> to vector<16xf32>
      %swap3A_110 = vector.shape_cast %broadcast_in_dim3A_1 : vector<16xf32> to vector<1x16xf32>
      tpu.vector_store %arg9[%swap3A_106, %swap3A_107], %swap3A_110 {strides = array<i32>} : memref<128x128xf32, #tpu.memory_space<vmem>>, vector<1x16xf32>,
      %swap3A_111 = arith.index_cast %scan3A_76 : i32 to index
      %swap3A_112 = arith.constant 112 : index
      %swap3A_113 = tpu.vector_load %arg9[%swap3A_111, %swap3A_112] {strides = array<i32>} : memref<128x128xf32, #tpu.memory_space<vmem>>, vector<1x16xf32>,
      %swap3A_114 = vector.shape_cast %swap3A_113 : vector<1x16xf32> to vector<16xf32>
      %swap3A_115 = vector.shape_cast %broadcast_in_dim3A_1 : vector<16xf32> to vector<1x16xf32>
      tpu.vector_store %arg9[%swap3A_111, %swap3A_112], %swap3A_115 {strides = array<i32>} : memref<128x128xf32, #tpu.memory_space<vmem>>, vector<1x16xf32>,
    }
    %scan3A_6 = arith.constant 128 : i32
    %mul3A_7 = arith.constant 640 : i32
    %mul3A_8 = arith.muli %arg1, %mul3A_7 : i32
    %add3A_9 = arith.constant 0 : i32
    %add3A_10 = arith.addi %mul3A_8, %add3A_9 : i32
    "tpu.region"() ({
      %run_scoped3A = tpu.sem_alloc : memref<!tpu.dma_semaphore, #tpu.memory_space<semaphore_mem>>
      %dma_start3A = arith.constant 0 : i32
      %dma_start3A_76 = tpu.memref_slice %arg13[%add3A_10, %dma_start3A] : memref<10240x128xf32, #tpu.memory_space<vmem_shared>> -> memref<128x128xf32, #tpu.memory_space<vmem_shared>>
      %dma_start3A_77 = arith.constant 0 : i32
      %dma_start3A_78 = tpu.memref_slice %arg13[%add3A_10, %dma_start3A_77] : memref<10240x128xf32, #tpu.memory_space<vmem_shared>> -> memref<128x128xf32, #tpu.memory_space<vmem_shared>>
      tpu.enqueue_dma source(%arg9 : memref<128x128xf32, #tpu.memory_space<vmem>>) target(%dma_start3A_78 : memref<128x128xf32, #tpu.memory_space<vmem_shared>>) target_semaphore(%run_scoped3A : memref<!tpu.dma_semaphore, #tpu.memory_space<semaphore_mem>>)
      %dma_wait3A = arith.constant 0 : i32
      %dma_wait3A_79 = tpu.memref_slice %arg13[%add3A_10, %dma_wait3A] : memref<10240x128xf32, #tpu.memory_space<vmem_shared>> -> memref<128x128xf32, #tpu.memory_space<vmem_shared>>
      %dma_wait3A_80 = arith.constant 0 : i32
      %dma_wait3A_81 = tpu.memref_slice %arg13[%add3A_10, %dma_wait3A_80] : memref<10240x128xf32, #tpu.memory_space<vmem_shared>> -> memref<128x128xf32, #tpu.memory_space<vmem_shared>>
      tpu.wait_dma2 semaphore(%run_scoped3A : memref<!tpu.dma_semaphore, #tpu.memory_space<semaphore_mem>>) src(%arg9 : memref<128x128xf32, #tpu.memory_space<vmem>>) dst(%dma_wait3A_81 : memref<128x128xf32, #tpu.memory_space<vmem_shared>>)
      tpu.yield
    }) : () -> ()
    %mul3A_11 = arith.constant 640 : i32
    %mul3A_12 = arith.muli %arg1, %mul3A_11 : i32
    %add3A_13 = arith.constant 128 : i32
    %add3A_14 = arith.addi %mul3A_12, %add3A_13 : i32
    "tpu.region"() ({
      %run_scoped3A = tpu.sem_alloc : memref<!tpu.dma_semaphore, #tpu.memory_space<semaphore_mem>>
      %dma_start3A = arith.constant 0 : i32
      %dma_start3A_76 = tpu.memref_slice %arg13[%add3A_14, %dma_start3A] : memref<10240x128xf32, #tpu.memory_space<vmem_shared>> -> memref<128x128xf32, #tpu.memory_space<vmem_shared>>
      %dma_start3A_77 = arith.constant 0 : i32
      %dma_start3A_78 = tpu.memref_slice %arg13[%add3A_14, %dma_start3A_77] : memref<10240x128xf32, #tpu.memory_space<vmem_shared>> -> memref<128x128xf32, #tpu.memory_space<vmem_shared>>
      tpu.enqueue_dma source(%arg9 : memref<128x128xf32, #tpu.memory_space<vmem>>) target(%dma_start3A_78 : memref<128x128xf32, #tpu.memory_space<vmem_shared>>) target_semaphore(%run_scoped3A : memref<!tpu.dma_semaphore, #tpu.memory_space<semaphore_mem>>)
      %dma_wait3A = arith.constant 0 : i32
      %dma_wait3A_79 = tpu.memref_slice %arg13[%add3A_14, %dma_wait3A] : memref<10240x128xf32, #tpu.memory_space<vmem_shared>> -> memref<128x128xf32, #tpu.memory_space<vmem_shared>>
      %dma_wait3A_80 = arith.constant 0 : i32
      %dma_wait3A_81 = tpu.memref_slice %arg13[%add3A_14, %dma_wait3A_80] : memref<10240x128xf32, #tpu.memory_space<vmem_shared>> -> memref<128x128xf32, #tpu.memory_space<vmem_shared>>
      tpu.wait_dma2 semaphore(%run_scoped3A : memref<!tpu.dma_semaphore, #tpu.memory_space<semaphore_mem>>) src(%arg9 : memref<128x128xf32, #tpu.memory_space<vmem>>) dst(%dma_wait3A_81 : memref<128x128xf32, #tpu.memory_space<vmem_shared>>)
      tpu.yield
    }) : () -> ()
    %mul3A_15 = arith.constant 640 : i32
    %mul3A_16 = arith.muli %arg1, %mul3A_15 : i32
    %add3A_17 = arith.constant 256 : i32
    %add3A_18 = arith.addi %mul3A_16, %add3A_17 : i32
    "tpu.region"() ({
      %run_scoped3A = tpu.sem_alloc : memref<!tpu.dma_semaphore, #tpu.memory_space<semaphore_mem>>
      %dma_start3A = arith.constant 0 : i32
      %dma_start3A_76 = tpu.memref_slice %arg13[%add3A_18, %dma_start3A] : memref<10240x128xf32, #tpu.memory_space<vmem_shared>> -> memref<128x128xf32, #tpu.memory_space<vmem_shared>>
      %dma_start3A_77 = arith.constant 0 : i32
      %dma_start3A_78 = tpu.memref_slice %arg13[%add3A_18, %dma_start3A_77] : memref<10240x128xf32, #tpu.memory_space<vmem_shared>> -> memref<128x128xf32, #tpu.memory_space<vmem_shared>>
      tpu.enqueue_dma source(%arg9 : memref<128x128xf32, #tpu.memory_space<vmem>>) target(%dma_start3A_78 : memref<128x128xf32, #tpu.memory_space<vmem_shared>>) target_semaphore(%run_scoped3A : memref<!tpu.dma_semaphore, #tpu.memory_space<semaphore_mem>>)
      %dma_wait3A = arith.constant 0 : i32
      %dma_wait3A_79 = tpu.memref_slice %arg13[%add3A_18, %dma_wait3A] : memref<10240x128xf32, #tpu.memory_space<vmem_shared>> -> memref<128x128xf32, #tpu.memory_space<vmem_shared>>
      %dma_wait3A_80 = arith.constant 0 : i32
      %dma_wait3A_81 = tpu.memref_slice %arg13[%add3A_18, %dma_wait3A_80] : memref<10240x128xf32, #tpu.memory_space<vmem_shared>> -> memref<128x128xf32, #tpu.memory_space<vmem_shared>>
      tpu.wait_dma2 semaphore(%run_scoped3A : memref<!tpu.dma_semaphore, #tpu.memory_space<semaphore_mem>>) src(%arg9 : memref<128x128xf32, #tpu.memory_space<vmem>>) dst(%dma_wait3A_81 : memref<128x128xf32, #tpu.memory_space<vmem_shared>>)
      tpu.yield
    }) : () -> ()
    %mul3A_19 = arith.constant 640 : i32
    %mul3A_20 = arith.muli %arg1, %mul3A_19 : i32
    %add3A_21 = arith.constant 384 : i32
    %add3A_22 = arith.addi %mul3A_20, %add3A_21 : i32
    "tpu.region"() ({
      %run_scoped3A = tpu.sem_alloc : memref<!tpu.dma_semaphore, #tpu.memory_space<semaphore_mem>>
      %dma_start3A = arith.constant 0 : i32
      %dma_start3A_76 = tpu.memref_slice %arg13[%add3A_22, %dma_start3A] : memref<10240x128xf32, #tpu.memory_space<vmem_shared>> -> memref<128x128xf32, #tpu.memory_space<vmem_shared>>
      %dma_start3A_77 = arith.constant 0 : i32
      %dma_start3A_78 = tpu.memref_slice %arg13[%add3A_22, %dma_start3A_77] : memref<10240x128xf32, #tpu.memory_space<vmem_shared>> -> memref<128x128xf32, #tpu.memory_space<vmem_shared>>
      tpu.enqueue_dma source(%arg9 : memref<128x128xf32, #tpu.memory_space<vmem>>) target(%dma_start3A_78 : memref<128x128xf32, #tpu.memory_space<vmem_shared>>) target_semaphore(%run_scoped3A : memref<!tpu.dma_semaphore, #tpu.memory_space<semaphore_mem>>)
      %dma_wait3A = arith.constant 0 : i32
      %dma_wait3A_79 = tpu.memref_slice %arg13[%add3A_22, %dma_wait3A] : memref<10240x128xf32, #tpu.memory_space<vmem_shared>> -> memref<128x128xf32, #tpu.memory_space<vmem_shared>>
      %dma_wait3A_80 = arith.constant 0 : i32
      %dma_wait3A_81 = tpu.memref_slice %arg13[%add3A_22, %dma_wait3A_80] : memref<10240x128xf32, #tpu.memory_space<vmem_shared>> -> memref<128x128xf32, #tpu.memory_space<vmem_shared>>
      tpu.wait_dma2 semaphore(%run_scoped3A : memref<!tpu.dma_semaphore, #tpu.memory_space<semaphore_mem>>) src(%arg9 : memref<128x128xf32, #tpu.memory_space<vmem>>) dst(%dma_wait3A_81 : memref<128x128xf32, #tpu.memory_space<vmem_shared>>)
      tpu.yield
    }) : () -> ()
    %mul3A_23 = arith.constant 640 : i32
    %mul3A_24 = arith.muli %arg1, %mul3A_23 : i32
    %add3A_25 = arith.constant 512 : i32
    %add3A_26 = arith.addi %mul3A_24, %add3A_25 : i32
    "tpu.region"() ({
      %run_scoped3A = tpu.sem_alloc : memref<!tpu.dma_semaphore, #tpu.memory_space<semaphore_mem>>
      %dma_start3A = arith.constant 0 : i32
      %dma_start3A_76 = tpu.memref_slice %arg13[%add3A_26, %dma_start3A] : memref<10240x128xf32, #tpu.memory_space<vmem_shared>> -> memref<128x128xf32, #tpu.memory_space<vmem_shared>>
      %dma_start3A_77 = arith.constant 0 : i32
      %dma_start3A_78 = tpu.memref_slice %arg13[%add3A_26, %dma_start3A_77] : memref<10240x128xf32, #tpu.memory_space<vmem_shared>> -> memref<128x128xf32, #tpu.memory_space<vmem_shared>>
      tpu.enqueue_dma source(%arg9 : memref<128x128xf32, #tpu.memory_space<vmem>>) target(%dma_start3A_78 : memref<128x128xf32, #tpu.memory_space<vmem_shared>>) target_semaphore(%run_scoped3A : memref<!tpu.dma_semaphore, #tpu.memory_space<semaphore_mem>>)
      %dma_wait3A = arith.constant 0 : i32
      %dma_wait3A_79 = tpu.memref_slice %arg13[%add3A_26, %dma_wait3A] : memref<10240x128xf32, #tpu.memory_space<vmem_shared>> -> memref<128x128xf32, #tpu.memory_space<vmem_shared>>
      %dma_wait3A_80 = arith.constant 0 : i32
      %dma_wait3A_81 = tpu.memref_slice %arg13[%add3A_26, %dma_wait3A_80] : memref<10240x128xf32, #tpu.memory_space<vmem_shared>> -> memref<128x128xf32, #tpu.memory_space<vmem_shared>>
      tpu.wait_dma2 semaphore(%run_scoped3A : memref<!tpu.dma_semaphore, #tpu.memory_space<semaphore_mem>>) src(%arg9 : memref<128x128xf32, #tpu.memory_space<vmem>>) dst(%dma_wait3A_81 : memref<128x128xf32, #tpu.memory_space<vmem_shared>>)
      tpu.yield
    }) : () -> ()
    %barrier3A = arith.constant 0 : index
    tpu.barrier barrier_id(%barrier3A)
    %mul3A_27 = arith.constant 78 : i32
    %mul3A_28 = arith.muli %add3A, %mul3A_27 : i32
    %min3A = arith.constant 4 : i32
    %min3A_29 = arith.minsi %add3A, %min3A : i32
    %add3A_30 = arith.addi %mul3A_28, %min3A_29 : i32
    %lt3A = arith.constant 4 : i32
    %lt3A_31 = arith.cmpi slt, %add3A, %lt3A : i32
    %convert_element_type3A = arith.extui %lt3A_31 : i1 to i32
    %add3A_32 = arith.constant 78 : i32
    %add3A_33 = arith.addi %add3A_32, %convert_element_type3A : i32
    %gt3A = arith.constant 0 : i32
    %gt3A_34 = arith.cmpi sgt, %add3A_33, %gt3A : i32
    %convert_element_type3A_35 = arith.extui %gt3A_34 : i1 to i32
    %cond3A = arith.constant 0 : i32
    %cond3A_36 = arith.cmpi ne, %convert_element_type3A_35, %cond3A : i32
    scf.if %cond3A_36 {
      %add3A_76 = arith.constant 0 : i32
      %add3A_77 = arith.addi %add3A_30, %add3A_76 : i32
      %mul3A_78 = arith.constant 128 : i32
      %mul3A_79 = arith.muli %add3A_77, %mul3A_78 : i32
      "tpu.region"() ({
        %run_scoped3A = tpu.sem_alloc : memref<!tpu.dma_semaphore, #tpu.memory_space<semaphore_mem>>
        %dma_start3A_82 = tpu.memref_slice %arg3[%mul3A_79] : memref<320000xi32, #tpu.memory_space<hbm>> -> memref<128xi32, #tpu.memory_space<hbm>>
        %dma_start3A_83 = tpu.memref_slice %arg3[%mul3A_79] : memref<320000xi32, #tpu.memory_space<hbm>> -> memref<128xi32, #tpu.memory_space<hbm>>
        tpu.enqueue_dma source(%dma_start3A_83 : memref<128xi32, #tpu.memory_space<hbm>>) target(%arg7 : memref<128xi32, #tpu.memory_space<vmem>>) target_semaphore(%run_scoped3A : memref<!tpu.dma_semaphore, #tpu.memory_space<semaphore_mem>>)
        %dma_wait3A = tpu.memref_slice %arg3[%mul3A_79] : memref<320000xi32, #tpu.memory_space<hbm>> -> memref<128xi32, #tpu.memory_space<hbm>>
        %dma_wait3A_84 = tpu.memref_slice %arg3[%mul3A_79] : memref<320000xi32, #tpu.memory_space<hbm>> -> memref<128xi32, #tpu.memory_space<hbm>>
        tpu.wait_dma2 semaphore(%run_scoped3A : memref<!tpu.dma_semaphore, #tpu.memory_space<semaphore_mem>>) src(%dma_wait3A_84 : memref<128xi32, #tpu.memory_space<hbm>>) dst(%arg7 : memref<128xi32, #tpu.memory_space<vmem>>)
        tpu.yield
      }) : () -> ()
      "tpu.region"() ({
        %run_scoped3A = tpu.sem_alloc : memref<!tpu.dma_semaphore, #tpu.memory_space<semaphore_mem>>
        %dma_start3A_82 = tpu.memref_slice %arg4[%mul3A_79] : memref<320000xi32, #tpu.memory_space<hbm>> -> memref<128xi32, #tpu.memory_space<hbm>>
        %dma_start3A_83 = tpu.memref_slice %arg4[%mul3A_79] : memref<320000xi32, #tpu.memory_space<hbm>> -> memref<128xi32, #tpu.memory_space<hbm>>
        tpu.enqueue_dma source(%dma_start3A_83 : memref<128xi32, #tpu.memory_space<hbm>>) target(%arg8 : memref<128xi32, #tpu.memory_space<vmem>>) target_semaphore(%run_scoped3A : memref<!tpu.dma_semaphore, #tpu.memory_space<semaphore_mem>>)
        %dma_wait3A = tpu.memref_slice %arg4[%mul3A_79] : memref<320000xi32, #tpu.memory_space<hbm>> -> memref<128xi32, #tpu.memory_space<hbm>>
        %dma_wait3A_84 = tpu.memref_slice %arg4[%mul3A_79] : memref<320000xi32, #tpu.memory_space<hbm>> -> memref<128xi32, #tpu.memory_space<hbm>>
        tpu.wait_dma2 semaphore(%run_scoped3A : memref<!tpu.dma_semaphore, #tpu.memory_space<semaphore_mem>>) src(%dma_wait3A_84 : memref<128xi32, #tpu.memory_space<hbm>>) dst(%arg8 : memref<128xi32, #tpu.memory_space<vmem>>)
        tpu.yield
      }) : () -> ()
      %dma_start3A = arith.constant 0 : i32
      %dma_start3A_80 = arith.constant 0 : i32
      %dma_start3A_81 = tpu.memref_slice %arg2[%dma_start3A, %dma_start3A_80] : memref<10000x128xf32, #tpu.memory_space<hbm>> -> memref<10000x128xf32, #tpu.memory_space<hbm>>
      tpu.enqueue_indirect_dma source(%dma_start3A_81 : memref<10000x128xf32, #tpu.memory_space<hbm>>) target(%arg9 : memref<128x128xf32, #tpu.memory_space<vmem>>) offsets(%arg7 : memref<128xi32, #tpu.memory_space<vmem>>) semaphore(%arg14 : memref<!tpu.dma_semaphore, #tpu.memory_space<semaphore_mem>>)
    } else {
    }
    %add3A_37 = arith.constant 1 : i32
    %add3A_38 = arith.addi %add3A_33, %add3A_37 : i32
    %jit3A = arith.constant 2 : i32
    %div3A = arith.divsi %add3A_38, %jit3A : i32
    %sign3A = arith.constant 0 : i32
    %sign3A_39 = arith.cmpi sgt, %add3A_38, %sign3A : i32
    %sign3A_40 = arith.extui %sign3A_39 : i1 to i32
    %sign3A_41 = arith.constant 0 : i32
    %sign3A_42 = arith.cmpi slt, %add3A_38, %sign3A_41 : i32
    %sign3A_43 = arith.extui %sign3A_42 : i1 to i32
    %sign3A_44 = arith.subi %sign3A_40, %sign3A_43 : i32
    %sign3A_45 = arith.constant 0 : i32
    %sign3A_46 = arith.cmpi sgt, %jit3A, %sign3A_45 : i32
    %sign3A_47 = arith.extui %sign3A_46 : i1 to i32
    %sign3A_48 = arith.constant 0 : i32
    %sign3A_49 = arith.cmpi slt, %jit3A, %sign3A_48 : i32
    %sign3A_50 = arith.extui %sign3A_49 : i1 to i32
    %sign3A_51 = arith.subi %sign3A_47, %sign3A_50 : i32
    %ne3A = arith.cmpi ne, %sign3A_44, %sign3A_51 : i32
    %rem3A = arith.remsi %add3A_38, %jit3A : i32
    %ne3A_52 = arith.constant 0 : i32
    %ne3A_53 = arith.cmpi ne, %rem3A, %ne3A_52 : i32
    %and3A = arith.andi %ne3A, %ne3A_53 : i1
    %sub3A = arith.constant 1 : i32
    %sub3A_54 = arith.subi %div3A, %sub3A : i32
    %select_n3A = arith.select %and3A, %sub3A_54, %div3A : i32
    %while3A = arith.constant 0 : i32
    %while3A_55 = arith.constant 0 : i32
    %while3A_56 = arith.subi %select_n3A, %while3A_55 : i32
    %while3A_57 = arith.addi %while3A_55, %while3A_56 : i32
    %while3A_58 = arith.constant 1 : i32
    %while3A_59 = arith.divsi %while3A_56, %while3A_58 : i32
    %while3A_60 = arith.muli %while3A_59, %while3A_58 : i32
    %while3A_61 = arith.addi %while3A_55, %while3A_60 : i32
    %while3A_62 = arith.constant 1 : i32
    scf.for %while3A_76 = %while3A_55 to %while3A_61 step %while3A_62  : i32 {
      %mul3A_77 = arith.constant 2 : i32
      %mul3A_78 = arith.muli %mul3A_77, %while3A_76 : i32
      %lt3A_79 = arith.cmpi slt, %mul3A_78, %add3A_33 : i32
      %convert_element_type3A_80 = arith.extui %lt3A_79 : i1 to i32
      %cond3A_81 = arith.constant 0 : i32
      %cond3A_82 = arith.cmpi ne, %convert_element_type3A_80, %cond3A_81 : i32
      scf.if %cond3A_82 {
        %add3A_89 = arith.constant 1 : i32
        %add3A_90 = arith.addi %mul3A_78, %add3A_89 : i32
        %lt3A_91 = arith.cmpi slt, %add3A_90, %add3A_33 : i32
        %convert_element_type3A_92 = arith.extui %lt3A_91 : i1 to i32
        %cond3A_93 = arith.constant 0 : i32
        %cond3A_94 = arith.cmpi ne, %convert_element_type3A_92, %cond3A_93 : i32
        scf.if %cond3A_94 {
          %add3A_97 = arith.constant 1 : i32
          %add3A_98 = arith.addi %mul3A_78, %add3A_97 : i32
          %add3A_99 = arith.addi %add3A_30, %add3A_98 : i32
          %mul3A_100 = arith.constant 128 : i32
          %mul3A_101 = arith.muli %add3A_99, %mul3A_100 : i32
          "tpu.region"() ({
            %run_scoped3A = tpu.sem_alloc : memref<!tpu.dma_semaphore, #tpu.memory_space<semaphore_mem>>
            %dma_start3A_104 = tpu.memref_slice %arg3[%mul3A_101] : memref<320000xi32, #tpu.memory_space<hbm>> -> memref<128xi32, #tpu.memory_space<hbm>>
            %dma_start3A_105 = tpu.memref_slice %arg3[%mul3A_101] : memref<320000xi32, #tpu.memory_space<hbm>> -> memref<128xi32, #tpu.memory_space<hbm>>
            tpu.enqueue_dma source(%dma_start3A_105 : memref<128xi32, #tpu.memory_space<hbm>>) target(%arg10 : memref<128xi32, #tpu.memory_space<vmem>>) target_semaphore(%run_scoped3A : memref<!tpu.dma_semaphore, #tpu.memory_space<semaphore_mem>>)
            %dma_wait3A_106 = tpu.memref_slice %arg3[%mul3A_101] : memref<320000xi32, #tpu.memory_space<hbm>> -> memref<128xi32, #tpu.memory_space<hbm>>
            %dma_wait3A_107 = tpu.memref_slice %arg3[%mul3A_101] : memref<320000xi32, #tpu.memory_space<hbm>> -> memref<128xi32, #tpu.memory_space<hbm>>
            tpu.wait_dma2 semaphore(%run_scoped3A : memref<!tpu.dma_semaphore, #tpu.memory_space<semaphore_mem>>) src(%dma_wait3A_107 : memref<128xi32, #tpu.memory_space<hbm>>) dst(%arg10 : memref<128xi32, #tpu.memory_space<vmem>>)
            tpu.yield
          }) : () -> ()
          "tpu.region"() ({
            %run_scoped3A = tpu.sem_alloc : memref<!tpu.dma_semaphore, #tpu.memory_space<semaphore_mem>>
            %dma_start3A_104 = tpu.memref_slice %arg4[%mul3A_101] : memref<320000xi32, #tpu.memory_space<hbm>> -> memref<128xi32, #tpu.memory_space<hbm>>
            %dma_start3A_105 = tpu.memref_slice %arg4[%mul3A_101] : memref<320000xi32, #tpu.memory_space<hbm>> -> memref<128xi32, #tpu.memory_space<hbm>>
            tpu.enqueue_dma source(%dma_start3A_105 : memref<128xi32, #tpu.memory_space<hbm>>) target(%arg11 : memref<128xi32, #tpu.memory_space<vmem>>) target_semaphore(%run_scoped3A : memref<!tpu.dma_semaphore, #tpu.memory_space<semaphore_mem>>)
            %dma_wait3A_106 = tpu.memref_slice %arg4[%mul3A_101] : memref<320000xi32, #tpu.memory_space<hbm>> -> memref<128xi32, #tpu.memory_space<hbm>>
            %dma_wait3A_107 = tpu.memref_slice %arg4[%mul3A_101] : memref<320000xi32, #tpu.memory_space<hbm>> -> memref<128xi32, #tpu.memory_space<hbm>>
            tpu.wait_dma2 semaphore(%run_scoped3A : memref<!tpu.dma_semaphore, #tpu.memory_space<semaphore_mem>>) src(%dma_wait3A_107 : memref<128xi32, #tpu.memory_space<hbm>>) dst(%arg11 : memref<128xi32, #tpu.memory_space<vmem>>)
            tpu.yield
          }) : () -> ()
          %dma_start3A = arith.constant 0 : i32
          %dma_start3A_102 = arith.constant 0 : i32
          %dma_start3A_103 = tpu.memref_slice %arg2[%dma_start3A, %dma_start3A_102] : memref<10000x128xf32, #tpu.memory_space<hbm>> -> memref<10000x128xf32, #tpu.memory_space<hbm>>
          tpu.enqueue_indirect_dma source(%dma_start3A_103 : memref<10000x128xf32, #tpu.memory_space<hbm>>) target(%arg12 : memref<128x128xf32, #tpu.memory_space<vmem>>) offsets(%arg10 : memref<128xi32, #tpu.memory_space<vmem>>) semaphore(%arg15 : memref<!tpu.dma_semaphore, #tpu.memory_space<semaphore_mem>>)
        } else {
        }
        %dma_wait3A = arith.constant 0 : i32
        %dma_wait3A_95 = arith.constant 0 : i32
        %dma_wait3A_96 = tpu.memref_slice %arg2[%dma_wait3A, %dma_wait3A_95] : memref<10000x128xf32, #tpu.memory_space<hbm>> -> memref<10000x128xf32, #tpu.memory_space<hbm>>
        tpu.wait_indirect_dma semaphore(%arg14 : memref<!tpu.dma_semaphore, #tpu.memory_space<semaphore_mem>>) src(%dma_wait3A_96 : memref<10000x128xf32, #tpu.memory_space<hbm>>) dst(%arg9 : memref<128x128xf32, #tpu.memory_space<vmem>>)
        "tpu.region"() ({
          %run_scoped3A = tpu.sem_alloc : memref<!tpu.dma_semaphore, #tpu.memory_space<semaphore_mem>>
          %dma_start3A = arith.constant 0 : i32
          %dma_start3A_97 = arith.constant 0 : i32
          %dma_start3A_98 = tpu.memref_slice %arg13[%dma_start3A, %dma_start3A_97] : memref<10240x128xf32, #tpu.memory_space<vmem_shared>> -> memref<10240x128xf32, #tpu.memory_space<vmem_shared>>
          tpu.enqueue_indirect_dma source(%arg9 : memref<128x128xf32, #tpu.memory_space<vmem>>) target(%dma_start3A_98 : memref<10240x128xf32, #tpu.memory_space<vmem_shared>>) offsets(%arg8 : memref<128xi32, #tpu.memory_space<vmem>>) semaphore(%run_scoped3A : memref<!tpu.dma_semaphore, #tpu.memory_space<semaphore_mem>>) {add = true}
          %dma_wait3A_99 = arith.constant 0 : i32
          %dma_wait3A_100 = arith.constant 0 : i32
          %dma_wait3A_101 = tpu.memref_slice %arg13[%dma_wait3A_99, %dma_wait3A_100] : memref<10240x128xf32, #tpu.memory_space<vmem_shared>> -> memref<10240x128xf32, #tpu.memory_space<vmem_shared>>
          tpu.wait_indirect_dma semaphore(%run_scoped3A : memref<!tpu.dma_semaphore, #tpu.memory_space<semaphore_mem>>) src(%arg9 : memref<128x128xf32, #tpu.memory_space<vmem>>) dst(%dma_wait3A_101 : memref<10240x128xf32, #tpu.memory_space<vmem_shared>>)
          tpu.yield
        }) : () -> ()
      } else {
      }
      %add3A_83 = arith.constant 1 : i32
      %add3A_84 = arith.addi %mul3A_78, %add3A_83 : i32
      %lt3A_85 = arith.cmpi slt, %add3A_84, %add3A_33 : i32
      %convert_element_type3A_86 = arith.extui %lt3A_85 : i1 to i32
      %cond3A_87 = arith.constant 0 : i32
      %cond3A_88 = arith.cmpi ne, %convert_element_type3A_86, %cond3A_87 : i32
      scf.if %cond3A_88 {
        %add3A_89 = arith.constant 1 : i32
        %add3A_90 = arith.addi %mul3A_78, %add3A_89 : i32
        %add3A_91 = arith.constant 1 : i32
        %add3A_92 = arith.addi %add3A_90, %add3A_91 : i32
        %lt3A_93 = arith.cmpi slt, %add3A_92, %add3A_33 : i32
        %convert_element_type3A_94 = arith.extui %lt3A_93 : i1 to i32
        %cond3A_95 = arith.constant 0 : i32
        %cond3A_96 = arith.cmpi ne, %convert_element_type3A_94, %cond3A_95 : i32
        scf.if %cond3A_96 {
          %add3A_99 = arith.constant 1 : i32
          %add3A_100 = arith.addi %add3A_90, %add3A_99 : i32
          %add3A_101 = arith.addi %add3A_30, %add3A_100 : i32
          %mul3A_102 = arith.constant 128 : i32
          %mul3A_103 = arith.muli %add3A_101, %mul3A_102 : i32
          "tpu.region"() ({
            %run_scoped3A = tpu.sem_alloc : memref<!tpu.dma_semaphore, #tpu.memory_space<semaphore_mem>>
            %dma_start3A_106 = tpu.memref_slice %arg3[%mul3A_103] : memref<320000xi32, #tpu.memory_space<hbm>> -> memref<128xi32, #tpu.memory_space<hbm>>
            %dma_start3A_107 = tpu.memref_slice %arg3[%mul3A_103] : memref<320000xi32, #tpu.memory_space<hbm>> -> memref<128xi32, #tpu.memory_space<hbm>>
            tpu.enqueue_dma source(%dma_start3A_107 : memref<128xi32, #tpu.memory_space<hbm>>) target(%arg7 : memref<128xi32, #tpu.memory_space<vmem>>) target_semaphore(%run_scoped3A : memref<!tpu.dma_semaphore, #tpu.memory_space<semaphore_mem>>)
            %dma_wait3A_108 = tpu.memref_slice %arg3[%mul3A_103] : memref<320000xi32, #tpu.memory_space<hbm>> -> memref<128xi32, #tpu.memory_space<hbm>>
            %dma_wait3A_109 = tpu.memref_slice %arg3[%mul3A_103] : memref<320000xi32, #tpu.memory_space<hbm>> -> memref<128xi32, #tpu.memory_space<hbm>>
            tpu.wait_dma2 semaphore(%run_scoped3A : memref<!tpu.dma_semaphore, #tpu.memory_space<semaphore_mem>>) src(%dma_wait3A_109 : memref<128xi32, #tpu.memory_space<hbm>>) dst(%arg7 : memref<128xi32, #tpu.memory_space<vmem>>)
            tpu.yield
          }) : () -> ()
          "tpu.region"() ({
            %run_scoped3A = tpu.sem_alloc : memref<!tpu.dma_semaphore, #tpu.memory_space<semaphore_mem>>
            %dma_start3A_106 = tpu.memref_slice %arg4[%mul3A_103] : memref<320000xi32, #tpu.memory_space<hbm>> -> memref<128xi32, #tpu.memory_space<hbm>>
            %dma_start3A_107 = tpu.memref_slice %arg4[%mul3A_103] : memref<320000xi32, #tpu.memory_space<hbm>> -> memref<128xi32, #tpu.memory_space<hbm>>
            tpu.enqueue_dma source(%dma_start3A_107 : memref<128xi32, #tpu.memory_space<hbm>>) target(%arg8 : memref<128xi32, #tpu.memory_space<vmem>>) target_semaphore(%run_scoped3A : memref<!tpu.dma_semaphore, #tpu.memory_space<semaphore_mem>>)
            %dma_wait3A_108 = tpu.memref_slice %arg4[%mul3A_103] : memref<320000xi32, #tpu.memory_space<hbm>> -> memref<128xi32, #tpu.memory_space<hbm>>
            %dma_wait3A_109 = tpu.memref_slice %arg4[%mul3A_103] : memref<320000xi32, #tpu.memory_space<hbm>> -> memref<128xi32, #tpu.memory_space<hbm>>
            tpu.wait_dma2 semaphore(%run_scoped3A : memref<!tpu.dma_semaphore, #tpu.memory_space<semaphore_mem>>) src(%dma_wait3A_109 : memref<128xi32, #tpu.memory_space<hbm>>) dst(%arg8 : memref<128xi32, #tpu.memory_space<vmem>>)
            tpu.yield
          }) : () -> ()
          %dma_start3A = arith.constant 0 : i32
          %dma_start3A_104 = arith.constant 0 : i32
          %dma_start3A_105 = tpu.memref_slice %arg2[%dma_start3A, %dma_start3A_104] : memref<10000x128xf32, #tpu.memory_space<hbm>> -> memref<10000x128xf32, #tpu.memory_space<hbm>>
          tpu.enqueue_indirect_dma source(%dma_start3A_105 : memref<10000x128xf32, #tpu.memory_space<hbm>>) target(%arg9 : memref<128x128xf32, #tpu.memory_space<vmem>>) offsets(%arg7 : memref<128xi32, #tpu.memory_space<vmem>>) semaphore(%arg14 : memref<!tpu.dma_semaphore, #tpu.memory_space<semaphore_mem>>)
        } else {
        }
        %dma_wait3A = arith.constant 0 : i32
        %dma_wait3A_97 = arith.constant 0 : i32
        %dma_wait3A_98 = tpu.memref_slice %arg2[%dma_wait3A, %dma_wait3A_97] : memref<10000x128xf32, #tpu.memory_space<hbm>> -> memref<10000x128xf32, #tpu.memory_space<hbm>>
        tpu.wait_indirect_dma semaphore(%arg15 : memref<!tpu.dma_semaphore, #tpu.memory_space<semaphore_mem>>) src(%dma_wait3A_98 : memref<10000x128xf32, #tpu.memory_space<hbm>>) dst(%arg12 : memref<128x128xf32, #tpu.memory_space<vmem>>)
        "tpu.region"() ({
          %run_scoped3A = tpu.sem_alloc : memref<!tpu.dma_semaphore, #tpu.memory_space<semaphore_mem>>
          %dma_start3A = arith.constant 0 : i32
          %dma_start3A_99 = arith.constant 0 : i32
          %dma_start3A_100 = tpu.memref_slice %arg13[%dma_start3A, %dma_start3A_99] : memref<10240x128xf32, #tpu.memory_space<vmem_shared>> -> memref<10240x128xf32, #tpu.memory_space<vmem_shared>>
          tpu.enqueue_indirect_dma source(%arg12 : memref<128x128xf32, #tpu.memory_space<vmem>>) target(%dma_start3A_100 : memref<10240x128xf32, #tpu.memory_space<vmem_shared>>) offsets(%arg11 : memref<128xi32, #tpu.memory_space<vmem>>) semaphore(%run_scoped3A : memref<!tpu.dma_semaphore, #tpu.memory_space<semaphore_mem>>) {add = true}
          %dma_wait3A_101 = arith.constant 0 : i32
          %dma_wait3A_102 = arith.constant 0 : i32
          %dma_wait3A_103 = tpu.memref_slice %arg13[%dma_wait3A_101, %dma_wait3A_102] : memref<10240x128xf32, #tpu.memory_space<vmem_shared>> -> memref<10240x128xf32, #tpu.memory_space<vmem_shared>>
          tpu.wait_indirect_dma semaphore(%run_scoped3A : memref<!tpu.dma_semaphore, #tpu.memory_space<semaphore_mem>>) src(%arg12 : memref<128x128xf32, #tpu.memory_space<vmem>>) dst(%dma_wait3A_103 : memref<10240x128xf32, #tpu.memory_space<vmem_shared>>)
          tpu.yield
        }) : () -> ()
      } else {
      }
    }
    %while3A_63 = arith.constant 1 : i32
    scf.for %while3A_76 = %while3A_61 to %while3A_57 step %while3A_63  : i32 {
      %mul3A_77 = arith.constant 2 : i32
      %mul3A_78 = arith.muli %mul3A_77, %while3A_76 : i32
      %lt3A_79 = arith.cmpi slt, %mul3A_78, %add3A_33 : i32
      %convert_element_type3A_80 = arith.extui %lt3A_79 : i1 to i32
      %cond3A_81 = arith.constant 0 : i32
      %cond3A_82 = arith.cmpi ne, %convert_element_type3A_80, %cond3A_81 : i32
      scf.if %cond3A_82 {
        %add3A_89 = arith.constant 1 : i32
        %add3A_90 = arith.addi %mul3A_78, %add3A_89 : i32
        %lt3A_91 = arith.cmpi slt, %add3A_90, %add3A_33 : i32
        %convert_element_type3A_92 = arith.extui %lt3A_91 : i1 to i32
        %cond3A_93 = arith.constant 0 : i32
        %cond3A_94 = arith.cmpi ne, %convert_element_type3A_92, %cond3A_93 : i32
        scf.if %cond3A_94 {
          %add3A_97 = arith.constant 1 : i32
          %add3A_98 = arith.addi %mul3A_78, %add3A_97 : i32
          %add3A_99 = arith.addi %add3A_30, %add3A_98 : i32
          %mul3A_100 = arith.constant 128 : i32
          %mul3A_101 = arith.muli %add3A_99, %mul3A_100 : i32
          "tpu.region"() ({
            %run_scoped3A = tpu.sem_alloc : memref<!tpu.dma_semaphore, #tpu.memory_space<semaphore_mem>>
            %dma_start3A_104 = tpu.memref_slice %arg3[%mul3A_101] : memref<320000xi32, #tpu.memory_space<hbm>> -> memref<128xi32, #tpu.memory_space<hbm>>
            %dma_start3A_105 = tpu.memref_slice %arg3[%mul3A_101] : memref<320000xi32, #tpu.memory_space<hbm>> -> memref<128xi32, #tpu.memory_space<hbm>>
            tpu.enqueue_dma source(%dma_start3A_105 : memref<128xi32, #tpu.memory_space<hbm>>) target(%arg10 : memref<128xi32, #tpu.memory_space<vmem>>) target_semaphore(%run_scoped3A : memref<!tpu.dma_semaphore, #tpu.memory_space<semaphore_mem>>)
            %dma_wait3A_106 = tpu.memref_slice %arg3[%mul3A_101] : memref<320000xi32, #tpu.memory_space<hbm>> -> memref<128xi32, #tpu.memory_space<hbm>>
            %dma_wait3A_107 = tpu.memref_slice %arg3[%mul3A_101] : memref<320000xi32, #tpu.memory_space<hbm>> -> memref<128xi32, #tpu.memory_space<hbm>>
            tpu.wait_dma2 semaphore(%run_scoped3A : memref<!tpu.dma_semaphore, #tpu.memory_space<semaphore_mem>>) src(%dma_wait3A_107 : memref<128xi32, #tpu.memory_space<hbm>>) dst(%arg10 : memref<128xi32, #tpu.memory_space<vmem>>)
            tpu.yield
          }) : () -> ()
          "tpu.region"() ({
            %run_scoped3A = tpu.sem_alloc : memref<!tpu.dma_semaphore, #tpu.memory_space<semaphore_mem>>
            %dma_start3A_104 = tpu.memref_slice %arg4[%mul3A_101] : memref<320000xi32, #tpu.memory_space<hbm>> -> memref<128xi32, #tpu.memory_space<hbm>>
            %dma_start3A_105 = tpu.memref_slice %arg4[%mul3A_101] : memref<320000xi32, #tpu.memory_space<hbm>> -> memref<128xi32, #tpu.memory_space<hbm>>
            tpu.enqueue_dma source(%dma_start3A_105 : memref<128xi32, #tpu.memory_space<hbm>>) target(%arg11 : memref<128xi32, #tpu.memory_space<vmem>>) target_semaphore(%run_scoped3A : memref<!tpu.dma_semaphore, #tpu.memory_space<semaphore_mem>>)
            %dma_wait3A_106 = tpu.memref_slice %arg4[%mul3A_101] : memref<320000xi32, #tpu.memory_space<hbm>> -> memref<128xi32, #tpu.memory_space<hbm>>
            %dma_wait3A_107 = tpu.memref_slice %arg4[%mul3A_101] : memref<320000xi32, #tpu.memory_space<hbm>> -> memref<128xi32, #tpu.memory_space<hbm>>
            tpu.wait_dma2 semaphore(%run_scoped3A : memref<!tpu.dma_semaphore, #tpu.memory_space<semaphore_mem>>) src(%dma_wait3A_107 : memref<128xi32, #tpu.memory_space<hbm>>) dst(%arg11 : memref<128xi32, #tpu.memory_space<vmem>>)
            tpu.yield
          }) : () -> ()
          %dma_start3A = arith.constant 0 : i32
          %dma_start3A_102 = arith.constant 0 : i32
          %dma_start3A_103 = tpu.memref_slice %arg2[%dma_start3A, %dma_start3A_102] : memref<10000x128xf32, #tpu.memory_space<hbm>> -> memref<10000x128xf32, #tpu.memory_space<hbm>>
          tpu.enqueue_indirect_dma source(%dma_start3A_103 : memref<10000x128xf32, #tpu.memory_space<hbm>>) target(%arg12 : memref<128x128xf32, #tpu.memory_space<vmem>>) offsets(%arg10 : memref<128xi32, #tpu.memory_space<vmem>>) semaphore(%arg15 : memref<!tpu.dma_semaphore, #tpu.memory_space<semaphore_mem>>)
        } else {
        }
        %dma_wait3A = arith.constant 0 : i32
        %dma_wait3A_95 = arith.constant 0 : i32
        %dma_wait3A_96 = tpu.memref_slice %arg2[%dma_wait3A, %dma_wait3A_95] : memref<10000x128xf32, #tpu.memory_space<hbm>> -> memref<10000x128xf32, #tpu.memory_space<hbm>>
        tpu.wait_indirect_dma semaphore(%arg14 : memref<!tpu.dma_semaphore, #tpu.memory_space<semaphore_mem>>) src(%dma_wait3A_96 : memref<10000x128xf32, #tpu.memory_space<hbm>>) dst(%arg9 : memref<128x128xf32, #tpu.memory_space<vmem>>)
        "tpu.region"() ({
          %run_scoped3A = tpu.sem_alloc : memref<!tpu.dma_semaphore, #tpu.memory_space<semaphore_mem>>
          %dma_start3A = arith.constant 0 : i32
          %dma_start3A_97 = arith.constant 0 : i32
          %dma_start3A_98 = tpu.memref_slice %arg13[%dma_start3A, %dma_start3A_97] : memref<10240x128xf32, #tpu.memory_space<vmem_shared>> -> memref<10240x128xf32, #tpu.memory_space<vmem_shared>>
          tpu.enqueue_indirect_dma source(%arg9 : memref<128x128xf32, #tpu.memory_space<vmem>>) target(%dma_start3A_98 : memref<10240x128xf32, #tpu.memory_space<vmem_shared>>) offsets(%arg8 : memref<128xi32, #tpu.memory_space<vmem>>) semaphore(%run_scoped3A : memref<!tpu.dma_semaphore, #tpu.memory_space<semaphore_mem>>) {add = true}
          %dma_wait3A_99 = arith.constant 0 : i32
          %dma_wait3A_100 = arith.constant 0 : i32
          %dma_wait3A_101 = tpu.memref_slice %arg13[%dma_wait3A_99, %dma_wait3A_100] : memref<10240x128xf32, #tpu.memory_space<vmem_shared>> -> memref<10240x128xf32, #tpu.memory_space<vmem_shared>>
          tpu.wait_indirect_dma semaphore(%run_scoped3A : memref<!tpu.dma_semaphore, #tpu.memory_space<semaphore_mem>>) src(%arg9 : memref<128x128xf32, #tpu.memory_space<vmem>>) dst(%dma_wait3A_101 : memref<10240x128xf32, #tpu.memory_space<vmem_shared>>)
          tpu.yield
        }) : () -> ()
      } else {
      }
      %add3A_83 = arith.constant 1 : i32
      %add3A_84 = arith.addi %mul3A_78, %add3A_83 : i32
      %lt3A_85 = arith.cmpi slt, %add3A_84, %add3A_33 : i32
      %convert_element_type3A_86 = arith.extui %lt3A_85 : i1 to i32
      %cond3A_87 = arith.constant 0 : i32
      %cond3A_88 = arith.cmpi ne, %convert_element_type3A_86, %cond3A_87 : i32
      scf.if %cond3A_88 {
        %add3A_89 = arith.constant 1 : i32
        %add3A_90 = arith.addi %mul3A_78, %add3A_89 : i32
        %add3A_91 = arith.constant 1 : i32
        %add3A_92 = arith.addi %add3A_90, %add3A_91 : i32
        %lt3A_93 = arith.cmpi slt, %add3A_92, %add3A_33 : i32
        %convert_element_type3A_94 = arith.extui %lt3A_93 : i1 to i32
        %cond3A_95 = arith.constant 0 : i32
        %cond3A_96 = arith.cmpi ne, %convert_element_type3A_94, %cond3A_95 : i32
        scf.if %cond3A_96 {
          %add3A_99 = arith.constant 1 : i32
          %add3A_100 = arith.addi %add3A_90, %add3A_99 : i32
          %add3A_101 = arith.addi %add3A_30, %add3A_100 : i32
          %mul3A_102 = arith.constant 128 : i32
          %mul3A_103 = arith.muli %add3A_101, %mul3A_102 : i32
          "tpu.region"() ({
            %run_scoped3A = tpu.sem_alloc : memref<!tpu.dma_semaphore, #tpu.memory_space<semaphore_mem>>
            %dma_start3A_106 = tpu.memref_slice %arg3[%mul3A_103] : memref<320000xi32, #tpu.memory_space<hbm>> -> memref<128xi32, #tpu.memory_space<hbm>>
            %dma_start3A_107 = tpu.memref_slice %arg3[%mul3A_103] : memref<320000xi32, #tpu.memory_space<hbm>> -> memref<128xi32, #tpu.memory_space<hbm>>
            tpu.enqueue_dma source(%dma_start3A_107 : memref<128xi32, #tpu.memory_space<hbm>>) target(%arg7 : memref<128xi32, #tpu.memory_space<vmem>>) target_semaphore(%run_scoped3A : memref<!tpu.dma_semaphore, #tpu.memory_space<semaphore_mem>>)
            %dma_wait3A_108 = tpu.memref_slice %arg3[%mul3A_103] : memref<320000xi32, #tpu.memory_space<hbm>> -> memref<128xi32, #tpu.memory_space<hbm>>
            %dma_wait3A_109 = tpu.memref_slice %arg3[%mul3A_103] : memref<320000xi32, #tpu.memory_space<hbm>> -> memref<128xi32, #tpu.memory_space<hbm>>
            tpu.wait_dma2 semaphore(%run_scoped3A : memref<!tpu.dma_semaphore, #tpu.memory_space<semaphore_mem>>) src(%dma_wait3A_109 : memref<128xi32, #tpu.memory_space<hbm>>) dst(%arg7 : memref<128xi32, #tpu.memory_space<vmem>>)
            tpu.yield
          }) : () -> ()
          "tpu.region"() ({
            %run_scoped3A = tpu.sem_alloc : memref<!tpu.dma_semaphore, #tpu.memory_space<semaphore_mem>>
            %dma_start3A_106 = tpu.memref_slice %arg4[%mul3A_103] : memref<320000xi32, #tpu.memory_space<hbm>> -> memref<128xi32, #tpu.memory_space<hbm>>
            %dma_start3A_107 = tpu.memref_slice %arg4[%mul3A_103] : memref<320000xi32, #tpu.memory_space<hbm>> -> memref<128xi32, #tpu.memory_space<hbm>>
            tpu.enqueue_dma source(%dma_start3A_107 : memref<128xi32, #tpu.memory_space<hbm>>) target(%arg8 : memref<128xi32, #tpu.memory_space<vmem>>) target_semaphore(%run_scoped3A : memref<!tpu.dma_semaphore, #tpu.memory_space<semaphore_mem>>)
            %dma_wait3A_108 = tpu.memref_slice %arg4[%mul3A_103] : memref<320000xi32, #tpu.memory_space<hbm>> -> memref<128xi32, #tpu.memory_space<hbm>>
            %dma_wait3A_109 = tpu.memref_slice %arg4[%mul3A_103] : memref<320000xi32, #tpu.memory_space<hbm>> -> memref<128xi32, #tpu.memory_space<hbm>>
            tpu.wait_dma2 semaphore(%run_scoped3A : memref<!tpu.dma_semaphore, #tpu.memory_space<semaphore_mem>>) src(%dma_wait3A_109 : memref<128xi32, #tpu.memory_space<hbm>>) dst(%arg8 : memref<128xi32, #tpu.memory_space<vmem>>)
            tpu.yield
          }) : () -> ()
          %dma_start3A = arith.constant 0 : i32
          %dma_start3A_104 = arith.constant 0 : i32
          %dma_start3A_105 = tpu.memref_slice %arg2[%dma_start3A, %dma_start3A_104] : memref<10000x128xf32, #tpu.memory_space<hbm>> -> memref<10000x128xf32, #tpu.memory_space<hbm>>
          tpu.enqueue_indirect_dma source(%dma_start3A_105 : memref<10000x128xf32, #tpu.memory_space<hbm>>) target(%arg9 : memref<128x128xf32, #tpu.memory_space<vmem>>) offsets(%arg7 : memref<128xi32, #tpu.memory_space<vmem>>) semaphore(%arg14 : memref<!tpu.dma_semaphore, #tpu.memory_space<semaphore_mem>>)
        } else {
        }
        %dma_wait3A = arith.constant 0 : i32
        %dma_wait3A_97 = arith.constant 0 : i32
        %dma_wait3A_98 = tpu.memref_slice %arg2[%dma_wait3A, %dma_wait3A_97] : memref<10000x128xf32, #tpu.memory_space<hbm>> -> memref<10000x128xf32, #tpu.memory_space<hbm>>
        tpu.wait_indirect_dma semaphore(%arg15 : memref<!tpu.dma_semaphore, #tpu.memory_space<semaphore_mem>>) src(%dma_wait3A_98 : memref<10000x128xf32, #tpu.memory_space<hbm>>) dst(%arg12 : memref<128x128xf32, #tpu.memory_space<vmem>>)
        "tpu.region"() ({
          %run_scoped3A = tpu.sem_alloc : memref<!tpu.dma_semaphore, #tpu.memory_space<semaphore_mem>>
          %dma_start3A = arith.constant 0 : i32
          %dma_start3A_99 = arith.constant 0 : i32
          %dma_start3A_100 = tpu.memref_slice %arg13[%dma_start3A, %dma_start3A_99] : memref<10240x128xf32, #tpu.memory_space<vmem_shared>> -> memref<10240x128xf32, #tpu.memory_space<vmem_shared>>
          tpu.enqueue_indirect_dma source(%arg12 : memref<128x128xf32, #tpu.memory_space<vmem>>) target(%dma_start3A_100 : memref<10240x128xf32, #tpu.memory_space<vmem_shared>>) offsets(%arg11 : memref<128xi32, #tpu.memory_space<vmem>>) semaphore(%run_scoped3A : memref<!tpu.dma_semaphore, #tpu.memory_space<semaphore_mem>>) {add = true}
          %dma_wait3A_101 = arith.constant 0 : i32
          %dma_wait3A_102 = arith.constant 0 : i32
          %dma_wait3A_103 = tpu.memref_slice %arg13[%dma_wait3A_101, %dma_wait3A_102] : memref<10240x128xf32, #tpu.memory_space<vmem_shared>> -> memref<10240x128xf32, #tpu.memory_space<vmem_shared>>
          tpu.wait_indirect_dma semaphore(%run_scoped3A : memref<!tpu.dma_semaphore, #tpu.memory_space<semaphore_mem>>) src(%arg12 : memref<128x128xf32, #tpu.memory_space<vmem>>) dst(%dma_wait3A_103 : memref<10240x128xf32, #tpu.memory_space<vmem_shared>>)
          tpu.yield
        }) : () -> ()
      } else {
      }
    }
    %barrier3A_64 = arith.constant 0 : index
    tpu.barrier barrier_id(%barrier3A_64)
    %mul3A_65 = arith.constant 640 : i32
    %mul3A_66 = arith.muli %arg1, %mul3A_65 : i32
    %eq3A = arith.constant 0 : i32
    %eq3A_67 = arith.cmpi eq, %arg0, %eq3A : i32
    %convert_element_type3A_68 = arith.extui %eq3A_67 : i1 to i32
    %cond3A_69 = arith.constant 0 : i32
    %cond3A_70 = arith.cmpi ne, %convert_element_type3A_68, %cond3A_69 : i32
    scf.if %cond3A_70 {
      "tpu.region"() ({
        %run_scoped3A = tpu.sem_alloc : memref<!tpu.dma_semaphore, #tpu.memory_space<semaphore_mem>>
        %dma_start3A = arith.constant 0 : i32
        %dma_start3A_76 = tpu.memref_slice %arg5[%mul3A_66, %dma_start3A] : memref<10240x128xf32, #tpu.memory_space<hbm>> -> memref<640x128xf32, #tpu.memory_space<hbm>>
        %dma_start3A_77 = arith.constant 0 : i32
        %dma_start3A_78 = tpu.memref_slice %arg13[%mul3A_66, %dma_start3A_77] : memref<10240x128xf32, #tpu.memory_space<vmem_shared>> -> memref<640x128xf32, #tpu.memory_space<vmem_shared>>
        tpu.enqueue_dma source(%dma_start3A_78 : memref<640x128xf32, #tpu.memory_space<vmem_shared>>) target(%dma_start3A_76 : memref<640x128xf32, #tpu.memory_space<hbm>>) target_semaphore(%run_scoped3A : memref<!tpu.dma_semaphore, #tpu.memory_space<semaphore_mem>>)
        %dma_wait3A = arith.constant 0 : i32
        %dma_wait3A_79 = tpu.memref_slice %arg5[%mul3A_66, %dma_wait3A] : memref<10240x128xf32, #tpu.memory_space<hbm>> -> memref<640x128xf32, #tpu.memory_space<hbm>>
        %dma_wait3A_80 = arith.constant 0 : i32
        %dma_wait3A_81 = tpu.memref_slice %arg13[%mul3A_66, %dma_wait3A_80] : memref<10240x128xf32, #tpu.memory_space<vmem_shared>> -> memref<640x128xf32, #tpu.memory_space<vmem_shared>>
        tpu.wait_dma2 semaphore(%run_scoped3A : memref<!tpu.dma_semaphore, #tpu.memory_space<semaphore_mem>>) src(%dma_wait3A_81 : memref<640x128xf32, #tpu.memory_space<vmem_shared>>) dst(%dma_wait3A_79 : memref<640x128xf32, #tpu.memory_space<hbm>>)
        tpu.yield
      }) : () -> ()
    } else {
    }
    %eq3A_71 = arith.constant 1 : i32
    %eq3A_72 = arith.cmpi eq, %arg0, %eq3A_71 : i32
    %convert_element_type3A_73 = arith.extui %eq3A_72 : i1 to i32
    %cond3A_74 = arith.constant 0 : i32
    %cond3A_75 = arith.cmpi ne, %convert_element_type3A_73, %cond3A_74 : i32
    scf.if %cond3A_75 {
      "tpu.region"() ({
        %run_scoped3A = tpu.sem_alloc : memref<!tpu.dma_semaphore, #tpu.memory_space<semaphore_mem>>
        %dma_start3A = arith.constant 0 : i32
        %dma_start3A_76 = tpu.memref_slice %arg6[%mul3A_66, %dma_start3A] : memref<10240x128xf32, #tpu.memory_space<hbm>> -> memref<640x128xf32, #tpu.memory_space<hbm>>
        %dma_start3A_77 = arith.constant 0 : i32
        %dma_start3A_78 = tpu.memref_slice %arg13[%mul3A_66, %dma_start3A_77] : memref<10240x128xf32, #tpu.memory_space<vmem_shared>> -> memref<640x128xf32, #tpu.memory_space<vmem_shared>>
        tpu.enqueue_dma source(%dma_start3A_78 : memref<640x128xf32, #tpu.memory_space<vmem_shared>>) target(%dma_start3A_76 : memref<640x128xf32, #tpu.memory_space<hbm>>) target_semaphore(%run_scoped3A : memref<!tpu.dma_semaphore, #tpu.memory_space<semaphore_mem>>)
        %dma_wait3A = arith.constant 0 : i32
        %dma_wait3A_79 = tpu.memref_slice %arg6[%mul3A_66, %dma_wait3A] : memref<10240x128xf32, #tpu.memory_space<hbm>> -> memref<640x128xf32, #tpu.memory_space<hbm>>
        %dma_wait3A_80 = arith.constant 0 : i32
        %dma_wait3A_81 = tpu.memref_slice %arg13[%mul3A_66, %dma_wait3A_80] : memref<10240x128xf32, #tpu.memory_space<vmem_shared>> -> memref<640x128xf32, #tpu.memory_space<vmem_shared>>
        tpu.wait_dma2 semaphore(%run_scoped3A : memref<!tpu.dma_semaphore, #tpu.memory_space<semaphore_mem>>) src(%dma_wait3A_81 : memref<640x128xf32, #tpu.memory_space<vmem_shared>>) dst(%dma_wait3A_79 : memref<640x128xf32, #tpu.memory_space<hbm>>)
        tpu.yield
      }) : () -> ()
    } else {
    }
    return
  }
}

module attributes {stable_mosaic.version = 14 : i64} {
  func.func @_dis_body(%arg0: memref<80x128xf32, #tpu.memory_space<vmem>>, %arg1: memref<80x128xf32, #tpu.memory_space<vmem>>, %arg2: memref<80x128xf32, #tpu.memory_space<vmem>>) attributes {dimension_semantics = [], scalar_prefetch = 0 : i64, scratch_operands = 0 : i64, tpu.core_type = #tpu.core_type<tc>} {
    %get3A = arith.constant 0 : index
    %get3A_0 = arith.constant 0 : index
    %get3A_1 = vector.load %arg0[%get3A, %get3A_0] : memref<80x128xf32, #tpu.memory_space<vmem>>, vector<80x128xf32>
    %get3A_2 = arith.constant 0 : index
    %get3A_3 = arith.constant 0 : index
    %get3A_4 = vector.load %arg1[%get3A_2, %get3A_3] : memref<80x128xf32, #tpu.memory_space<vmem>>, vector<80x128xf32>
    %add3A = arith.addf %get3A_1, %get3A_4 : vector<80x128xf32>
    %add3A_5 = arith.constant 1.000000e+00 : f32
    %add3A_6 = vector.broadcast %add3A_5 : f32 to vector<80x128xf32>
    %add3A_7 = arith.addf %add3A, %add3A_6 : vector<80x128xf32>
    %rsqrt3A = math.rsqrt %add3A_7 : vector<80x128xf32>
    %swap3A = arith.constant 0 : index
    %swap3A_8 = arith.constant 0 : index
    %swap3A_9 = vector.load %arg2[%swap3A, %swap3A_8] : memref<80x128xf32, #tpu.memory_space<vmem>>, vector<80x128xf32>
    tpu.vector_store %arg2[%swap3A, %swap3A_8], %rsqrt3A {strides = array<i32>} : memref<80x128xf32, #tpu.memory_space<vmem>>, vector<80x128xf32>,
    return
  }
}

module attributes {stable_mosaic.version = 14 : i64} {
  func.func @_lin_body(%arg0: i32, %arg1: memref<1000x128xf32, #tpu.memory_space<vmem>>, %arg2: memref<128x128xf32, #tpu.memory_space<vmem>>, %arg3: memref<1000x1xf32, #tpu.memory_space<vmem>>, %arg4: memref<1000x128xf32, #tpu.memory_space<vmem>>) attributes {dimension_semantics = [#tpu.dimension_semantics<arbitrary>], iteration_bounds = array<i64: 10>, scalar_prefetch = 0 : i64, scratch_operands = 0 : i64, tpu.core_type = #tpu.core_type<tc>, window_params = [{transform_indices = @transform_0, window_bounds = array<i64: 1000, 128>}, {pipeline_mode = #tpu.pipeline_mode<synchronous>, transform_indices = @transform_1, window_bounds = array<i64: 128, 128>}, {transform_indices = @transform_2, window_bounds = array<i64: 1000, 1>}, {transform_indices = @transform_3, window_bounds = array<i64: 1000, 128>}]} {
    %get3A = arith.constant 0 : index
    %get3A_0 = arith.constant 0 : index
    %get3A_1 = vector.load %arg1[%get3A, %get3A_0] : memref<1000x128xf32, #tpu.memory_space<vmem>>, vector<1000x128xf32>
    %get3A_2 = arith.constant 0 : index
    %get3A_3 = arith.constant 0 : index
    %get3A_4 = vector.load %arg2[%get3A_2, %get3A_3] : memref<128x128xf32, #tpu.memory_space<vmem>>, vector<128x128xf32>
    %dot_general3A = arith.constant dense<0.000000e+00> : vector<1000x128xf32>
    %dot_general3A_5 = tpu.matmul %get3A_1, %get3A_4, %dot_general3A {dimension_numbers = #tpu.dot_dimension_numbers<[1], [0], [0], [1], [0, 0, 1, 1], [], []>, transpose_lhs_hint = false} : vector<1000x128xf32>, vector<128x128xf32>, vector<1000x128xf32> -> vector<1000x128xf32>
    %get3A_6 = arith.constant 0 : index
    %get3A_7 = arith.constant 0 : index
    %get3A_8 = vector.load %arg3[%get3A_6, %get3A_7] : memref<1000x1xf32, #tpu.memory_space<vmem>>, vector<1000x1xf32>
    %mul3A = vector.broadcast %get3A_8 : vector<1000x1xf32> to vector<1000x128xf32>
    %mul3A_9 = arith.mulf %dot_general3A_5, %mul3A : vector<1000x128xf32>
    %swap3A = arith.constant 0 : index
    %swap3A_10 = arith.constant 0 : index
    %swap3A_11 = vector.load %arg4[%swap3A, %swap3A_10] : memref<1000x128xf32, #tpu.memory_space<vmem>>, vector<1000x128xf32>
    tpu.vector_store %arg4[%swap3A, %swap3A_10], %mul3A_9 {strides = array<i32>} : memref<1000x128xf32, #tpu.memory_space<vmem>>, vector<1000x128xf32>,
    return
  }
  func.func @transform_0(%arg0: i32) -> (i32, i32) {
    %c0_i32 = arith.constant 0 : i32
    %c0_i32_0 = arith.constant 0 : i32
    return %arg0, %c0_i32 : i32, i32
  }
  func.func @transform_1(%arg0: i32) -> (i32, i32) {
    %c0_i32 = arith.constant 0 : i32
    %c0_i32_0 = arith.constant 0 : i32
    %c0_i32_1 = arith.constant 0 : i32
    return %c0_i32, %c0_i32_0 : i32, i32
  }
  func.func @transform_2(%arg0: i32) -> (i32, i32) {
    %c0_i32 = arith.constant 0 : i32
    %c0_i32_0 = arith.constant 0 : i32
    return %arg0, %c0_i32 : i32, i32
  }
  func.func @transform_3(%arg0: i32) -> (i32, i32) {
    %c0_i32 = arith.constant 0 : i32
    %c0_i32_0 = arith.constant 0 : i32
    return %arg0, %c0_i32 : i32, i32
  }
}

module attributes {stable_mosaic.version = 14 : i64} {
  func.func @_mid_body(%arg0: i32, %arg1: memref<1000x128xf32, #tpu.memory_space<vmem>>, %arg2: memref<1000x128xf32, #tpu.memory_space<vmem>>, %arg3: memref<1000x128xf32, #tpu.memory_space<vmem>>, %arg4: memref<1000x1xf32, #tpu.memory_space<vmem>>, %arg5: memref<1x128xf32, #tpu.memory_space<vmem>>, %arg6: memref<128x128xf32, #tpu.memory_space<vmem>>, %arg7: memref<1000x128xf32, #tpu.memory_space<vmem>>) attributes {dimension_semantics = [#tpu.dimension_semantics<arbitrary>], iteration_bounds = array<i64: 10>, scalar_prefetch = 0 : i64, scratch_operands = 0 : i64, tpu.core_type = #tpu.core_type<tc>, window_params = [{transform_indices = @transform_0, window_bounds = array<i64: 1000, 128>}, {transform_indices = @transform_1, window_bounds = array<i64: 1000, 128>}, {transform_indices = @transform_2, window_bounds = array<i64: 1000, 128>}, {transform_indices = @transform_3, window_bounds = array<i64: 1000, 1>}, {pipeline_mode = #tpu.pipeline_mode<synchronous>, transform_indices = @transform_4, window_bounds = array<i64: 1, 128>}, {pipeline_mode = #tpu.pipeline_mode<synchronous>, transform_indices = @transform_5, window_bounds = array<i64: 128, 128>}, {transform_indices = @transform_6, window_bounds = array<i64: 1000, 128>}]} {
    %get3A = arith.constant 0 : index
    %get3A_0 = arith.constant 0 : index
    %get3A_1 = vector.load %arg4[%get3A, %get3A_0] : memref<1000x1xf32, #tpu.memory_space<vmem>>, vector<1000x1xf32>
    %get3A_2 = arith.constant 0 : index
    %get3A_3 = arith.constant 0 : index
    %get3A_4 = vector.load %arg1[%get3A_2, %get3A_3] : memref<1000x128xf32, #tpu.memory_space<vmem>>, vector<1000x128xf32>
    %get3A_5 = arith.constant 0 : index
    %get3A_6 = arith.constant 0 : index
    %get3A_7 = vector.load %arg2[%get3A_5, %get3A_6] : memref<1000x128xf32, #tpu.memory_space<vmem>>, vector<1000x128xf32>
    %add3A = arith.addf %get3A_4, %get3A_7 : vector<1000x128xf32>
    %get3A_8 = arith.constant 0 : index
    %get3A_9 = arith.constant 0 : index
    %get3A_10 = vector.load %arg3[%get3A_8, %get3A_9] : memref<1000x128xf32, #tpu.memory_space<vmem>>, vector<1000x128xf32>
    %add3A_11 = arith.addf %add3A, %get3A_10 : vector<1000x128xf32>
    %mul3A = vector.broadcast %get3A_1 : vector<1000x1xf32> to vector<1000x128xf32>
    %mul3A_12 = arith.mulf %mul3A, %add3A_11 : vector<1000x128xf32>
    %get3A_13 = arith.constant 0 : index
    %get3A_14 = arith.constant 0 : index
    %get3A_15 = vector.load %arg5[%get3A_13, %get3A_14] : memref<1x128xf32, #tpu.memory_space<vmem>>, vector<1x128xf32>
    %add3A_16 = vector.broadcast %get3A_15 : vector<1x128xf32> to vector<1000x128xf32>
    %add3A_17 = arith.addf %mul3A_12, %add3A_16 : vector<1000x128xf32>
    %max3A = arith.constant 0.000000e+00 : f32
    %max3A_18 = vector.broadcast %max3A : f32 to vector<1000x128xf32>
    %max3A_19 = arith.maximumf %add3A_17, %max3A_18 : vector<1000x128xf32>
    %get3A_20 = arith.constant 0 : index
    %get3A_21 = arith.constant 0 : index
    %get3A_22 = vector.load %arg4[%get3A_20, %get3A_21] : memref<1000x1xf32, #tpu.memory_space<vmem>>, vector<1000x1xf32>
    %get3A_23 = arith.constant 0 : index
    %get3A_24 = arith.constant 0 : index
    %get3A_25 = vector.load %arg6[%get3A_23, %get3A_24] : memref<128x128xf32, #tpu.memory_space<vmem>>, vector<128x128xf32>
    %dot_general3A = arith.constant dense<0.000000e+00> : vector<1000x128xf32>
    %dot_general3A_26 = tpu.matmul %max3A_19, %get3A_25, %dot_general3A {dimension_numbers = #tpu.dot_dimension_numbers<[1], [0], [0], [1], [0, 0, 1, 1], [], []>, transpose_lhs_hint = false} : vector<1000x128xf32>, vector<128x128xf32>, vector<1000x128xf32> -> vector<1000x128xf32>
    %mul3A_27 = vector.broadcast %get3A_22 : vector<1000x1xf32> to vector<1000x128xf32>
    %mul3A_28 = arith.mulf %mul3A_27, %dot_general3A_26 : vector<1000x128xf32>
    %swap3A = arith.constant 0 : index
    %swap3A_29 = arith.constant 0 : index
    %swap3A_30 = vector.load %arg7[%swap3A, %swap3A_29] : memref<1000x128xf32, #tpu.memory_space<vmem>>, vector<1000x128xf32>
    tpu.vector_store %arg7[%swap3A, %swap3A_29], %mul3A_28 {strides = array<i32>} : memref<1000x128xf32, #tpu.memory_space<vmem>>, vector<1000x128xf32>,
    return
  }
  func.func @transform_0(%arg0: i32) -> (i32, i32) {
    %c0_i32 = arith.constant 0 : i32
    %c0_i32_0 = arith.constant 0 : i32
    return %arg0, %c0_i32 : i32, i32
  }
  func.func @transform_1(%arg0: i32) -> (i32, i32) {
    %c0_i32 = arith.constant 0 : i32
    %c0_i32_0 = arith.constant 0 : i32
    return %arg0, %c0_i32 : i32, i32
  }
  func.func @transform_2(%arg0: i32) -> (i32, i32) {
    %c0_i32 = arith.constant 0 : i32
    %c0_i32_0 = arith.constant 0 : i32
    return %arg0, %c0_i32 : i32, i32
  }
  func.func @transform_3(%arg0: i32) -> (i32, i32) {
    %c0_i32 = arith.constant 0 : i32
    %c0_i32_0 = arith.constant 0 : i32
    return %arg0, %c0_i32 : i32, i32
  }
  func.func @transform_4(%arg0: i32) -> (i32, i32) {
    %c0_i32 = arith.constant 0 : i32
    %c0_i32_0 = arith.constant 0 : i32
    %c0_i32_1 = arith.constant 0 : i32
    return %c0_i32, %c0_i32_0 : i32, i32
  }
  func.func @transform_5(%arg0: i32) -> (i32, i32) {
    %c0_i32 = arith.constant 0 : i32
    %c0_i32_0 = arith.constant 0 : i32
    %c0_i32_1 = arith.constant 0 : i32
    return %c0_i32, %c0_i32_0 : i32, i32
  }
  func.func @transform_6(%arg0: i32) -> (i32, i32) {
    %c0_i32 = arith.constant 0 : i32
    %c0_i32_0 = arith.constant 0 : i32
    return %arg0, %c0_i32 : i32, i32
  }
}

module attributes {stable_mosaic.version = 14 : i64} {
  func.func @_out_body(%arg0: i32, %arg1: memref<1000x128xf32, #tpu.memory_space<vmem>>, %arg2: memref<1000x128xf32, #tpu.memory_space<vmem>>, %arg3: memref<1000x128xf32, #tpu.memory_space<vmem>>, %arg4: memref<1000x1xf32, #tpu.memory_space<vmem>>, %arg5: memref<1x128xf32, #tpu.memory_space<vmem>>, %arg6: memref<1000x128xf32, #tpu.memory_space<vmem>>) attributes {dimension_semantics = [#tpu.dimension_semantics<arbitrary>], iteration_bounds = array<i64: 10>, scalar_prefetch = 0 : i64, scratch_operands = 0 : i64, tpu.core_type = #tpu.core_type<tc>, window_params = [{transform_indices = @transform_0, window_bounds = array<i64: 1000, 128>}, {transform_indices = @transform_1, window_bounds = array<i64: 1000, 128>}, {transform_indices = @transform_2, window_bounds = array<i64: 1000, 128>}, {transform_indices = @transform_3, window_bounds = array<i64: 1000, 1>}, {pipeline_mode = #tpu.pipeline_mode<synchronous>, transform_indices = @transform_4, window_bounds = array<i64: 1, 128>}, {transform_indices = @transform_5, window_bounds = array<i64: 1000, 128>}]} {
    %get3A = arith.constant 0 : index
    %get3A_0 = arith.constant 0 : index
    %get3A_1 = vector.load %arg4[%get3A, %get3A_0] : memref<1000x1xf32, #tpu.memory_space<vmem>>, vector<1000x1xf32>
    %get3A_2 = arith.constant 0 : index
    %get3A_3 = arith.constant 0 : index
    %get3A_4 = vector.load %arg1[%get3A_2, %get3A_3] : memref<1000x128xf32, #tpu.memory_space<vmem>>, vector<1000x128xf32>
    %get3A_5 = arith.constant 0 : index
    %get3A_6 = arith.constant 0 : index
    %get3A_7 = vector.load %arg2[%get3A_5, %get3A_6] : memref<1000x128xf32, #tpu.memory_space<vmem>>, vector<1000x128xf32>
    %add3A = arith.addf %get3A_4, %get3A_7 : vector<1000x128xf32>
    %get3A_8 = arith.constant 0 : index
    %get3A_9 = arith.constant 0 : index
    %get3A_10 = vector.load %arg3[%get3A_8, %get3A_9] : memref<1000x128xf32, #tpu.memory_space<vmem>>, vector<1000x128xf32>
    %add3A_11 = arith.addf %add3A, %get3A_10 : vector<1000x128xf32>
    %mul3A = vector.broadcast %get3A_1 : vector<1000x1xf32> to vector<1000x128xf32>
    %mul3A_12 = arith.mulf %mul3A, %add3A_11 : vector<1000x128xf32>
    %get3A_13 = arith.constant 0 : index
    %get3A_14 = arith.constant 0 : index
    %get3A_15 = vector.load %arg5[%get3A_13, %get3A_14] : memref<1x128xf32, #tpu.memory_space<vmem>>, vector<1x128xf32>
    %add3A_16 = vector.broadcast %get3A_15 : vector<1x128xf32> to vector<1000x128xf32>
    %add3A_17 = arith.addf %mul3A_12, %add3A_16 : vector<1000x128xf32>
    %swap3A = arith.constant 0 : index
    %swap3A_18 = arith.constant 0 : index
    %swap3A_19 = vector.load %arg6[%swap3A, %swap3A_18] : memref<1000x128xf32, #tpu.memory_space<vmem>>, vector<1000x128xf32>
    tpu.vector_store %arg6[%swap3A, %swap3A_18], %add3A_17 {strides = array<i32>} : memref<1000x128xf32, #tpu.memory_space<vmem>>, vector<1000x128xf32>,
    return
  }
  func.func @transform_0(%arg0: i32) -> (i32, i32) {
    %c0_i32 = arith.constant 0 : i32
    %c0_i32_0 = arith.constant 0 : i32
    return %arg0, %c0_i32 : i32, i32
  }
  func.func @transform_1(%arg0: i32) -> (i32, i32) {
    %c0_i32 = arith.constant 0 : i32
    %c0_i32_0 = arith.constant 0 : i32
    return %arg0, %c0_i32 : i32, i32
  }
  func.func @transform_2(%arg0: i32) -> (i32, i32) {
    %c0_i32 = arith.constant 0 : i32
    %c0_i32_0 = arith.constant 0 : i32
    return %arg0, %c0_i32 : i32, i32
  }
  func.func @transform_3(%arg0: i32) -> (i32, i32) {
    %c0_i32 = arith.constant 0 : i32
    %c0_i32_0 = arith.constant 0 : i32
    return %arg0, %c0_i32 : i32, i32
  }
  func.func @transform_4(%arg0: i32) -> (i32, i32) {
    %c0_i32 = arith.constant 0 : i32
    %c0_i32_0 = arith.constant 0 : i32
    %c0_i32_1 = arith.constant 0 : i32
    return %c0_i32, %c0_i32_0 : i32, i32
  }
  func.func @transform_5(%arg0: i32) -> (i32, i32) {
    %c0_i32 = arith.constant 0 : i32
    %c0_i32_0 = arith.constant 0 : i32
    return %arg0, %c0_i32 : i32, i32
  }
}

</mosaic_0001>

<sc_bundles>
// kernel: kernel.12.cloned.1.call-start
scs
__scs_entry_jumppad:
0x0: {  	(pc) =	sbr.rel $0x88, $3  }
0x1: {  	(tag) =	ssettag $0x0;
	lr =	simm.s32 $0x1  }
0x2: {  	[smem:$0x3F9B] =	sst lr;
	_ =	strace $0xD0000000  }
0x3: {  	_ = 	snop  }
0x4: {  	_ = 	snop  }
0x5: {  	_ = 	snop  }
0x6: {  	_ = 	snop  }
0x7: {  	_ = 	snop  }
__scs_overlays_trampoline_lowered:
0x8: {  	[smem:$0x3FAA] =	sst s0  }
0x9: {  	[smem:$0x3FAB] =	sst s1  }
0xa: {  	[smem:$0x3FAC] =	sst s2  }
0xb: {  	[smem:$0x3FAD] =	sst s3  }
0xc: {  	[smem:$0x3FAE] =	sst s4  }
0xd: {  	[smem:$0x3FAF] =	sst s5  }
0xe: {  	[smem:$0x3FB0] =	sst s6  }
0xf: {  	[smem:$0x3FB1] =	sst s7  }
0x10: {  	[smem:$0x3FB2] =	sst s8  }
0x11: {  	[smem:$0x3FB3] =	sst s9;
	s0 =	simm.s32 @!p0 $0x0  }
0x12: {  	s1 =	sld [smem:$0x3F99];
	s0 =	simm.s32 @p0 $0x1  }
0x13: {  	[smem:$0x3FB4] =	sst s0;
	s0 =	simm.s32 @!p1 $0x0  }
0x14: {  	s2 =	sld [smem:$0x3F98];
	s0 =	simm.s32 @p1 $0x1  }
0x15: {  	[smem:$0x3FB5] =	sst s0;
	s0 =	simm.s32 @!p2 $0x0  }
0x16: {  	s3 =	sld [smem:$0x3FDB];
	s0 =	simm.s32 @p2 $0x1  }
0x17: {  	s4 =	simm.s32 $0x1BF5;
	[smem:$0x3FB7] =	sst s0  }
0x18: {  	s0 =	sld [smem:$0x3F9A];
	_ =	swait.ge [sflag:s4], $0x0  }
0x19: {  	s7 =	sld [smem:$0x3F9B]  }
0x1a: {  	s8 =	sadd.s32 $0xFFFFE003, lr  }
0x1b: {  	s9 =	sadd.s32 $0xFFFFFEF7, lr;
	s5 =	simm.s32 $0xFFFFFFFF;
	p2 =	slt.u32 s8, $0xFFFFF086  }
0x1c: {  	p1 =	slt.u32 s9, $0xF7A;
	s5 =	simm.s32 @!p2 $0x0  }
0x1d: {  	s5 =	simm.s32 @p1 $0x1;
	p0 =	seq.s32 s7, s2  }
0x1e: {  	s7 =	smul.u32 @!p0 $0xF7A, s2;
	p2 =	seq.s32 @!p0 s5, $0x0  }
0x1f: {  	s9 =	smul.u32 $0xF7A, s1;
	s8 =	simm.s32 @!p0 $0x1BF5;
	p2 =	por !p2, p0  }
0x20: {  	[sflag:s8] =	ssyncset.s32 @!p0 $0xFFFFF086;
	s6 =	sadd.s32 @!p0 s3, s7;
	s7 =	simm.s32 @!p0 $0x108  }
0x21: {  	s3 =	sadd.s32 s3, s9;
	s6 =	sadd.s32 @!p0 $0x88, s6;
	s7 =	simm.s32 @p2 $0x1082  }
0x22: {  	[simem:s7], [sflag:s8] =	dma.local @!p0 [hbm:s6], $0xF7A  }
0x23: {  	s9 =	sor.u32 $0xD0000000, s2;
	s6 =	simm.s32 $0x108;
	_ =	swait.ge @!p0 [sflag:s8], $0x0  }
0x24: {  	s3 =	sadd.s32 $0x88, s3;
	s6 =	simm.s32 @!p1 $0x1082;
	[sflag:s4] =	ssyncset.s32 $0xFFFFF086  }
0x25: {  	[simem:s6], [sflag:s4] =	dma.local [hbm:s3], $0xF7A  }
0x26: {  	[smem:$0x3F9B] =	sst s1;
	(tag) =	ssettag s2;
	_ =	strace s9  }
0x27: {  	s1 =	sld [smem:$0x3FAB]  }
0x28: {  	s2 =	sld [smem:$0x3FAC]  }
0x29: {  	s4 =	sld [smem:$0x3FAE]  }
0x2a: {  	p0 =	seq.s32 s5, $0x0;
	s5 =	sld [smem:$0x3FAF]  }
0x2b: {  	s6 =	sld [smem:$0x3FB0]  }
0x2c: {  	s7 =	sld [smem:$0x3FB1]  }
0x2d: {  	s3 =	simm.s32 $0x108;
	s8 =	sld [smem:$0x3FB2]  }
0x2e: {  	s3 =	simm.s32 @!p0 $0x1082;
	s9 =	sld [smem:$0x3FB3]  }
0x2f: {  	lr =	sadd.s32 s0, s3;
	s0 =	sld [smem:$0x3FAA]  }
0x30: {  	s3 =	sld [smem:$0x3FAD]  }
0x31: {  	[smem:$0x3FB6] =	sst s10  }
0x32: {  	s10 =	sld [smem:$0x3FB4];
	_ =	sdelay $0x3  }
0x33: {  	p0 =	seq.s32 s10, $0x1;
	s10 =	sld [smem:$0x3FB6];
	_ =	sdelay $0x3  }
0x34: {  	[smem:$0x3FB6] =	sst s10  }
0x35: {  	s10 =	sld [smem:$0x3FB5];
	_ =	sdelay $0x3  }
0x36: {  	p1 =	seq.s32 s10, $0x1;
	s10 =	sld [smem:$0x3FB6];
	_ =	sdelay $0x3  }
0x37: {  	[smem:$0x3FB6] =	sst s10  }
0x38: {  	s10 =	sld [smem:$0x3FB7]  }
0x39: {  	_ = 	snop;
	(pc) =	sbr.ind lr, $3  }
0x3a: {  	_ = 	snop  }
0x3b: {  	_ = 	snop  }
0x3c: {  	p2 =	seq.s32 s10, $0x1;
	s10 =	sld [smem:$0x3FB6]  }
0x3d: {  	_ =	shalt  }
0x3e: {  	_ =	shalt  }
0x3f: {  	_ =	shalt  }
0x40: {  	_ =	shalt  }
0x41: {  	_ =	shalt  }
0x42: {  	_ =	shalt  }
0x43: {  	_ =	shalt  }
0x44: {  	_ =	shalt  }
0x45: {  	_ =	shalt  }
0x46: {  	_ =	shalt  }
0x47: {  	_ =	shalt  }
0x48: {  	_ =	shalt  }
0x49: {  	_ =	shalt  }
0x4a: {  	_ =	shalt  }
0x4b: {  	_ =	shalt  }
0x4c: {  	_ =	shalt  }
0x4d: {  	_ =	shalt  }
0x4e: {  	_ =	shalt  }
0x4f: {  	_ =	shalt  }
0x50: {  	_ =	shalt  }
0x51: {  	_ =	shalt  }
0x52: {  	_ =	shalt  }
0x53: {  	_ =	shalt  }
0x54: {  	_ =	shalt  }
0x55: {  	_ =	shalt  }
0x56: {  	_ =	shalt  }
0x57: {  	_ =	shalt  }
0x58: {  	_ =	shalt  }
0x59: {  	_ =	shalt  }
0x5a: {  	_ =	shalt  }
0x5b: {  	_ =	shalt  }
0x5c: {  	_ =	shalt  }
0x5d: {  	_ =	shalt  }
0x5e: {  	_ =	shalt  }
0x5f: {  	_ =	shalt  }
0x60: {  	_ =	shalt  }
0x61: {  	_ =	shalt  }
0x62: {  	_ =	shalt  }
0x63: {  	_ =	shalt  }
0x64: {  	_ =	shalt  }
0x65: {  	_ =	shalt  }
0x66: {  	_ =	shalt  }
0x67: {  	_ =	shalt  }
0x68: {  	_ =	shalt  }
0x69: {  	_ =	shalt  }
0x6a: {  	_ =	shalt  }
0x6b: {  	_ =	shalt  }
0x6c: {  	_ =	shalt  }
0x6d: {  	_ =	shalt  }
0x6e: {  	_ =	shalt  }
0x6f: {  	_ =	shalt  }
0x70: {  	_ =	shalt  }
0x71: {  	_ =	shalt  }
0x72: {  	_ =	shalt  }
0x73: {  	_ =	shalt  }
0x74: {  	_ =	shalt  }
0x75: {  	_ =	shalt  }
0x76: {  	_ =	shalt  }
0x77: {  	_ =	shalt  }
0x78: {  	_ =	shalt  }
0x79: {  	_ =	shalt  }
0x7a: {  	_ =	shalt  }
0x7b: {  	_ =	shalt  }
0x7c: {  	_ =	shalt  }
0x7d: {  	_ =	shalt  }
0x7e: {  	_ =	shalt  }
0x7f: {  	_ =	shalt  }
0x80: {  	_ =	shalt  }
0x81: {  	_ =	shalt  }
0x82: {  	_ =	shalt  }
0x83: {  	_ =	shalt  }
0x84: {  	_ =	shalt  }
0x85: {  	_ =	shalt  }
0x86: {  	_ =	shalt  }
0x87: {  	_ =	shalt  }
.Lfunc_end0:
.L_simem_size_0:
called_computation.1_lowered:
.L_overlay_start_0:
0x88: {  	s2 =	sld [smem:$0x3FD9]  }
0x89: {  	s3 =	sld [smem:$0x3FFE];
	_ =	sdelay $0x1  }
0x8a: {  	s1 =	srdreg.scid  }
0x8b: {  	s0 =	sand.u32 $0x1, s1  }
0x8c: {  	s17 =	sshll.u32 s0, $0xA;
	s2 =	sadd.s32 s3, s2  }
0x8d: {  	s2 =	sadd.s32 s2, s17  }
0x8e: {  	[smem:$0x3FC2] =	sst s2  }
0x8f: {  	_ = 	snop  }
0x90: {  	s2 =	sld [smem:$0x3FD0];
	(tm) =	ssettm $0x1  }
0x91: {  	s18 =	sld [smem:$0x3FFB];
	_ =	sdelay $0x3  }
0x92: {  	_ =	strace s18  }
0x93: {  	s3 =	sld [smem:$0x3FFC];
	_ =	sdelay $0x3  }
0x94: {  	_ =	strace s3  }
0x95: {  	s3 =	sld [smem:$0x3FFD];
	_ =	sdelay $0x3  }
0x96: {  	_ =	strace s3  }
0x97: {  	_ =	strace $0x8FFFFFFF  }
0x98: {  	s19 =	sld [smem:$0x3FDB];
	_ =	sdelay $0x1  }
0x99: {  	s4 =	simm.s32 $_scs_section_size  }
0x9a: {  	s5 =	simm.s32 $_size__tile_overlayer_lowered;
	s6 =	simm.s32 $_tile_overlayer_lowered  }
0x9b: {  	s22 =	simm.s32 $0x1BFF;
	s21 =	sshll.u32 s6, $0x1;
	s3 =	sadd.s32 s4, s19  }
0x9c: {  	s7 =	simm.s32 $0x0;
	s20 =	sshll.u32 s5, $0x1;
	s5 =	sadd.s32 s21, s3  }
0x9d: {  	[timem:s7], [sflag:s22] =	dma.local [hbm:s5], s20  }
0x9e: {  	_ =	swait.ge [sflag:s22], s20  }
0x9f: {  	s4 =	ssub.s32 $0x0, s20;
	[sflag:s22] =	ssyncset.done $0x0  }
0xa0: {  	[sflag:s22] =	ssyncadd.s32 s4;
	_ =	sdelay $0x1  }
0xa1: {  	s23 =	simm.s32 $0x1B8B  }
0xa2: {  	_ =	swait.ge [sflag:s23], $0x1  }
0xa3: {  	[sflag:s23] =	ssyncset.done $0x0  }
0xa4: {  	s25 =	simm.s32 $0x1B8E;
	s24 =	sld [smem:$0x3FFE];
	[sflag:s23] =	ssyncadd.s32 $0xFFFFFFFF  }
0xa5: {  	s26 =	simm.s32 $execute0_lowered;
	[smem:$0x3FD2] =	sst s25  }
0xa6: {  	s5 =	sshll.u32 s26, $0x1;
	_ =	strace $0x80000049;
	[dreg:$0x1] =	wrdreg $0xFFFFFFFF  }
0xa7: {  	s28 =	simm.s32 $_size_execute0_lowered;
	s3 =	sadd.s32 s3, s5;
	[dreg:$0x0] =	wrdreg $0x0  }
0xa8: {  	s5 =	sshll.u32 s28, $0x1;
	[dreg:$0x2] =	wrdreg s3  }
0xa9: {  	[dreg:$0x3] =	wrdreg s5  }
0xaa: {  	[dreg:$0x4] =	wrdreg $0xC0  }
0xab: {  	_ =	task [dreg:s7], $0x5FFFF  }
0xac: {  	[dreg:$0x1] =	wrdreg $0xFFFFFFFF  }
0xad: {  	[dreg:$0x0] =	wrdreg $0x60  }
0xae: {  	[dreg:$0x2] =	wrdreg s2  }
0xaf: {  	[dreg:$0x3] =	wrdreg s24  }
0xb0: {  	[dreg:$0x4] =	wrdreg $0x82000  }
0xb1: {  	[dreg:$0x5] =	wrdreg $0x9  }
0xb2: {  	_ =	task.clear_ibuf [dreg:s7], $0x6FFFF;
	_ =	strace $0x90000049  }
0xb3: {  	s29 =	simm.s32 $0x9;
	_ =	strace $0x8000004B  }
0xb4: {  	_ =	swait.ge [sflag:s29], $0x1  }
0xb5: {  	[sflag:s29] =	ssyncadd.s32 $0xFFFFFFFF  }
0xb6: {  	_ =	strace $0x9000004B  }
0xb7: {  	_ =	sfence  }
0xb8: {  	s30 =	sld [smem:$0x0];
	_ =	sdelay $0x2  }
0xb9: {  	s31 =	sshll.u32 s1, $0xD;
	s1 =	sshrl.u32 s1, $0x2  }
0xba: {  	s3 =	sand.u32 $0x4000, s31;
	s1 =	sadd.s32 s1, s30  }
0xbb: {  	s0 =	sor.u32 s3, s0;
	s1 =	sshll.u32 s1, $0x11  }
0xbc: {  	s0 =	sor.u32 s1, s0  }
0xbd: {  	s0 =	sadd.s32 $0x8F2B, s0  }
0xbe: {  	[sflag:s0] =	ssyncadd.remote.s32 $0x1  }
0xbf: {  	_ =	sfence.sel $0xFFFF  }
0xc0: {  	[dreg:$0x0] =	wrdreg $0xFFFFFFFF;
	(pc) =	sbr.abs _section_cstart, $3  }
0xc1: {  	[dreg:$0x1] =	wrdreg $0xFFFFFFFF  }
0xc2: {  	_ =	task.clear_ibuf [dreg:s7], $0x2FFFF;
	_ =	strace $0x9FFFFFFF  }
0xc3: {  	(tm) =	ssettm $0x7FFFFFFF  }
tec
execute0_lowered:
.L_overlay_start_1:
0x0: {  	(tag) =	ssettag $0x1  }
0x1: {  	s1 =	rddreg [dreg:$0x0]  }
0x2: {  	s16 =	rddreg [dreg:$0x1]  }
0x3: {  	s2 =	rddreg [dreg:$0x2];
	s4 =	simm.s32 $0x0;
	s3 =	stileid.u32  }
0x4: {  	s5 =	srdreg.scid;
	s13 =	simm.s32 $0x500;
	s26 =	smul.u32 $0x50000, s3  }
0x5: {  	[smem:$0x7FF] =	sst s4;
	s17 =	sadd.s32 $0x3200, s16;
	s22 =	smul.u32 $0x4E, s3  }
0x6: {  	s15 =	sand.u32 $0x1, s5;
	s18 =	sadd.s32 $0xD000, s16;
	s29 =	smul.u32 $0x2800, s3  }
0x7: {  	_ =	strace $0x8000004A;
	s6 =	ssub.s32 $0x2, s15;
	s7 =	sshll.u32 s15, $0x4  }
0x8: {  	s21 =	smul.u32 $0x4E0, s15;
	s8 =	sshrl.u32 s6, $0x1;
	s5 =	sshrl.u32 s26, $0x2  }
0x9: {  	s10 =	sor.u32 s3, s7;
	s19 =	ssub.s32 s6, s8;
	s5 =	sadd.s32 s5, s2  }
0xa: {  	s11 =	smul.u32 $0x4E, s10;
	s20 =	smin.u32 s10, $0x4;
	p0 =	slt.u32 s10, $0x4  }
0xb: {  	s10 =	simm.s32 $0x4F;
	s21 =	sadd.s32 s22, s21;
	s22 =	simm.s32 $0x3EE00  }
0xc: {  	s6 =	sadd.s32 $0x4000, s5;
	s7 =	sadd.s32 $0x8000, s5;
	s8 =	sadd.s32 $0xC000, s5  }
0xd: {  	s9 =	sadd.s32 $0x10000, s5;
	s10 =	simm.s32 @!p0 $0x4E;
	s13 =	simm.s32 @!p0 $0x4E0  }
0xe: {  	p0 =	seq.s32 s15, $0x1;
	s28 =	sadd.s32 s20, s21;
	s15 =	smax.u32 s19, $0x1  }
0xf: {  	s11 =	sadd.s32 s20, s11;
	s14 =	sadd.s32 $0xFFFFFFFF, s10;
	s22 =	simm.s32 @!p0 $0x16E00  }
0x10: {  	s21 =	sshll.u32 s28, $0x4;
	s20 =	simm.s32 $0x3;
	s12 =	sshll.u32 s11, $0x4  }
0x11: {  	s16 =	sadd.s32 s22, s16;
	s30 =	sadd.s32 $0x10, s21;
	s31 =	sadd.s32 s21, s17  }
0x12: {  	s21 =	sadd.s32 s21, s18;
	s11 =	sadd.s32 s17, s12;
	s12 =	sadd.s32 s18, s12  }
0x13: {  	s16 =	sadd.s32 s16, s29;
	s17 =	sadd.s32 s30, s17;
	s19 =	sadd.s32 s30, s18  }
0x14: {  	s18 =	sadd.s32 $0x20, s21;
	s21 =	simm.s32 $0x80;
	[dreg:$0x4] =	wrdreg s17  }
0x15: {  	v0 =	vimm.f32 $0.0e+00;
	s17 =	sadd.s32 $0x20, s31;
	[dreg:$0x5] =	wrdreg s19;
	s19 =	simm.s32 $0x100  }
.LBB2_1:
0x16: {  	s22 =	simm.s32 $0x0;
	s23 =	simm.s32 $0x200  }
.LBB2_2:
0x17: {  	p0 =	sne.s32 s23, $0xFE00;
	[tilespmem:s22+$0x170] =	vst v0  }
0x18: {  	[tilespmem:s22+$0x100] =	vst v0  }
0x19: {  	[tilespmem:s22+$0x110] =	vst v0  }
.Ltmp0:
0x1a: {  	[tilespmem:s22+$0x120] =	vst v0;
	(pc) =	sbr.rel @p0 .LBB2_2-.Ltmp0, $4  }
0x1b: {  	[tilespmem:s22+$0x130] =	vst v0  }
0x1c: {  	[tilespmem:s22+$0x140] =	vst v0  }
0x1d: {  	[tilespmem:s22+$0x150] =	vst v0  }
0x1e: {  	[tilespmem:s22+$0x160] =	vst v0;
	s22 =	sshra.s32 s23, $0x2;
	s23 =	sadd.s32 $0x200, s23  }
0x1f: {  	[tilespmem:s22+$0x170] =	vst v0  }
0x20: {  	[tilespmem:s22+$0x100] =	vst v0  }
0x21: {  	[tilespmem:s22+$0x110] =	vst v0  }
0x22: {  	[tilespmem:s22+$0x120] =	vst v0  }
0x23: {  	[tilespmem:s22+$0x130] =	vst v0  }
0x24: {  	[tilespmem:s22+$0x140] =	vst v0  }
0x25: {  	[tilespmem:s22+$0x150] =	vst v0  }
0x26: {  	[tilespmem:s22+$0x160] =	vst v0  }
0x27: {  	[spmem:s5] =	stream.linear.scatter [tilespmem:s19], [sflag:$0x3], $0x4000, $0x38;
	[tilespmem:$0x1C200] =	vst v63  }
0x28: {  	_ =	swait.ge [sflag:s20], $0x4000  }
0x29: {  	[sflag:s20] =	ssyncset.done $0x0  }
0x2a: {  	[sflag:s20] =	ssyncadd.s32 $0xFFFFC000  }
0x2b: {  	[spmem:s6] =	stream.linear.scatter [tilespmem:s19], [sflag:$0x3], $0x4000, $0x38;
	[tilespmem:$0x1C200] =	vst v63  }
0x2c: {  	_ =	swait.ge [sflag:s20], $0x4000  }
0x2d: {  	[sflag:s20] =	ssyncset.done $0x0  }
0x2e: {  	[sflag:s20] =	ssyncadd.s32 $0xFFFFC000  }
0x2f: {  	[spmem:s7] =	stream.linear.scatter [tilespmem:s19], [sflag:$0x3], $0x4000, $0x38;
	[tilespmem:$0x1C200] =	vst v63  }
0x30: {  	_ =	swait.ge [sflag:s20], $0x4000  }
0x31: {  	[sflag:s20] =	ssyncset.done $0x0  }
0x32: {  	[sflag:s20] =	ssyncadd.s32 $0xFFFFC000  }
0x33: {  	[spmem:s8] =	stream.linear.scatter [tilespmem:s19], [sflag:$0x3], $0x4000, $0x38;
	[tilespmem:$0x1C200] =	vst v63  }
0x34: {  	_ =	swait.ge [sflag:s20], $0x4000  }
0x35: {  	[sflag:s20] =	ssyncset.done $0x0  }
0x36: {  	[sflag:s20] =	ssyncadd.s32 $0xFFFFC000  }
0x37: {  	[spmem:s9] =	stream.linear.scatter [tilespmem:s19], [sflag:$0x3], $0x4000, $0x38;
	[tilespmem:$0x1C200] =	vst v63  }
0x38: {  	_ =	swait.ge [sflag:s20], $0x4000  }
0x39: {  	[sflag:s20] =	ssyncset.done $0x0  }
0x3a: {  	[sflag:s20] =	ssyncadd.s32 $0xFFFFC000  }
0x3b: {  	s24 =	simm.s32 $0x0;
	[bflag:$0x0] =	sbarrier.arrive $0xFFFF  }
0x3c: {  	[tilespmem:s24], [sflag:$0x3] =	stream.linear.gather [hbm4b:s11+s24], $0x80, $0x38;
	[tilespmem:$0x1C200] =	vst v63  }
0x3d: {  	_ =	swait.ge [sflag:s20], $0x80  }
0x3e: {  	[sflag:s20] =	ssyncset.done $0x0  }
0x3f: {  	p2 =	sne.s32 s13, $0x20;
	[sflag:s20] =	ssyncadd.s32 $0xFFFFFF80  }
0x40: {  	[tilespmem:s21], [sflag:$0x3] =	stream.linear.gather [hbm4b:s12+s24], $0x80, $0x38;
	[tilespmem:$0x1C200] =	vst v63  }
.Ltmp1:
0x41: {  	_ = 	snop;
	(pc) =	sbr.rel @!p2 .LBB2_4-.Ltmp1, $4  }
0x42: {  	s23 =	simm.s32 $0x2;
	_ =	swait.ge [sflag:s20], $0x80  }
0x43: {  	s22 =	simm.s32 $0x20;
	s25 =	simm.s32 $0x0;
	[sflag:s20] =	ssyncset.done $0x0  }
0x44: {  	p0 =	sle.u32 s10, $0x0;
	p1 =	por $0x0, $0x0;
	[sflag:s20] =	ssyncadd.s32 $0xFFFFFF80  }
0x45: {  	[tilespmem:s19], [sflag:$0x1] =	stream.indirect.gather [hbm4b:s1+s21], $0x80, s24, s21, $0xb8;
	[tilespmem:$0x1C200] =	vst v63  }
0x46: {  	p1 =	sle.u32 @!p0 s10, $0x1  }
0x47: {  	p1 =	por p1, p0  }
0x48: {  	s23 =	rddreg [dreg:$0x4];
	s24 =	simm.s32 @!p1 $0x0  }
0x49: {  	s25 =	simm.s32 @!p1 $0x4100;
	s23 =	sadd.s32 @!p1 $0x0, s23;
	s26 =	simm.s32 @!p1 $0x4  }
0x4a: {  	[tilespmem:s25], [sflag:$0x4] =	stream.linear.gather @!p1 [hbm4b:s23+s24], $0x80, $0x38;
	[tilespmem:$0x1C200] =	vst v63  }
0x4b: {  	_ =	swait.ge @!p1 [sflag:s26], $0x80  }
0x4c: {  	s23 =	rddreg [dreg:$0x5];
	[sflag:s26] =	ssyncset.done @!p1 $0x0  }
0x4d: {  	s28 =	simm.s32 @!p1 $0x4180;
	[sflag:s26] =	ssyncadd.s32 @!p1 $0xFFFFFF80;
	s23 =	sadd.s32 @!p1 $0x0, s23  }
0x4e: {  	[tilespmem:s28], [sflag:$0x4] =	stream.linear.gather @!p1 [hbm4b:s23+s24], $0x80, $0x38;
	[tilespmem:$0x1C200] =	vst v63  }
0x4f: {  	_ =	swait.ge @!p1 [sflag:s26], $0x80  }
0x50: {  	s23 =	simm.s32 @!p1 $0x80;
	[sflag:s26] =	ssyncset.done @!p1 $0x0  }
0x51: {  	s24 =	simm.s32 @!p1 $0x4200;
	[sflag:s26] =	ssyncadd.s32 @!p1 $0xFFFFFF80;
	s26 =	simm.s32 @!p0 $0x1  }
0x52: {  	[tilespmem:s24], [sflag:$0x2] =	stream.indirect.gather @!p1 [hbm4b:s1+s23], $0x80, s25, s23, $0xb8;
	[tilespmem:$0x1C200] =	vst v63  }
0x53: {  	_ =	swait.ge @!p0 [sflag:s26], $0x4000  }
0x54: {  	p2 =	sle.u32 s14, $0x0;
	s23 =	simm.s32 @!p0 $0x80;
	[sflag:s26] =	ssyncset.done @!p0 $0x0  }
0x55: {  	s24 =	simm.s32 @!p0 $0x100;
	s25 =	simm.s32 @!p0 $0x4;
	[sflag:s26] =	ssyncadd.s32 @!p0 $0xFFFFC000  }
0x56: {  	[spmem:s2] =	stream.indirect.scatter.add.f32 @!p0 [tilespmem:s24], [sflag:$0x4], $0x80, s23, s23, $0xb8;
	[tilespmem:$0x1C200] =	vst v63  }
0x57: {  	p1 =	sle.u32 @!p2 s10, $0x2;
	_ =	swait.ge @!p0 [sflag:s25], $0x4000  }
0x58: {  	p1 =	por p1, p2;
	[sflag:s25] =	ssyncset.done @!p0 $0x0  }
0x59: {  	s23 =	sadd.s32 @!p1 $0x0, s17;
	s24 =	simm.s32 @!p1 $0x0;
	[sflag:s25] =	ssyncadd.s32 @!p0 $0xFFFFC000  }
0x5a: {  	[tilespmem:s24], [sflag:$0x4] =	stream.linear.gather @!p1 [hbm4b:s23+s24], $0x80, $0x38;
	[tilespmem:$0x1C200] =	vst v63  }
0x5b: {  	s23 =	simm.s32 @!p1 $0x4  }
0x5c: {  	_ =	swait.ge @!p1 [sflag:s23], $0x80  }
0x5d: {  	[sflag:s23] =	ssyncset.done @!p1 $0x0  }
0x5e: {  	s26 =	simm.s32 @!p1 $0x80;
	s25 =	sadd.s32 @!p1 $0x0, s18;
	[sflag:s23] =	ssyncadd.s32 @!p1 $0xFFFFFF80  }
0x5f: {  	[tilespmem:s26], [sflag:$0x4] =	stream.linear.gather @!p1 [hbm4b:s25+s24], $0x80, $0x38;
	[tilespmem:$0x1C200] =	vst v63  }
0x60: {  	_ =	swait.ge @!p1 [sflag:s23], $0x80  }
0x61: {  	p3 =	sne.s32 s13, $0x40;
	s28 =	simm.s32 @!p2 $0x80;
	[sflag:s23] =	ssyncset.done @!p1 $0x0  }
0x62: {  	s25 =	simm.s32 @!p1 $0x100;
	[sflag:s23] =	ssyncadd.s32 @!p1 $0xFFFFFF80;
	s23 =	simm.s32 @!p2 $0x2  }
0x63: {  	[tilespmem:s25], [sflag:$0x1] =	stream.indirect.gather @!p1 [hbm4b:s1+s26], $0x80, s24, s26, $0xb8;
	[tilespmem:$0x1C200] =	vst v63  }
.Ltmp2:
0x64: {  	p0 =	sle.u32 s10, $0x2;
	_ =	swait.ge @!p2 [sflag:s23], $0x4000;
	(pc) =	sbr.rel @!p3 .LBB2_6-.Ltmp2, $4  }
0x65: {  	s24 =	simm.s32 $0x40;
	s25 =	simm.s32 @!p2 $0x4180;
	[sflag:s23] =	ssyncset.done @!p2 $0x0  }
0x66: {  	s26 =	simm.s32 @!p2 $0x4200;
	p1 =	por $0x1, $0x1;
	[sflag:s23] =	ssyncadd.s32 @!p2 $0xFFFFC000  }
0x67: {  	[spmem:s2] =	stream.indirect.scatter.add.f32 @!p2 [tilespmem:s26], [sflag:$0x3], $0x80, s25, s28, $0xb8;
	[tilespmem:$0x1C200] =	vst v63  }
0x68: {  	s23 =	simm.s32 $0x4;
	s25 =	simm.s32 $0x2;
	s28 =	simm.s32 @!p2 $0x3  }
.LBB2_7:
0x69: {  	s29 =	sadd.s32 @!p0 $0xFFFFFFFF, s23  }
0x6a: {  	_ =	swait.ge @!p2 [sflag:s28], $0x4000;
	p4 =	sge.u32 @!p0 s29, s10  }
0x6b: {  	[sflag:s28] =	ssyncset.done @!p2 $0x0;
	p4 =	por p4, p0  }
0x6c: {  	s29 =	rddreg [dreg:$0x4];
	[sflag:s28] =	ssyncadd.s32 @!p2 $0xFFFFC000;
	s28 =	simm.s32 @!p4 $0x0  }
0x6d: {  	s30 =	simm.s32 @!p4 $0x4100;
	s29 =	sadd.s32 @!p4 s22, s29;
	s31 =	simm.s32 @!p4 $0x4  }
0x6e: {  	[tilespmem:s30], [sflag:$0x4] =	stream.linear.gather @!p4 [hbm4b:s29+s28], $0x80, $0x38;
	[tilespmem:$0x1C200] =	vst v63  }
0x6f: {  	_ =	swait.ge @!p4 [sflag:s31], $0x80  }
0x70: {  	[sflag:s31] =	ssyncset.done @!p4 $0x0;
	s29 =	rddreg [dreg:$0x5]  }
0x71: {  	s0 =	simm.s32 @!p4 $0x4180;
	[sflag:s31] =	ssyncadd.s32 @!p4 $0xFFFFFF80;
	s29 =	sadd.s32 @!p4 s22, s29  }
0x72: {  	[tilespmem:s0], [sflag:$0x4] =	stream.linear.gather @!p4 [hbm4b:s29+s28], $0x80, $0x38;
	[tilespmem:$0x1C200] =	vst v63  }
0x73: {  	_ =	swait.ge @!p4 [sflag:s31], $0x80  }
0x74: {  	s0 =	simm.s32 @!p4 $0x80;
	[sflag:s31] =	ssyncset.done @!p4 $0x0  }
0x75: {  	s28 =	simm.s32 @!p4 $0x4200;
	s29 =	simm.s32 @!p0 $0x1;
	[sflag:s31] =	ssyncadd.s32 @!p4 $0xFFFFFF80  }
0x76: {  	[tilespmem:s28], [sflag:$0x2] =	stream.indirect.gather @!p4 [hbm4b:s1+s0], $0x80, s30, s0, $0xb8;
	[tilespmem:$0x1C200] =	vst v63  }
0x77: {  	_ =	swait.ge @!p0 [sflag:s29], $0x4000  }
0x78: {  	p2 =	sge.u32 s25, s14;
	s0 =	simm.s32 @!p0 $0x80;
	[sflag:s29] =	ssyncset.done @!p0 $0x0  }
0x79: {  	s28 =	simm.s32 @!p0 $0x100;
	[sflag:s29] =	ssyncadd.s32 @!p0 $0xFFFFC000;
	s29 =	simm.s32 @!p0 $0x4  }
0x7a: {  	[spmem:s2] =	stream.indirect.scatter.add.f32 @!p0 [tilespmem:s28], [sflag:$0x4], $0x80, s0, s0, $0xb8;
	[tilespmem:$0x1C200] =	vst v63  }
0x7b: {  	p4 =	sge.u32 @!p2 s23, s10;
	_ =	swait.ge @!p0 [sflag:s29], $0x4000  }
0x7c: {  	p4 =	por p4, p2;
	[sflag:s29] =	ssyncset.done @!p0 $0x0  }
0x7d: {  	s25 =	simm.s32 @!p4 $0x0;
	s0 =	sadd.s32 @!p4 s22, s17;
	[sflag:s29] =	ssyncadd.s32 @!p0 $0xFFFFC000  }
0x7e: {  	[tilespmem:s25], [sflag:$0x4] =	stream.linear.gather @!p4 [hbm4b:s0+s25], $0x80, $0x38;
	[tilespmem:$0x1C200] =	vst v63  }
0x7f: {  	s0 =	simm.s32 @!p4 $0x4  }
0x80: {  	_ =	swait.ge @!p4 [sflag:s0], $0x80  }
0x81: {  	[sflag:s0] =	ssyncset.done @!p4 $0x0  }
0x82: {  	s28 =	sadd.s32 @!p4 s22, s18;
	s29 =	simm.s32 @!p4 $0x80;
	[sflag:s0] =	ssyncadd.s32 @!p4 $0xFFFFFF80  }
0x83: {  	[tilespmem:s29], [sflag:$0x4] =	stream.linear.gather @!p4 [hbm4b:s28+s25], $0x80, $0x38;
	[tilespmem:$0x1C200] =	vst v63  }
0x84: {  	s26 =	smov.u32 s24;
	s24 =	sadd.s32 $0x20, s24;
	_ =	swait.ge @!p4 [sflag:s0], $0x80  }
0x85: {  	p3 =	sne.s32 s13, s24;
	[sflag:s0] =	ssyncset.done @!p4 $0x0  }
0x86: {  	s22 =	smov.u32 s26;
	s26 =	simm.s32 @!p4 $0x100;
	[sflag:s0] =	ssyncadd.s32 @!p4 $0xFFFFFF80  }
0x87: {  	[tilespmem:s26], [sflag:$0x1] =	stream.indirect.gather @!p4 [hbm4b:s1+s29], $0x80, s25, s29, $0xb8;
	[tilespmem:$0x1C200] =	vst v63  }
.Ltmp3:
0x88: {  	s23 =	sadd.s32 $0x2, s23;
	s0 =	simm.s32 @!p2 $0x2;
	(pc) =	sbr.rel @p3 .LBB2_7-.Ltmp3, $4  }
0x89: {  	s30 =	simm.s32 @!p2 $0x80;
	s28 =	simm.s32 @!p2 $0x3;
	_ =	swait.ge @!p2 [sflag:s0], $0x4000  }
0x8a: {  	s26 =	simm.s32 @!p2 $0x4180;
	s25 =	sadd.s32 $0xFFFFFFFE, s23;
	[sflag:s0] =	ssyncset.done @!p2 $0x0  }
0x8b: {  	s29 =	simm.s32 @!p2 $0x4200;
	p0 =	sge.u32 s25, s10;
	[sflag:s0] =	ssyncadd.s32 @!p2 $0xFFFFC000  }
0x8c: {  	[spmem:s2] =	stream.indirect.scatter.add.f32 @!p2 [tilespmem:s29], [sflag:$0x3], $0x80, s26, s30, $0xb8;
	[tilespmem:$0x1C200] =	vst v63  }
0x8d: {  	s24 =	smov.u32 s22  }
.LBB2_9:
0x8e: {  	p2 =	por p2, !p1;
	s0 =	sadd.s32 @!p0 $0xFFFFFFFF, s23  }
0x8f: {  	_ =	swait.ge @!p2 [sflag:s28], $0x4000;
	p1 =	sge.u32 @!p0 s0, s10  }
0x90: {  	[sflag:s28] =	ssyncset.done @!p2 $0x0;
	p1 =	por p1, p0  }
0x91: {  	s0 =	rddreg [dreg:$0x4];
	[sflag:s28] =	ssyncadd.s32 @!p2 $0xFFFFC000;
	s22 =	simm.s32 @!p1 $0x0  }
0x92: {  	s26 =	simm.s32 @!p1 $0x4100;
	s0 =	sadd.s32 @!p1 s24, s0;
	s28 =	simm.s32 @!p1 $0x4  }
0x93: {  	[tilespmem:s26], [sflag:$0x4] =	stream.linear.gather @!p1 [hbm4b:s0+s22], $0x80, $0x38;
	[tilespmem:$0x1C200] =	vst v63  }
0x94: {  	_ =	swait.ge @!p1 [sflag:s28], $0x80  }
0x95: {  	s0 =	rddreg [dreg:$0x5];
	[sflag:s28] =	ssyncset.done @!p1 $0x0  }
0x96: {  	s29 =	simm.s32 @!p1 $0x4180;
	[sflag:s28] =	ssyncadd.s32 @!p1 $0xFFFFFF80;
	s0 =	sadd.s32 @!p1 s24, s0  }
0x97: {  	[tilespmem:s29], [sflag:$0x4] =	stream.linear.gather @!p1 [hbm4b:s0+s22], $0x80, $0x38;
	[tilespmem:$0x1C200] =	vst v63  }
0x98: {  	_ =	swait.ge @!p1 [sflag:s28], $0x80  }
0x99: {  	s0 =	simm.s32 @!p1 $0x80;
	[sflag:s28] =	ssyncset.done @!p1 $0x0  }
0x9a: {  	s22 =	simm.s32 @!p1 $0x4200;
	[sflag:s28] =	ssyncadd.s32 @!p1 $0xFFFFFF80;
	s28 =	simm.s32 @!p0 $0x1  }
0x9b: {  	[tilespmem:s22], [sflag:$0x2] =	stream.indirect.gather @!p1 [hbm4b:s1+s0], $0x80, s26, s0, $0xb8;
	[tilespmem:$0x1C200] =	vst v63  }
0x9c: {  	_ =	swait.ge @!p0 [sflag:s28], $0x4000  }
0x9d: {  	s0 =	simm.s32 @!p0 $0x80;
	s22 =	simm.s32 @!p0 $0x100;
	[sflag:s28] =	ssyncset.done @!p0 $0x0  }
0x9e: {  	s26 =	simm.s32 @!p0 $0x4;
	p1 =	sge.u32 s25, s14;
	[sflag:s28] =	ssyncadd.s32 @!p0 $0xFFFFC000  }
0x9f: {  	[spmem:s2] =	stream.indirect.scatter.add.f32 @!p0 [tilespmem:s22], [sflag:$0x4], $0x80, s0, s0, $0xb8;
	[tilespmem:$0x1C200] =	vst v63  }
0xa0: {  	p2 =	sge.u32 @!p1 s23, s10;
	_ =	swait.ge @!p0 [sflag:s26], $0x4000  }
0xa1: {  	p2 =	por p2, p1;
	[sflag:s26] =	ssyncset.done @!p0 $0x0  }
0xa2: {  	s0 =	sadd.s32 @!p2 s24, s17;
	s22 =	simm.s32 @!p2 $0x0;
	[sflag:s26] =	ssyncadd.s32 @!p0 $0xFFFFC000  }
0xa3: {  	[tilespmem:s22], [sflag:$0x4] =	stream.linear.gather @!p2 [hbm4b:s0+s22], $0x80, $0x38;
	[tilespmem:$0x1C200] =	vst v63  }
0xa4: {  	s0 =	simm.s32 @!p2 $0x4  }
0xa5: {  	_ =	swait.ge @!p2 [sflag:s0], $0x80  }
0xa6: {  	[sflag:s0] =	ssyncset.done @!p2 $0x0  }
0xa7: {  	s23 =	sadd.s32 @!p2 s24, s18;
	s24 =	simm.s32 @!p2 $0x80;
	[sflag:s0] =	ssyncadd.s32 @!p2 $0xFFFFFF80  }
0xa8: {  	[tilespmem:s24], [sflag:$0x4] =	stream.linear.gather @!p2 [hbm4b:s23+s22], $0x80, $0x38;
	[tilespmem:$0x1C200] =	vst v63  }
0xa9: {  	_ =	swait.ge @!p2 [sflag:s0], $0x80  }
0xaa: {  	[sflag:s0] =	ssyncset.done @!p2 $0x0  }
0xab: {  	s23 =	simm.s32 @!p2 $0x100;
	[sflag:s0] =	ssyncadd.s32 @!p2 $0xFFFFFF80;
	s0 =	simm.s32 @!p1 $0x2  }
0xac: {  	[tilespmem:s23], [sflag:$0x1] =	stream.indirect.gather @!p2 [hbm4b:s1+s24], $0x80, s22, s24, $0xb8;
	[tilespmem:$0x1C200] =	vst v63  }
0xad: {  	_ =	swait.ge @!p1 [sflag:s0], $0x4000  }
0xae: {  	s22 =	simm.s32 @!p1 $0x4180;
	s23 =	simm.s32 @!p1 $0x4200;
	[sflag:s0] =	ssyncset.done @!p1 $0x0  }
0xaf: {  	s24 =	simm.s32 @!p1 $0x80;
	[sflag:s0] =	ssyncadd.s32 @!p1 $0xFFFFC000;
	s0 =	simm.s32 @!p1 $0x3  }
0xb0: {  	[spmem:s2] =	stream.indirect.scatter.add.f32 @!p1 [tilespmem:s23], [sflag:$0x3], $0x80, s22, s24, $0xb8;
	[tilespmem:$0x1C200] =	vst v63  }
0xb1: {  	_ =	swait.ge @!p1 [sflag:s0], $0x4000  }
0xb2: {  	s30 =	sshll.u32 s3, $0x6;
	[sflag:s0] =	ssyncset.done @!p1 $0x0  }
0xb3: {  	s31 =	sshrl.u32 s5, $0x3;
	s4 =	sadd.s32 $0x1, s4;
	[sflag:s0] =	ssyncadd.s32 @!p1 $0xFFFFC000  }
0xb4: {  	p0 =	sne.s32 s4, s15;
	s0 =	sor.u32 $0x1C03, s30;
	[bflag:$0x0] =	sbarrier.arrive $0xFFFF  }
0xb5: {  	[hbm:s16], [sflag:s0] =	dma.local [spmem:s31], $0x2800  }
.Ltmp4:
0xb6: {  	_ = 	snop;
	(pc) =	sbr.rel @p0 .LBB2_1-.Ltmp4, $4  }
.Ltmp5:
0xb7: {  	_ = 	snop;
	(pc) =	sbr.rel @!p0 .LBB2_10-.Ltmp5, $4  }
0xb8: {  	_ =	swait.ge [sflag:s20], $0x2800  }
0xb9: {  	[sflag:s20] =	ssyncset.done $0x0  }
0xba: {  	[sflag:s20] =	ssyncadd.s32 $0xFFFFD800  }
0xbb: {  	_ = 	snop  }
.LBB2_4:
.Ltmp6:
0xbc: {  	(pc) =	sbr.rel .LBB2_9-.Ltmp6, $2  }
0xbd: {  	_ =	sdelay $0x2  }
0xbe: {  	_ = 	snop  }
.LBB2_6:
.Ltmp7:
0xbf: {  	(pc) =	sbr.rel .LBB2_9-.Ltmp7, $2  }
0xc0: {  	_ =	sdelay $0x2  }
0xc1: {  	s24 =	simm.s32 $0x20  }
.LBB2_10:
0xc2: {  	_ =	sfence.sel $0x180000  }
0xc3: {  	[bflag:$0x0] =	sbarrier.arrive $0xFFFF  }
0xc4: {  	_ =	strace $0x9000004A  }
0xc5: {  	[bflag:$0x2] =	sbarrier.arrive $0xFFFF  }
0xc6: {  	p0 =	sne.s32 s3, $0x0;
	s0 =	rddreg [dreg:$0x3]  }
0xc7: {  	s0 =	sadd.s32 @!p0 $0x100000, s0  }
0xc8: {  	[sflag:s0] =	ssyncadd.tile.s32 @!p0 $0x1;
	_ =	shalt  }
.Lfunc_end2:
_tile_overlayer_lowered:
.L_overlay_start_2:
0xc9: {  	(tag) =	ssettag $0x2  }
0xca: {  	s0 =	rddreg [dreg:$0x0];
	s2 =	stileid.u32  }
0xcb: {  	s1 =	rddreg [dreg:$0x1];
	p0 =	sne.s32 s2, $0x0  }
0xcc: {  	s3 =	rddreg [dreg:$0x2];
	[bflag:$0x3] =	sbarrier.arrive $0xFFFF;
	s2 =	simm.s32 @!p0 $0x1C03  }
0xcd: {  	[timem:s3], [sflag:s2] =	dma.local @!p0 [hbm:s0], s1  }
0xce: {  	s0 =	simm.s32 @!p0 $0x3  }
0xcf: {  	_ =	swait.ge @!p0 [sflag:s0], s1  }
0xd0: {  	s1 =	ssub.s32 @!p0 $0x0, s1;
	[sflag:s0] =	ssyncset.done @!p0 $0x0  }
0xd1: {  	[sflag:s0] =	ssyncadd.s32 @!p0 s1  }
0xd2: {  	[bflag:$0x3] =	sbarrier.arrive $0xFFFF  }
0xd3: {  	_ =	shalt  }

// kernel: kernel.15.cloned.1.call-start
scs
__scs_entry_jumppad:
0x0: {  	(pc) =	sbr.rel $0x88, $3  }
0x1: {  	(tag) =	ssettag $0x0;
	lr =	simm.s32 $0x1  }
0x2: {  	[smem:$0x3F9B] =	sst lr;
	_ =	strace $0xD0000000  }
0x3: {  	_ = 	snop  }
0x4: {  	_ = 	snop  }
0x5: {  	_ = 	snop  }
0x6: {  	_ = 	snop  }
0x7: {  	_ = 	snop  }
__scs_overlays_trampoline_lowered:
0x8: {  	[smem:$0x3FAA] =	sst s0  }
0x9: {  	[smem:$0x3FAB] =	sst s1  }
0xa: {  	[smem:$0x3FAC] =	sst s2  }
0xb: {  	[smem:$0x3FAD] =	sst s3  }
0xc: {  	[smem:$0x3FAE] =	sst s4  }
0xd: {  	[smem:$0x3FAF] =	sst s5  }
0xe: {  	[smem:$0x3FB0] =	sst s6  }
0xf: {  	[smem:$0x3FB1] =	sst s7  }
0x10: {  	[smem:$0x3FB2] =	sst s8  }
0x11: {  	[smem:$0x3FB3] =	sst s9;
	s0 =	simm.s32 @!p0 $0x0  }
0x12: {  	s1 =	sld [smem:$0x3F99];
	s0 =	simm.s32 @p0 $0x1  }
0x13: {  	[smem:$0x3FB4] =	sst s0;
	s0 =	simm.s32 @!p1 $0x0  }
0x14: {  	s2 =	sld [smem:$0x3F98];
	s0 =	simm.s32 @p1 $0x1  }
0x15: {  	[smem:$0x3FB5] =	sst s0;
	s0 =	simm.s32 @!p2 $0x0  }
0x16: {  	s3 =	sld [smem:$0x3FDB];
	s0 =	simm.s32 @p2 $0x1  }
0x17: {  	s4 =	simm.s32 $0x1BF5;
	[smem:$0x3FB7] =	sst s0  }
0x18: {  	s0 =	sld [smem:$0x3F9A];
	_ =	swait.ge [sflag:s4], $0x0  }
0x19: {  	s7 =	sld [smem:$0x3F9B]  }
0x1a: {  	s8 =	sadd.s32 $0xFFFFE003, lr  }
0x1b: {  	s9 =	sadd.s32 $0xFFFFFEF7, lr;
	s5 =	simm.s32 $0xFFFFFFFF;
	p2 =	slt.u32 s8, $0xFFFFF086  }
0x1c: {  	p1 =	slt.u32 s9, $0xF7A;
	s5 =	simm.s32 @!p2 $0x0  }
0x1d: {  	s5 =	simm.s32 @p1 $0x1;
	p0 =	seq.s32 s7, s2  }
0x1e: {  	s7 =	smul.u32 @!p0 $0xF7A, s2;
	p2 =	seq.s32 @!p0 s5, $0x0  }
0x1f: {  	s9 =	smul.u32 $0xF7A, s1;
	s8 =	simm.s32 @!p0 $0x1BF5;
	p2 =	por !p2, p0  }
0x20: {  	[sflag:s8] =	ssyncset.s32 @!p0 $0xFFFFF086;
	s6 =	sadd.s32 @!p0 s3, s7;
	s7 =	simm.s32 @!p0 $0x108  }
0x21: {  	s3 =	sadd.s32 s3, s9;
	s6 =	sadd.s32 @!p0 $0x88, s6;
	s7 =	simm.s32 @p2 $0x1082  }
0x22: {  	[simem:s7], [sflag:s8] =	dma.local @!p0 [hbm:s6], $0xF7A  }
0x23: {  	s9 =	sor.u32 $0xD0000000, s2;
	s6 =	simm.s32 $0x108;
	_ =	swait.ge @!p0 [sflag:s8], $0x0  }
0x24: {  	s3 =	sadd.s32 $0x88, s3;
	s6 =	simm.s32 @!p1 $0x1082;
	[sflag:s4] =	ssyncset.s32 $0xFFFFF086  }
0x25: {  	[simem:s6], [sflag:s4] =	dma.local [hbm:s3], $0xF7A  }
0x26: {  	[smem:$0x3F9B] =	sst s1;
	(tag) =	ssettag s2;
	_ =	strace s9  }
0x27: {  	s1 =	sld [smem:$0x3FAB]  }
0x28: {  	s2 =	sld [smem:$0x3FAC]  }
0x29: {  	s4 =	sld [smem:$0x3FAE]  }
0x2a: {  	p0 =	seq.s32 s5, $0x0;
	s5 =	sld [smem:$0x3FAF]  }
0x2b: {  	s6 =	sld [smem:$0x3FB0]  }
0x2c: {  	s7 =	sld [smem:$0x3FB1]  }
0x2d: {  	s3 =	simm.s32 $0x108;
	s8 =	sld [smem:$0x3FB2]  }
0x2e: {  	s3 =	simm.s32 @!p0 $0x1082;
	s9 =	sld [smem:$0x3FB3]  }
0x2f: {  	lr =	sadd.s32 s0, s3;
	s0 =	sld [smem:$0x3FAA]  }
0x30: {  	s3 =	sld [smem:$0x3FAD]  }
0x31: {  	[smem:$0x3FB6] =	sst s10  }
0x32: {  	s10 =	sld [smem:$0x3FB4];
	_ =	sdelay $0x3  }
0x33: {  	p0 =	seq.s32 s10, $0x1;
	s10 =	sld [smem:$0x3FB6];
	_ =	sdelay $0x3  }
0x34: {  	[smem:$0x3FB6] =	sst s10  }
0x35: {  	s10 =	sld [smem:$0x3FB5];
	_ =	sdelay $0x3  }
0x36: {  	p1 =	seq.s32 s10, $0x1;
	s10 =	sld [smem:$0x3FB6];
	_ =	sdelay $0x3  }
0x37: {  	[smem:$0x3FB6] =	sst s10  }
0x38: {  	s10 =	sld [smem:$0x3FB7]  }
0x39: {  	_ = 	snop;
	(pc) =	sbr.ind lr, $3  }
0x3a: {  	_ = 	snop  }
0x3b: {  	_ = 	snop  }
0x3c: {  	p2 =	seq.s32 s10, $0x1;
	s10 =	sld [smem:$0x3FB6]  }
0x3d: {  	_ =	shalt  }
0x3e: {  	_ =	shalt  }
0x3f: {  	_ =	shalt  }
0x40: {  	_ =	shalt  }
0x41: {  	_ =	shalt  }
0x42: {  	_ =	shalt  }
0x43: {  	_ =	shalt  }
0x44: {  	_ =	shalt  }
0x45: {  	_ =	shalt  }
0x46: {  	_ =	shalt  }
0x47: {  	_ =	shalt  }
0x48: {  	_ =	shalt  }
0x49: {  	_ =	shalt  }
0x4a: {  	_ =	shalt  }
0x4b: {  	_ =	shalt  }
0x4c: {  	_ =	shalt  }
0x4d: {  	_ =	shalt  }
0x4e: {  	_ =	shalt  }
0x4f: {  	_ =	shalt  }
0x50: {  	_ =	shalt  }
0x51: {  	_ =	shalt  }
0x52: {  	_ =	shalt  }
0x53: {  	_ =	shalt  }
0x54: {  	_ =	shalt  }
0x55: {  	_ =	shalt  }
0x56: {  	_ =	shalt  }
0x57: {  	_ =	shalt  }
0x58: {  	_ =	shalt  }
0x59: {  	_ =	shalt  }
0x5a: {  	_ =	shalt  }
0x5b: {  	_ =	shalt  }
0x5c: {  	_ =	shalt  }
0x5d: {  	_ =	shalt  }
0x5e: {  	_ =	shalt  }
0x5f: {  	_ =	shalt  }
0x60: {  	_ =	shalt  }
0x61: {  	_ =	shalt  }
0x62: {  	_ =	shalt  }
0x63: {  	_ =	shalt  }
0x64: {  	_ =	shalt  }
0x65: {  	_ =	shalt  }
0x66: {  	_ =	shalt  }
0x67: {  	_ =	shalt  }
0x68: {  	_ =	shalt  }
0x69: {  	_ =	shalt  }
0x6a: {  	_ =	shalt  }
0x6b: {  	_ =	shalt  }
0x6c: {  	_ =	shalt  }
0x6d: {  	_ =	shalt  }
0x6e: {  	_ =	shalt  }
0x6f: {  	_ =	shalt  }
0x70: {  	_ =	shalt  }
0x71: {  	_ =	shalt  }
0x72: {  	_ =	shalt  }
0x73: {  	_ =	shalt  }
0x74: {  	_ =	shalt  }
0x75: {  	_ =	shalt  }
0x76: {  	_ =	shalt  }
0x77: {  	_ =	shalt  }
0x78: {  	_ =	shalt  }
0x79: {  	_ =	shalt  }
0x7a: {  	_ =	shalt  }
0x7b: {  	_ =	shalt  }
0x7c: {  	_ =	shalt  }
0x7d: {  	_ =	shalt  }
0x7e: {  	_ =	shalt  }
0x7f: {  	_ =	shalt  }
0x80: {  	_ =	shalt  }
0x81: {  	_ =	shalt  }
0x82: {  	_ =	shalt  }
0x83: {  	_ =	shalt  }
0x84: {  	_ =	shalt  }
0x85: {  	_ =	shalt  }
0x86: {  	_ =	shalt  }
0x87: {  	_ =	shalt  }
.Lfunc_end0:
.L_simem_size_0:
called_computation.2_lowered:
.L_overlay_start_0:
0x88: {  	s2 =	sld [smem:$0x3FD9]  }
0x89: {  	s3 =	sld [smem:$0x3FFE];
	_ =	sdelay $0x1  }
0x8a: {  	s1 =	srdreg.scid  }
0x8b: {  	s0 =	sand.u32 $0x1, s1  }
0x8c: {  	s17 =	sshll.u32 s0, $0xA;
	s2 =	sadd.s32 s3, s2  }
0x8d: {  	s2 =	sadd.s32 s2, s17  }
0x8e: {  	[smem:$0x3FC2] =	sst s2  }
0x8f: {  	_ = 	snop  }
0x90: {  	s2 =	sld [smem:$0x3FD0];
	(tm) =	ssettm $0x1  }
0x91: {  	s18 =	sld [smem:$0x3FFB];
	_ =	sdelay $0x3  }
0x92: {  	_ =	strace s18  }
0x93: {  	s3 =	sld [smem:$0x3FFC];
	_ =	sdelay $0x3  }
0x94: {  	_ =	strace s3  }
0x95: {  	s3 =	sld [smem:$0x3FFD];
	_ =	sdelay $0x3  }
0x96: {  	_ =	strace s3  }
0x97: {  	_ =	strace $0x8FFFFFFF  }
0x98: {  	s19 =	sld [smem:$0x3FDB];
	_ =	sdelay $0x1  }
0x99: {  	s4 =	simm.s32 $_scs_section_size  }
0x9a: {  	s5 =	simm.s32 $_size__tile_overlayer_lowered;
	s6 =	simm.s32 $_tile_overlayer_lowered  }
0x9b: {  	s22 =	simm.s32 $0x1BFF;
	s21 =	sshll.u32 s6, $0x1;
	s3 =	sadd.s32 s4, s19  }
0x9c: {  	s7 =	simm.s32 $0x0;
	s20 =	sshll.u32 s5, $0x1;
	s5 =	sadd.s32 s21, s3  }
0x9d: {  	[timem:s7], [sflag:s22] =	dma.local [hbm:s5], s20  }
0x9e: {  	_ =	swait.ge [sflag:s22], s20  }
0x9f: {  	s4 =	ssub.s32 $0x0, s20;
	[sflag:s22] =	ssyncset.done $0x0  }
0xa0: {  	[sflag:s22] =	ssyncadd.s32 s4;
	_ =	sdelay $0x1  }
0xa1: {  	s23 =	simm.s32 $0x1B8B  }
0xa2: {  	_ =	swait.ge [sflag:s23], $0x1  }
0xa3: {  	[sflag:s23] =	ssyncset.done $0x0  }
0xa4: {  	s25 =	simm.s32 $0x1B8E;
	s24 =	sld [smem:$0x3FFE];
	[sflag:s23] =	ssyncadd.s32 $0xFFFFFFFF  }
0xa5: {  	s26 =	simm.s32 $execute0_lowered;
	[smem:$0x3FD2] =	sst s25  }
0xa6: {  	s5 =	sshll.u32 s26, $0x1;
	_ =	strace $0x8000004C;
	[dreg:$0x1] =	wrdreg $0xFFFFFFFF  }
0xa7: {  	s28 =	simm.s32 $_size_execute0_lowered;
	s3 =	sadd.s32 s3, s5;
	[dreg:$0x0] =	wrdreg $0x0  }
0xa8: {  	s5 =	sshll.u32 s28, $0x1;
	[dreg:$0x2] =	wrdreg s3  }
0xa9: {  	[dreg:$0x3] =	wrdreg s5  }
0xaa: {  	[dreg:$0x4] =	wrdreg $0xC0  }
0xab: {  	_ =	task [dreg:s7], $0x5FFFF  }
0xac: {  	[dreg:$0x1] =	wrdreg $0xFFFFFFFF  }
0xad: {  	[dreg:$0x0] =	wrdreg $0x60  }
0xae: {  	[dreg:$0x2] =	wrdreg s2  }
0xaf: {  	[dreg:$0x3] =	wrdreg s24  }
0xb0: {  	[dreg:$0x4] =	wrdreg $0x82000  }
0xb1: {  	[dreg:$0x5] =	wrdreg $0x9  }
0xb2: {  	_ =	task.clear_ibuf [dreg:s7], $0x6FFFF;
	_ =	strace $0x9000004C  }
0xb3: {  	s29 =	simm.s32 $0x9;
	_ =	strace $0x8000004E  }
0xb4: {  	_ =	swait.ge [sflag:s29], $0x1  }
0xb5: {  	[sflag:s29] =	ssyncadd.s32 $0xFFFFFFFF  }
0xb6: {  	_ =	strace $0x9000004E  }
0xb7: {  	_ =	sfence  }
0xb8: {  	s30 =	sld [smem:$0x0];
	_ =	sdelay $0x2  }
0xb9: {  	s31 =	sshll.u32 s1, $0xD;
	s1 =	sshrl.u32 s1, $0x2  }
0xba: {  	s3 =	sand.u32 $0x4000, s31;
	s1 =	sadd.s32 s1, s30  }
0xbb: {  	s0 =	sor.u32 s3, s0;
	s1 =	sshll.u32 s1, $0x11  }
0xbc: {  	s0 =	sor.u32 s1, s0  }
0xbd: {  	s0 =	sadd.s32 $0x8F2B, s0  }
0xbe: {  	[sflag:s0] =	ssyncadd.remote.s32 $0x1  }
0xbf: {  	_ =	sfence.sel $0xFFFF  }
0xc0: {  	[dreg:$0x0] =	wrdreg $0xFFFFFFFF;
	(pc) =	sbr.abs _section_cstart, $3  }
0xc1: {  	[dreg:$0x1] =	wrdreg $0xFFFFFFFF  }
0xc2: {  	_ =	task.clear_ibuf [dreg:s7], $0x2FFFF;
	_ =	strace $0x9FFFFFFF  }
0xc3: {  	(tm) =	ssettm $0x7FFFFFFF  }
tec
execute0_lowered:
.L_overlay_start_1:
0x0: {  	(tag) =	ssettag $0x1  }
0x1: {  	s1 =	rddreg [dreg:$0x0]  }
0x2: {  	s16 =	rddreg [dreg:$0x1]  }
0x3: {  	s2 =	rddreg [dreg:$0x2];
	s4 =	simm.s32 $0x0;
	s3 =	stileid.u32  }
0x4: {  	s5 =	srdreg.scid;
	s13 =	simm.s32 $0x500;
	s26 =	smul.u32 $0x50000, s3  }
0x5: {  	[smem:$0x7FF] =	sst s4;
	s17 =	sadd.s32 $0x3200, s16;
	s22 =	smul.u32 $0x4E, s3  }
0x6: {  	s15 =	sand.u32 $0x1, s5;
	s18 =	sadd.s32 $0xD000, s16;
	s29 =	smul.u32 $0x2800, s3  }
0x7: {  	_ =	strace $0x8000004D;
	s6 =	ssub.s32 $0x2, s15;
	s7 =	sshll.u32 s15, $0x4  }
0x8: {  	s21 =	smul.u32 $0x4E0, s15;
	s8 =	sshrl.u32 s6, $0x1;
	s5 =	sshrl.u32 s26, $0x2  }
0x9: {  	s10 =	sor.u32 s3, s7;
	s19 =	ssub.s32 s6, s8;
	s5 =	sadd.s32 s5, s2  }
0xa: {  	s11 =	smul.u32 $0x4E, s10;
	s20 =	smin.u32 s10, $0x4;
	p0 =	slt.u32 s10, $0x4  }
0xb: {  	s10 =	simm.s32 $0x4F;
	s21 =	sadd.s32 s22, s21;
	s22 =	simm.s32 $0x3EE00  }
0xc: {  	s6 =	sadd.s32 $0x4000, s5;
	s7 =	sadd.s32 $0x8000, s5;
	s8 =	sadd.s32 $0xC000, s5  }
0xd: {  	s9 =	sadd.s32 $0x10000, s5;
	s10 =	simm.s32 @!p0 $0x4E;
	s13 =	simm.s32 @!p0 $0x4E0  }
0xe: {  	p0 =	seq.s32 s15, $0x1;
	s28 =	sadd.s32 s20, s21;
	s15 =	smax.u32 s19, $0x1  }
0xf: {  	s11 =	sadd.s32 s20, s11;
	s14 =	sadd.s32 $0xFFFFFFFF, s10;
	s22 =	simm.s32 @!p0 $0x16E00  }
0x10: {  	s21 =	sshll.u32 s28, $0x4;
	s20 =	simm.s32 $0x3;
	s12 =	sshll.u32 s11, $0x4  }
0x11: {  	s16 =	sadd.s32 s22, s16;
	s30 =	sadd.s32 $0x10, s21;
	s31 =	sadd.s32 s21, s17  }
0x12: {  	s21 =	sadd.s32 s21, s18;
	s11 =	sadd.s32 s17, s12;
	s12 =	sadd.s32 s18, s12  }
0x13: {  	s16 =	sadd.s32 s16, s29;
	s17 =	sadd.s32 s30, s17;
	s19 =	sadd.s32 s30, s18  }
0x14: {  	s18 =	sadd.s32 $0x20, s21;
	s21 =	simm.s32 $0x80;
	[dreg:$0x4] =	wrdreg s17  }
0x15: {  	v0 =	vimm.f32 $0.0e+00;
	s17 =	sadd.s32 $0x20, s31;
	[dreg:$0x5] =	wrdreg s19;
	s19 =	simm.s32 $0x100  }
.LBB2_1:
0x16: {  	s22 =	simm.s32 $0x0;
	s23 =	simm.s32 $0x200  }
.LBB2_2:
0x17: {  	p0 =	sne.s32 s23, $0xFE00;
	[tilespmem:s22+$0x170] =	vst v0  }
0x18: {  	[tilespmem:s22+$0x100] =	vst v0  }
0x19: {  	[tilespmem:s22+$0x110] =	vst v0  }
.Ltmp0:
0x1a: {  	[tilespmem:s22+$0x120] =	vst v0;
	(pc) =	sbr.rel @p0 .LBB2_2-.Ltmp0, $4  }
0x1b: {  	[tilespmem:s22+$0x130] =	vst v0  }
0x1c: {  	[tilespmem:s22+$0x140] =	vst v0  }
0x1d: {  	[tilespmem:s22+$0x150] =	vst v0  }
0x1e: {  	[tilespmem:s22+$0x160] =	vst v0;
	s22 =	sshra.s32 s23, $0x2;
	s23 =	sadd.s32 $0x200, s23  }
0x1f: {  	[tilespmem:s22+$0x170] =	vst v0  }
0x20: {  	[tilespmem:s22+$0x100] =	vst v0  }
0x21: {  	[tilespmem:s22+$0x110] =	vst v0  }
0x22: {  	[tilespmem:s22+$0x120] =	vst v0  }
0x23: {  	[tilespmem:s22+$0x130] =	vst v0  }
0x24: {  	[tilespmem:s22+$0x140] =	vst v0  }
0x25: {  	[tilespmem:s22+$0x150] =	vst v0  }
0x26: {  	[tilespmem:s22+$0x160] =	vst v0  }
0x27: {  	[spmem:s5] =	stream.linear.scatter [tilespmem:s19], [sflag:$0x3], $0x4000, $0x38;
	[tilespmem:$0x1C200] =	vst v63  }
0x28: {  	_ =	swait.ge [sflag:s20], $0x4000  }
0x29: {  	[sflag:s20] =	ssyncset.done $0x0  }
0x2a: {  	[sflag:s20] =	ssyncadd.s32 $0xFFFFC000  }
0x2b: {  	[spmem:s6] =	stream.linear.scatter [tilespmem:s19], [sflag:$0x3], $0x4000, $0x38;
	[tilespmem:$0x1C200] =	vst v63  }
0x2c: {  	_ =	swait.ge [sflag:s20], $0x4000  }
0x2d: {  	[sflag:s20] =	ssyncset.done $0x0  }
0x2e: {  	[sflag:s20] =	ssyncadd.s32 $0xFFFFC000  }
0x2f: {  	[spmem:s7] =	stream.linear.scatter [tilespmem:s19], [sflag:$0x3], $0x4000, $0x38;
	[tilespmem:$0x1C200] =	vst v63  }
0x30: {  	_ =	swait.ge [sflag:s20], $0x4000  }
0x31: {  	[sflag:s20] =	ssyncset.done $0x0  }
0x32: {  	[sflag:s20] =	ssyncadd.s32 $0xFFFFC000  }
0x33: {  	[spmem:s8] =	stream.linear.scatter [tilespmem:s19], [sflag:$0x3], $0x4000, $0x38;
	[tilespmem:$0x1C200] =	vst v63  }
0x34: {  	_ =	swait.ge [sflag:s20], $0x4000  }
0x35: {  	[sflag:s20] =	ssyncset.done $0x0  }
0x36: {  	[sflag:s20] =	ssyncadd.s32 $0xFFFFC000  }
0x37: {  	[spmem:s9] =	stream.linear.scatter [tilespmem:s19], [sflag:$0x3], $0x4000, $0x38;
	[tilespmem:$0x1C200] =	vst v63  }
0x38: {  	_ =	swait.ge [sflag:s20], $0x4000  }
0x39: {  	[sflag:s20] =	ssyncset.done $0x0  }
0x3a: {  	[sflag:s20] =	ssyncadd.s32 $0xFFFFC000  }
0x3b: {  	s24 =	simm.s32 $0x0;
	[bflag:$0x0] =	sbarrier.arrive $0xFFFF  }
0x3c: {  	[tilespmem:s24], [sflag:$0x3] =	stream.linear.gather [hbm4b:s11+s24], $0x80, $0x38;
	[tilespmem:$0x1C200] =	vst v63  }
0x3d: {  	_ =	swait.ge [sflag:s20], $0x80  }
0x3e: {  	[sflag:s20] =	ssyncset.done $0x0  }
0x3f: {  	p2 =	sne.s32 s13, $0x20;
	[sflag:s20] =	ssyncadd.s32 $0xFFFFFF80  }
0x40: {  	[tilespmem:s21], [sflag:$0x3] =	stream.linear.gather [hbm4b:s12+s24], $0x80, $0x38;
	[tilespmem:$0x1C200] =	vst v63  }
.Ltmp1:
0x41: {  	_ = 	snop;
	(pc) =	sbr.rel @!p2 .LBB2_4-.Ltmp1, $4  }
0x42: {  	s23 =	simm.s32 $0x2;
	_ =	swait.ge [sflag:s20], $0x80  }
0x43: {  	s22 =	simm.s32 $0x20;
	s25 =	simm.s32 $0x0;
	[sflag:s20] =	ssyncset.done $0x0  }
0x44: {  	p0 =	sle.u32 s10, $0x0;
	p1 =	por $0x0, $0x0;
	[sflag:s20] =	ssyncadd.s32 $0xFFFFFF80  }
0x45: {  	[tilespmem:s19], [sflag:$0x1] =	stream.indirect.gather [hbm4b:s1+s21], $0x80, s24, s21, $0xb8;
	[tilespmem:$0x1C200] =	vst v63  }
0x46: {  	p1 =	sle.u32 @!p0 s10, $0x1  }
0x47: {  	p1 =	por p1, p0  }
0x48: {  	s23 =	rddreg [dreg:$0x4];
	s24 =	simm.s32 @!p1 $0x0  }
0x49: {  	s25 =	simm.s32 @!p1 $0x4100;
	s23 =	sadd.s32 @!p1 $0x0, s23;
	s26 =	simm.s32 @!p1 $0x4  }
0x4a: {  	[tilespmem:s25], [sflag:$0x4] =	stream.linear.gather @!p1 [hbm4b:s23+s24], $0x80, $0x38;
	[tilespmem:$0x1C200] =	vst v63  }
0x4b: {  	_ =	swait.ge @!p1 [sflag:s26], $0x80  }
0x4c: {  	s23 =	rddreg [dreg:$0x5];
	[sflag:s26] =	ssyncset.done @!p1 $0x0  }
0x4d: {  	s28 =	simm.s32 @!p1 $0x4180;
	[sflag:s26] =	ssyncadd.s32 @!p1 $0xFFFFFF80;
	s23 =	sadd.s32 @!p1 $0x0, s23  }
0x4e: {  	[tilespmem:s28], [sflag:$0x4] =	stream.linear.gather @!p1 [hbm4b:s23+s24], $0x80, $0x38;
	[tilespmem:$0x1C200] =	vst v63  }
0x4f: {  	_ =	swait.ge @!p1 [sflag:s26], $0x80  }
0x50: {  	s23 =	simm.s32 @!p1 $0x80;
	[sflag:s26] =	ssyncset.done @!p1 $0x0  }
0x51: {  	s24 =	simm.s32 @!p1 $0x4200;
	[sflag:s26] =	ssyncadd.s32 @!p1 $0xFFFFFF80;
	s26 =	simm.s32 @!p0 $0x1  }
0x52: {  	[tilespmem:s24], [sflag:$0x2] =	stream.indirect.gather @!p1 [hbm4b:s1+s23], $0x80, s25, s23, $0xb8;
	[tilespmem:$0x1C200] =	vst v63  }
0x53: {  	_ =	swait.ge @!p0 [sflag:s26], $0x4000  }
0x54: {  	p2 =	sle.u32 s14, $0x0;
	s23 =	simm.s32 @!p0 $0x80;
	[sflag:s26] =	ssyncset.done @!p0 $0x0  }
0x55: {  	s24 =	simm.s32 @!p0 $0x100;
	s25 =	simm.s32 @!p0 $0x4;
	[sflag:s26] =	ssyncadd.s32 @!p0 $0xFFFFC000  }
0x56: {  	[spmem:s2] =	stream.indirect.scatter.add.f32 @!p0 [tilespmem:s24], [sflag:$0x4], $0x80, s23, s23, $0xb8;
	[tilespmem:$0x1C200] =	vst v63  }
0x57: {  	p1 =	sle.u32 @!p2 s10, $0x2;
	_ =	swait.ge @!p0 [sflag:s25], $0x4000  }
0x58: {  	p1 =	por p1, p2;
	[sflag:s25] =	ssyncset.done @!p0 $0x0  }
0x59: {  	s23 =	sadd.s32 @!p1 $0x0, s17;
	s24 =	simm.s32 @!p1 $0x0;
	[sflag:s25] =	ssyncadd.s32 @!p0 $0xFFFFC000  }
0x5a: {  	[tilespmem:s24], [sflag:$0x4] =	stream.linear.gather @!p1 [hbm4b:s23+s24], $0x80, $0x38;
	[tilespmem:$0x1C200] =	vst v63  }
0x5b: {  	s23 =	simm.s32 @!p1 $0x4  }
0x5c: {  	_ =	swait.ge @!p1 [sflag:s23], $0x80  }
0x5d: {  	[sflag:s23] =	ssyncset.done @!p1 $0x0  }
0x5e: {  	s26 =	simm.s32 @!p1 $0x80;
	s25 =	sadd.s32 @!p1 $0x0, s18;
	[sflag:s23] =	ssyncadd.s32 @!p1 $0xFFFFFF80  }
0x5f: {  	[tilespmem:s26], [sflag:$0x4] =	stream.linear.gather @!p1 [hbm4b:s25+s24], $0x80, $0x38;
	[tilespmem:$0x1C200] =	vst v63  }
0x60: {  	_ =	swait.ge @!p1 [sflag:s23], $0x80  }
0x61: {  	p3 =	sne.s32 s13, $0x40;
	s28 =	simm.s32 @!p2 $0x80;
	[sflag:s23] =	ssyncset.done @!p1 $0x0  }
0x62: {  	s25 =	simm.s32 @!p1 $0x100;
	[sflag:s23] =	ssyncadd.s32 @!p1 $0xFFFFFF80;
	s23 =	simm.s32 @!p2 $0x2  }
0x63: {  	[tilespmem:s25], [sflag:$0x1] =	stream.indirect.gather @!p1 [hbm4b:s1+s26], $0x80, s24, s26, $0xb8;
	[tilespmem:$0x1C200] =	vst v63  }
.Ltmp2:
0x64: {  	p0 =	sle.u32 s10, $0x2;
	_ =	swait.ge @!p2 [sflag:s23], $0x4000;
	(pc) =	sbr.rel @!p3 .LBB2_6-.Ltmp2, $4  }
0x65: {  	s24 =	simm.s32 $0x40;
	s25 =	simm.s32 @!p2 $0x4180;
	[sflag:s23] =	ssyncset.done @!p2 $0x0  }
0x66: {  	s26 =	simm.s32 @!p2 $0x4200;
	p1 =	por $0x1, $0x1;
	[sflag:s23] =	ssyncadd.s32 @!p2 $0xFFFFC000  }
0x67: {  	[spmem:s2] =	stream.indirect.scatter.add.f32 @!p2 [tilespmem:s26], [sflag:$0x3], $0x80, s25, s28, $0xb8;
	[tilespmem:$0x1C200] =	vst v63  }
0x68: {  	s23 =	simm.s32 $0x4;
	s25 =	simm.s32 $0x2;
	s28 =	simm.s32 @!p2 $0x3  }
.LBB2_7:
0x69: {  	s29 =	sadd.s32 @!p0 $0xFFFFFFFF, s23  }
0x6a: {  	_ =	swait.ge @!p2 [sflag:s28], $0x4000;
	p4 =	sge.u32 @!p0 s29, s10  }
0x6b: {  	[sflag:s28] =	ssyncset.done @!p2 $0x0;
	p4 =	por p4, p0  }
0x6c: {  	s29 =	rddreg [dreg:$0x4];
	[sflag:s28] =	ssyncadd.s32 @!p2 $0xFFFFC000;
	s28 =	simm.s32 @!p4 $0x0  }
0x6d: {  	s30 =	simm.s32 @!p4 $0x4100;
	s29 =	sadd.s32 @!p4 s22, s29;
	s31 =	simm.s32 @!p4 $0x4  }
0x6e: {  	[tilespmem:s30], [sflag:$0x4] =	stream.linear.gather @!p4 [hbm4b:s29+s28], $0x80, $0x38;
	[tilespmem:$0x1C200] =	vst v63  }
0x6f: {  	_ =	swait.ge @!p4 [sflag:s31], $0x80  }
0x70: {  	[sflag:s31] =	ssyncset.done @!p4 $0x0;
	s29 =	rddreg [dreg:$0x5]  }
0x71: {  	s0 =	simm.s32 @!p4 $0x4180;
	[sflag:s31] =	ssyncadd.s32 @!p4 $0xFFFFFF80;
	s29 =	sadd.s32 @!p4 s22, s29  }
0x72: {  	[tilespmem:s0], [sflag:$0x4] =	stream.linear.gather @!p4 [hbm4b:s29+s28], $0x80, $0x38;
	[tilespmem:$0x1C200] =	vst v63  }
0x73: {  	_ =	swait.ge @!p4 [sflag:s31], $0x80  }
0x74: {  	s0 =	simm.s32 @!p4 $0x80;
	[sflag:s31] =	ssyncset.done @!p4 $0x0  }
0x75: {  	s28 =	simm.s32 @!p4 $0x4200;
	s29 =	simm.s32 @!p0 $0x1;
	[sflag:s31] =	ssyncadd.s32 @!p4 $0xFFFFFF80  }
0x76: {  	[tilespmem:s28], [sflag:$0x2] =	stream.indirect.gather @!p4 [hbm4b:s1+s0], $0x80, s30, s0, $0xb8;
	[tilespmem:$0x1C200] =	vst v63  }
0x77: {  	_ =	swait.ge @!p0 [sflag:s29], $0x4000  }
0x78: {  	p2 =	sge.u32 s25, s14;
	s0 =	simm.s32 @!p0 $0x80;
	[sflag:s29] =	ssyncset.done @!p0 $0x0  }
0x79: {  	s28 =	simm.s32 @!p0 $0x100;
	[sflag:s29] =	ssyncadd.s32 @!p0 $0xFFFFC000;
	s29 =	simm.s32 @!p0 $0x4  }
0x7a: {  	[spmem:s2] =	stream.indirect.scatter.add.f32 @!p0 [tilespmem:s28], [sflag:$0x4], $0x80, s0, s0, $0xb8;
	[tilespmem:$0x1C200] =	vst v63  }
0x7b: {  	p4 =	sge.u32 @!p2 s23, s10;
	_ =	swait.ge @!p0 [sflag:s29], $0x4000  }
0x7c: {  	p4 =	por p4, p2;
	[sflag:s29] =	ssyncset.done @!p0 $0x0  }
0x7d: {  	s25 =	simm.s32 @!p4 $0x0;
	s0 =	sadd.s32 @!p4 s22, s17;
	[sflag:s29] =	ssyncadd.s32 @!p0 $0xFFFFC000  }
0x7e: {  	[tilespmem:s25], [sflag:$0x4] =	stream.linear.gather @!p4 [hbm4b:s0+s25], $0x80, $0x38;
	[tilespmem:$0x1C200] =	vst v63  }
0x7f: {  	s0 =	simm.s32 @!p4 $0x4  }
0x80: {  	_ =	swait.ge @!p4 [sflag:s0], $0x80  }
0x81: {  	[sflag:s0] =	ssyncset.done @!p4 $0x0  }
0x82: {  	s28 =	sadd.s32 @!p4 s22, s18;
	s29 =	simm.s32 @!p4 $0x80;
	[sflag:s0] =	ssyncadd.s32 @!p4 $0xFFFFFF80  }
0x83: {  	[tilespmem:s29], [sflag:$0x4] =	stream.linear.gather @!p4 [hbm4b:s28+s25], $0x80, $0x38;
	[tilespmem:$0x1C200] =	vst v63  }
0x84: {  	s26 =	smov.u32 s24;
	s24 =	sadd.s32 $0x20, s24;
	_ =	swait.ge @!p4 [sflag:s0], $0x80  }
0x85: {  	p3 =	sne.s32 s13, s24;
	[sflag:s0] =	ssyncset.done @!p4 $0x0  }
0x86: {  	s22 =	smov.u32 s26;
	s26 =	simm.s32 @!p4 $0x100;
	[sflag:s0] =	ssyncadd.s32 @!p4 $0xFFFFFF80  }
0x87: {  	[tilespmem:s26], [sflag:$0x1] =	stream.indirect.gather @!p4 [hbm4b:s1+s29], $0x80, s25, s29, $0xb8;
	[tilespmem:$0x1C200] =	vst v63  }
.Ltmp3:
0x88: {  	s23 =	sadd.s32 $0x2, s23;
	s0 =	simm.s32 @!p2 $0x2;
	(pc) =	sbr.rel @p3 .LBB2_7-.Ltmp3, $4  }
0x89: {  	s30 =	simm.s32 @!p2 $0x80;
	s28 =	simm.s32 @!p2 $0x3;
	_ =	swait.ge @!p2 [sflag:s0], $0x4000  }
0x8a: {  	s26 =	simm.s32 @!p2 $0x4180;
	s25 =	sadd.s32 $0xFFFFFFFE, s23;
	[sflag:s0] =	ssyncset.done @!p2 $0x0  }
0x8b: {  	s29 =	simm.s32 @!p2 $0x4200;
	p0 =	sge.u32 s25, s10;
	[sflag:s0] =	ssyncadd.s32 @!p2 $0xFFFFC000  }
0x8c: {  	[spmem:s2] =	stream.indirect.scatter.add.f32 @!p2 [tilespmem:s29], [sflag:$0x3], $0x80, s26, s30, $0xb8;
	[tilespmem:$0x1C200] =	vst v63  }
0x8d: {  	s24 =	smov.u32 s22  }
.LBB2_9:
0x8e: {  	p2 =	por p2, !p1;
	s0 =	sadd.s32 @!p0 $0xFFFFFFFF, s23  }
0x8f: {  	_ =	swait.ge @!p2 [sflag:s28], $0x4000;
	p1 =	sge.u32 @!p0 s0, s10  }
0x90: {  	[sflag:s28] =	ssyncset.done @!p2 $0x0;
	p1 =	por p1, p0  }
0x91: {  	s0 =	rddreg [dreg:$0x4];
	[sflag:s28] =	ssyncadd.s32 @!p2 $0xFFFFC000;
	s22 =	simm.s32 @!p1 $0x0  }
0x92: {  	s26 =	simm.s32 @!p1 $0x4100;
	s0 =	sadd.s32 @!p1 s24, s0;
	s28 =	simm.s32 @!p1 $0x4  }
0x93: {  	[tilespmem:s26], [sflag:$0x4] =	stream.linear.gather @!p1 [hbm4b:s0+s22], $0x80, $0x38;
	[tilespmem:$0x1C200] =	vst v63  }
0x94: {  	_ =	swait.ge @!p1 [sflag:s28], $0x80  }
0x95: {  	s0 =	rddreg [dreg:$0x5];
	[sflag:s28] =	ssyncset.done @!p1 $0x0  }
0x96: {  	s29 =	simm.s32 @!p1 $0x4180;
	[sflag:s28] =	ssyncadd.s32 @!p1 $0xFFFFFF80;
	s0 =	sadd.s32 @!p1 s24, s0  }
0x97: {  	[tilespmem:s29], [sflag:$0x4] =	stream.linear.gather @!p1 [hbm4b:s0+s22], $0x80, $0x38;
	[tilespmem:$0x1C200] =	vst v63  }
0x98: {  	_ =	swait.ge @!p1 [sflag:s28], $0x80  }
0x99: {  	s0 =	simm.s32 @!p1 $0x80;
	[sflag:s28] =	ssyncset.done @!p1 $0x0  }
0x9a: {  	s22 =	simm.s32 @!p1 $0x4200;
	[sflag:s28] =	ssyncadd.s32 @!p1 $0xFFFFFF80;
	s28 =	simm.s32 @!p0 $0x1  }
0x9b: {  	[tilespmem:s22], [sflag:$0x2] =	stream.indirect.gather @!p1 [hbm4b:s1+s0], $0x80, s26, s0, $0xb8;
	[tilespmem:$0x1C200] =	vst v63  }
0x9c: {  	_ =	swait.ge @!p0 [sflag:s28], $0x4000  }
0x9d: {  	s0 =	simm.s32 @!p0 $0x80;
	s22 =	simm.s32 @!p0 $0x100;
	[sflag:s28] =	ssyncset.done @!p0 $0x0  }
0x9e: {  	s26 =	simm.s32 @!p0 $0x4;
	p1 =	sge.u32 s25, s14;
	[sflag:s28] =	ssyncadd.s32 @!p0 $0xFFFFC000  }
0x9f: {  	[spmem:s2] =	stream.indirect.scatter.add.f32 @!p0 [tilespmem:s22], [sflag:$0x4], $0x80, s0, s0, $0xb8;
	[tilespmem:$0x1C200] =	vst v63  }
0xa0: {  	p2 =	sge.u32 @!p1 s23, s10;
	_ =	swait.ge @!p0 [sflag:s26], $0x4000  }
0xa1: {  	p2 =	por p2, p1;
	[sflag:s26] =	ssyncset.done @!p0 $0x0  }
0xa2: {  	s0 =	sadd.s32 @!p2 s24, s17;
	s22 =	simm.s32 @!p2 $0x0;
	[sflag:s26] =	ssyncadd.s32 @!p0 $0xFFFFC000  }
0xa3: {  	[tilespmem:s22], [sflag:$0x4] =	stream.linear.gather @!p2 [hbm4b:s0+s22], $0x80, $0x38;
	[tilespmem:$0x1C200] =	vst v63  }
0xa4: {  	s0 =	simm.s32 @!p2 $0x4  }
0xa5: {  	_ =	swait.ge @!p2 [sflag:s0], $0x80  }
0xa6: {  	[sflag:s0] =	ssyncset.done @!p2 $0x0  }
0xa7: {  	s23 =	sadd.s32 @!p2 s24, s18;
	s24 =	simm.s32 @!p2 $0x80;
	[sflag:s0] =	ssyncadd.s32 @!p2 $0xFFFFFF80  }
0xa8: {  	[tilespmem:s24], [sflag:$0x4] =	stream.linear.gather @!p2 [hbm4b:s23+s22], $0x80, $0x38;
	[tilespmem:$0x1C200] =	vst v63  }
0xa9: {  	_ =	swait.ge @!p2 [sflag:s0], $0x80  }
0xaa: {  	[sflag:s0] =	ssyncset.done @!p2 $0x0  }
0xab: {  	s23 =	simm.s32 @!p2 $0x100;
	[sflag:s0] =	ssyncadd.s32 @!p2 $0xFFFFFF80;
	s0 =	simm.s32 @!p1 $0x2  }
0xac: {  	[tilespmem:s23], [sflag:$0x1] =	stream.indirect.gather @!p2 [hbm4b:s1+s24], $0x80, s22, s24, $0xb8;
	[tilespmem:$0x1C200] =	vst v63  }
0xad: {  	_ =	swait.ge @!p1 [sflag:s0], $0x4000  }
0xae: {  	s22 =	simm.s32 @!p1 $0x4180;
	s23 =	simm.s32 @!p1 $0x4200;
	[sflag:s0] =	ssyncset.done @!p1 $0x0  }
0xaf: {  	s24 =	simm.s32 @!p1 $0x80;
	[sflag:s0] =	ssyncadd.s32 @!p1 $0xFFFFC000;
	s0 =	simm.s32 @!p1 $0x3  }
0xb0: {  	[spmem:s2] =	stream.indirect.scatter.add.f32 @!p1 [tilespmem:s23], [sflag:$0x3], $0x80, s22, s24, $0xb8;
	[tilespmem:$0x1C200] =	vst v63  }
0xb1: {  	_ =	swait.ge @!p1 [sflag:s0], $0x4000  }
0xb2: {  	s30 =	sshll.u32 s3, $0x6;
	[sflag:s0] =	ssyncset.done @!p1 $0x0  }
0xb3: {  	s31 =	sshrl.u32 s5, $0x3;
	s4 =	sadd.s32 $0x1, s4;
	[sflag:s0] =	ssyncadd.s32 @!p1 $0xFFFFC000  }
0xb4: {  	p0 =	sne.s32 s4, s15;
	s0 =	sor.u32 $0x1C03, s30;
	[bflag:$0x0] =	sbarrier.arrive $0xFFFF  }
0xb5: {  	[hbm:s16], [sflag:s0] =	dma.local [spmem:s31], $0x2800  }
.Ltmp4:
0xb6: {  	_ = 	snop;
	(pc) =	sbr.rel @p0 .LBB2_1-.Ltmp4, $4  }
.Ltmp5:
0xb7: {  	_ = 	snop;
	(pc) =	sbr.rel @!p0 .LBB2_10-.Ltmp5, $4  }
0xb8: {  	_ =	swait.ge [sflag:s20], $0x2800  }
0xb9: {  	[sflag:s20] =	ssyncset.done $0x0  }
0xba: {  	[sflag:s20] =	ssyncadd.s32 $0xFFFFD800  }
0xbb: {  	_ = 	snop  }
.LBB2_4:
.Ltmp6:
0xbc: {  	(pc) =	sbr.rel .LBB2_9-.Ltmp6, $2  }
0xbd: {  	_ =	sdelay $0x2  }
0xbe: {  	_ = 	snop  }
.LBB2_6:
.Ltmp7:
0xbf: {  	(pc) =	sbr.rel .LBB2_9-.Ltmp7, $2  }
0xc0: {  	_ =	sdelay $0x2  }
0xc1: {  	s24 =	simm.s32 $0x20  }
.LBB2_10:
0xc2: {  	_ =	sfence.sel $0x180000  }
0xc3: {  	[bflag:$0x0] =	sbarrier.arrive $0xFFFF  }
0xc4: {  	_ =	strace $0x9000004D  }
0xc5: {  	[bflag:$0x2] =	sbarrier.arrive $0xFFFF  }
0xc6: {  	p0 =	sne.s32 s3, $0x0;
	s0 =	rddreg [dreg:$0x3]  }
0xc7: {  	s0 =	sadd.s32 @!p0 $0x100000, s0  }
0xc8: {  	[sflag:s0] =	ssyncadd.tile.s32 @!p0 $0x1;
	_ =	shalt  }
.Lfunc_end2:
_tile_overlayer_lowered:
.L_overlay_start_2:
0xc9: {  	(tag) =	ssettag $0x2  }
0xca: {  	s0 =	rddreg [dreg:$0x0];
	s2 =	stileid.u32  }
0xcb: {  	s1 =	rddreg [dreg:$0x1];
	p0 =	sne.s32 s2, $0x0  }
0xcc: {  	s3 =	rddreg [dreg:$0x2];
	[bflag:$0x3] =	sbarrier.arrive $0xFFFF;
	s2 =	simm.s32 @!p0 $0x1C03  }
0xcd: {  	[timem:s3], [sflag:s2] =	dma.local @!p0 [hbm:s0], s1  }
0xce: {  	s0 =	simm.s32 @!p0 $0x3  }
0xcf: {  	_ =	swait.ge @!p0 [sflag:s0], s1  }
0xd0: {  	s1 =	ssub.s32 @!p0 $0x0, s1;
	[sflag:s0] =	ssyncset.done @!p0 $0x0  }
0xd1: {  	[sflag:s0] =	ssyncadd.s32 @!p0 s1  }
0xd2: {  	[bflag:$0x3] =	sbarrier.arrive $0xFFFF  }
0xd3: {  	_ =	shalt  }

// kernel: kernel.9.cloned.1.call-start
scs
__scs_entry_jumppad:
0x0: {  	(pc) =	sbr.rel $0x88, $3  }
0x1: {  	(tag) =	ssettag $0x0;
	lr =	simm.s32 $0x1  }
0x2: {  	[smem:$0x3F9B] =	sst lr;
	_ =	strace $0xD0000000  }
0x3: {  	_ = 	snop  }
0x4: {  	_ = 	snop  }
0x5: {  	_ = 	snop  }
0x6: {  	_ = 	snop  }
0x7: {  	_ = 	snop  }
__scs_overlays_trampoline_lowered:
0x8: {  	[smem:$0x3FAA] =	sst s0  }
0x9: {  	[smem:$0x3FAB] =	sst s1  }
0xa: {  	[smem:$0x3FAC] =	sst s2  }
0xb: {  	[smem:$0x3FAD] =	sst s3  }
0xc: {  	[smem:$0x3FAE] =	sst s4  }
0xd: {  	[smem:$0x3FAF] =	sst s5  }
0xe: {  	[smem:$0x3FB0] =	sst s6  }
0xf: {  	[smem:$0x3FB1] =	sst s7  }
0x10: {  	[smem:$0x3FB2] =	sst s8  }
0x11: {  	[smem:$0x3FB3] =	sst s9;
	s0 =	simm.s32 @!p0 $0x0  }
0x12: {  	s1 =	sld [smem:$0x3F99];
	s0 =	simm.s32 @p0 $0x1  }
0x13: {  	[smem:$0x3FB4] =	sst s0;
	s0 =	simm.s32 @!p1 $0x0  }
0x14: {  	s2 =	sld [smem:$0x3F98];
	s0 =	simm.s32 @p1 $0x1  }
0x15: {  	[smem:$0x3FB5] =	sst s0;
	s0 =	simm.s32 @!p2 $0x0  }
0x16: {  	s3 =	sld [smem:$0x3FDB];
	s0 =	simm.s32 @p2 $0x1  }
0x17: {  	s4 =	simm.s32 $0x1BF5;
	[smem:$0x3FB7] =	sst s0  }
0x18: {  	s0 =	sld [smem:$0x3F9A];
	_ =	swait.ge [sflag:s4], $0x0  }
0x19: {  	s7 =	sld [smem:$0x3F9B]  }
0x1a: {  	s8 =	sadd.s32 $0xFFFFE003, lr  }
0x1b: {  	s9 =	sadd.s32 $0xFFFFFEF7, lr;
	s5 =	simm.s32 $0xFFFFFFFF;
	p2 =	slt.u32 s8, $0xFFFFF086  }
0x1c: {  	p1 =	slt.u32 s9, $0xF7A;
	s5 =	simm.s32 @!p2 $0x0  }
0x1d: {  	s5 =	simm.s32 @p1 $0x1;
	p0 =	seq.s32 s7, s2  }
0x1e: {  	s7 =	smul.u32 @!p0 $0xF7A, s2;
	p2 =	seq.s32 @!p0 s5, $0x0  }
0x1f: {  	s9 =	smul.u32 $0xF7A, s1;
	s8 =	simm.s32 @!p0 $0x1BF5;
	p2 =	por !p2, p0  }
0x20: {  	[sflag:s8] =	ssyncset.s32 @!p0 $0xFFFFF086;
	s6 =	sadd.s32 @!p0 s3, s7;
	s7 =	simm.s32 @!p0 $0x108  }
0x21: {  	s3 =	sadd.s32 s3, s9;
	s6 =	sadd.s32 @!p0 $0x88, s6;
	s7 =	simm.s32 @p2 $0x1082  }
0x22: {  	[simem:s7], [sflag:s8] =	dma.local @!p0 [hbm:s6], $0xF7A  }
0x23: {  	s9 =	sor.u32 $0xD0000000, s2;
	s6 =	simm.s32 $0x108;
	_ =	swait.ge @!p0 [sflag:s8], $0x0  }
0x24: {  	s3 =	sadd.s32 $0x88, s3;
	s6 =	simm.s32 @!p1 $0x1082;
	[sflag:s4] =	ssyncset.s32 $0xFFFFF086  }
0x25: {  	[simem:s6], [sflag:s4] =	dma.local [hbm:s3], $0xF7A  }
0x26: {  	[smem:$0x3F9B] =	sst s1;
	(tag) =	ssettag s2;
	_ =	strace s9  }
0x27: {  	s1 =	sld [smem:$0x3FAB]  }
0x28: {  	s2 =	sld [smem:$0x3FAC]  }
0x29: {  	s4 =	sld [smem:$0x3FAE]  }
0x2a: {  	p0 =	seq.s32 s5, $0x0;
	s5 =	sld [smem:$0x3FAF]  }
0x2b: {  	s6 =	sld [smem:$0x3FB0]  }
0x2c: {  	s7 =	sld [smem:$0x3FB1]  }
0x2d: {  	s3 =	simm.s32 $0x108;
	s8 =	sld [smem:$0x3FB2]  }
0x2e: {  	s3 =	simm.s32 @!p0 $0x1082;
	s9 =	sld [smem:$0x3FB3]  }
0x2f: {  	lr =	sadd.s32 s0, s3;
	s0 =	sld [smem:$0x3FAA]  }
0x30: {  	s3 =	sld [smem:$0x3FAD]  }
0x31: {  	[smem:$0x3FB6] =	sst s10  }
0x32: {  	s10 =	sld [smem:$0x3FB4];
	_ =	sdelay $0x3  }
0x33: {  	p0 =	seq.s32 s10, $0x1;
	s10 =	sld [smem:$0x3FB6];
	_ =	sdelay $0x3  }
0x34: {  	[smem:$0x3FB6] =	sst s10  }
0x35: {  	s10 =	sld [smem:$0x3FB5];
	_ =	sdelay $0x3  }
0x36: {  	p1 =	seq.s32 s10, $0x1;
	s10 =	sld [smem:$0x3FB6];
	_ =	sdelay $0x3  }
0x37: {  	[smem:$0x3FB6] =	sst s10  }
0x38: {  	s10 =	sld [smem:$0x3FB7]  }
0x39: {  	_ = 	snop;
	(pc) =	sbr.ind lr, $3  }
0x3a: {  	_ = 	snop  }
0x3b: {  	_ = 	snop  }
0x3c: {  	p2 =	seq.s32 s10, $0x1;
	s10 =	sld [smem:$0x3FB6]  }
0x3d: {  	_ =	shalt  }
0x3e: {  	_ =	shalt  }
0x3f: {  	_ =	shalt  }
0x40: {  	_ =	shalt  }
0x41: {  	_ =	shalt  }
0x42: {  	_ =	shalt  }
0x43: {  	_ =	shalt  }
0x44: {  	_ =	shalt  }
0x45: {  	_ =	shalt  }
0x46: {  	_ =	shalt  }
0x47: {  	_ =	shalt  }
0x48: {  	_ =	shalt  }
0x49: {  	_ =	shalt  }
0x4a: {  	_ =	shalt  }
0x4b: {  	_ =	shalt  }
0x4c: {  	_ =	shalt  }
0x4d: {  	_ =	shalt  }
0x4e: {  	_ =	shalt  }
0x4f: {  	_ =	shalt  }
0x50: {  	_ =	shalt  }
0x51: {  	_ =	shalt  }
0x52: {  	_ =	shalt  }
0x53: {  	_ =	shalt  }
0x54: {  	_ =	shalt  }
0x55: {  	_ =	shalt  }
0x56: {  	_ =	shalt  }
0x57: {  	_ =	shalt  }
0x58: {  	_ =	shalt  }
0x59: {  	_ =	shalt  }
0x5a: {  	_ =	shalt  }
0x5b: {  	_ =	shalt  }
0x5c: {  	_ =	shalt  }
0x5d: {  	_ =	shalt  }
0x5e: {  	_ =	shalt  }
0x5f: {  	_ =	shalt  }
0x60: {  	_ =	shalt  }
0x61: {  	_ =	shalt  }
0x62: {  	_ =	shalt  }
0x63: {  	_ =	shalt  }
0x64: {  	_ =	shalt  }
0x65: {  	_ =	shalt  }
0x66: {  	_ =	shalt  }
0x67: {  	_ =	shalt  }
0x68: {  	_ =	shalt  }
0x69: {  	_ =	shalt  }
0x6a: {  	_ =	shalt  }
0x6b: {  	_ =	shalt  }
0x6c: {  	_ =	shalt  }
0x6d: {  	_ =	shalt  }
0x6e: {  	_ =	shalt  }
0x6f: {  	_ =	shalt  }
0x70: {  	_ =	shalt  }
0x71: {  	_ =	shalt  }
0x72: {  	_ =	shalt  }
0x73: {  	_ =	shalt  }
0x74: {  	_ =	shalt  }
0x75: {  	_ =	shalt  }
0x76: {  	_ =	shalt  }
0x77: {  	_ =	shalt  }
0x78: {  	_ =	shalt  }
0x79: {  	_ =	shalt  }
0x7a: {  	_ =	shalt  }
0x7b: {  	_ =	shalt  }
0x7c: {  	_ =	shalt  }
0x7d: {  	_ =	shalt  }
0x7e: {  	_ =	shalt  }
0x7f: {  	_ =	shalt  }
0x80: {  	_ =	shalt  }
0x81: {  	_ =	shalt  }
0x82: {  	_ =	shalt  }
0x83: {  	_ =	shalt  }
0x84: {  	_ =	shalt  }
0x85: {  	_ =	shalt  }
0x86: {  	_ =	shalt  }
0x87: {  	_ =	shalt  }
.Lfunc_end0:
.L_simem_size_0:
called_computation_lowered:
.L_overlay_start_0:
0x88: {  	s2 =	sld [smem:$0x3FD9]  }
0x89: {  	s3 =	sld [smem:$0x3FFE];
	_ =	sdelay $0x1  }
0x8a: {  	s1 =	srdreg.scid  }
0x8b: {  	s0 =	sand.u32 $0x1, s1  }
0x8c: {  	s17 =	sshll.u32 s0, $0xA;
	s2 =	sadd.s32 s3, s2  }
0x8d: {  	s2 =	sadd.s32 s2, s17  }
0x8e: {  	[smem:$0x3FC2] =	sst s2  }
0x8f: {  	_ = 	snop  }
0x90: {  	s2 =	sld [smem:$0x3FD0];
	(tm) =	ssettm $0x1  }
0x91: {  	s18 =	sld [smem:$0x3FFB];
	_ =	sdelay $0x3  }
0x92: {  	_ =	strace s18  }
0x93: {  	s3 =	sld [smem:$0x3FFC];
	_ =	sdelay $0x3  }
0x94: {  	_ =	strace s3  }
0x95: {  	s3 =	sld [smem:$0x3FFD];
	_ =	sdelay $0x3  }
0x96: {  	_ =	strace s3  }
0x97: {  	_ =	strace $0x8FFFFFFF  }
0x98: {  	s19 =	sld [smem:$0x3FDB];
	_ =	sdelay $0x1  }
0x99: {  	s4 =	simm.s32 $_scs_section_size  }
0x9a: {  	s5 =	simm.s32 $_size__tile_overlayer_lowered;
	s6 =	simm.s32 $_tile_overlayer_lowered  }
0x9b: {  	s22 =	simm.s32 $0x1BFF;
	s21 =	sshll.u32 s6, $0x1;
	s3 =	sadd.s32 s4, s19  }
0x9c: {  	s7 =	simm.s32 $0x0;
	s20 =	sshll.u32 s5, $0x1;
	s5 =	sadd.s32 s21, s3  }
0x9d: {  	[timem:s7], [sflag:s22] =	dma.local [hbm:s5], s20  }
0x9e: {  	_ =	swait.ge [sflag:s22], s20  }
0x9f: {  	s4 =	ssub.s32 $0x0, s20;
	[sflag:s22] =	ssyncset.done $0x0  }
0xa0: {  	[sflag:s22] =	ssyncadd.s32 s4;
	_ =	sdelay $0x1  }
0xa1: {  	s23 =	simm.s32 $0x1B8B  }
0xa2: {  	_ =	swait.ge [sflag:s23], $0x1  }
0xa3: {  	[sflag:s23] =	ssyncset.done $0x0  }
0xa4: {  	s25 =	simm.s32 $0x1B8E;
	s24 =	sld [smem:$0x3FFE];
	[sflag:s23] =	ssyncadd.s32 $0xFFFFFFFF  }
0xa5: {  	s26 =	simm.s32 $execute0_lowered;
	[smem:$0x3FD2] =	sst s25  }
0xa6: {  	s5 =	sshll.u32 s26, $0x1;
	_ =	strace $0x80000046;
	[dreg:$0x1] =	wrdreg $0xFFFFFFFF  }
0xa7: {  	s28 =	simm.s32 $_size_execute0_lowered;
	s3 =	sadd.s32 s3, s5;
	[dreg:$0x0] =	wrdreg $0x0  }
0xa8: {  	s5 =	sshll.u32 s28, $0x1;
	[dreg:$0x2] =	wrdreg s3  }
0xa9: {  	[dreg:$0x3] =	wrdreg s5  }
0xaa: {  	[dreg:$0x4] =	wrdreg $0xC0  }
0xab: {  	_ =	task [dreg:s7], $0x5FFFF  }
0xac: {  	[dreg:$0x1] =	wrdreg $0xFFFFFFFF  }
0xad: {  	[dreg:$0x0] =	wrdreg $0x60  }
0xae: {  	[dreg:$0x2] =	wrdreg s24  }
0xaf: {  	[dreg:$0x3] =	wrdreg s2  }
0xb0: {  	[dreg:$0x4] =	wrdreg $0x1800  }
0xb1: {  	[dreg:$0x5] =	wrdreg $0x9  }
0xb2: {  	_ =	task.clear_ibuf [dreg:s7], $0x6FFFF;
	_ =	strace $0x90000046  }
0xb3: {  	s29 =	simm.s32 $0x9;
	_ =	strace $0x80000048  }
0xb4: {  	_ =	swait.ge [sflag:s29], $0x1  }
0xb5: {  	[sflag:s29] =	ssyncadd.s32 $0xFFFFFFFF  }
0xb6: {  	_ =	strace $0x90000048  }
0xb7: {  	_ =	sfence  }
0xb8: {  	s30 =	sld [smem:$0x0];
	_ =	sdelay $0x2  }
0xb9: {  	s31 =	sshll.u32 s1, $0xD;
	s1 =	sshrl.u32 s1, $0x2  }
0xba: {  	s3 =	sand.u32 $0x4000, s31;
	s1 =	sadd.s32 s1, s30  }
0xbb: {  	s0 =	sor.u32 s3, s0;
	s1 =	sshll.u32 s1, $0x11  }
0xbc: {  	s0 =	sor.u32 s1, s0  }
0xbd: {  	s0 =	sadd.s32 $0x8F2B, s0  }
0xbe: {  	[sflag:s0] =	ssyncadd.remote.s32 $0x1  }
0xbf: {  	_ =	sfence.sel $0xFFFF  }
0xc0: {  	[dreg:$0x0] =	wrdreg $0xFFFFFFFF;
	(pc) =	sbr.abs _section_cstart, $3  }
0xc1: {  	[dreg:$0x1] =	wrdreg $0xFFFFFFFF  }
0xc2: {  	_ =	task.clear_ibuf [dreg:s7], $0x2FFFF;
	_ =	strace $0x9FFFFFFF  }
0xc3: {  	(tm) =	ssettm $0x7FFFFFFF  }
tec
execute0_lowered:
.L_overlay_start_1:
0x0: {  	(tag) =	ssettag $0x1  }
0x1: {  	s0 =	srdreg.scid;
	s4 =	rddreg [dreg:$0x0]  }
0x2: {  	s11 =	rddreg [dreg:$0x1];
	s10 =	sand.u32 $0x1, s0  }
0x3: {  	s0 =	stileid.u32;
	s1 =	smul.u32 $0x4E0, s10  }
0x4: {  	s18 =	simm.s32 $0x0;
	s14 =	sadd.s32 $0x16E00, s4;
	s3 =	smul.u32 $0x4E, s0  }
0x5: {  	s2 =	sshll.u32 s10, $0x4;
	s12 =	smul.u32 $0x280, s0;
	s30 =	ssub.s32 $0x2, s10  }
0x6: {  	s16 =	sshll.u32 s0, $0x6;
	s8 =	sor.u32 s0, s2;
	s2 =	rddreg [dreg:$0x2]  }
0x7: {  	s31 =	sshrl.u32 s30, $0x1;
	s16 =	sor.u32 $0x1C01, s16;
	s5 =	sadd.s32 s3, s1  }
0x8: {  	s6 =	smin.u32 s8, $0x4;
	s1 =	rddreg [dreg:$0x3];
	s3 =	simm.s32 $0x0  }
0x9: {  	s15 =	ssub.s32 s30, s31;
	p0 =	slt.u32 s8, $0x4;
	s8 =	simm.s32 $0x4F  }
0xa: {  	s5 =	sadd.s32 s6, s5;
	[smem:$0x7FF] =	sst s3;
	s8 =	simm.s32 @!p0 $0x4E  }
0xb: {  	p0 =	seq.s32 s10, $0x1;
	s10 =	smax.u32 s15, $0x1;
	s15 =	simm.s32 $0x80  }
0xc: {  	s5 =	sshll.u32 s5, $0x4;
	_ =	strace $0x80000047;
	s11 =	smov.u32 @p0 s14  }
0xd: {  	s14 =	simm.s32 $0x1;
	s13 =	sadd.s32 s5, s4;
	s4 =	sadd.s32 s12, s2  }
0xe: {  	s12 =	sshrl.u32 s12, $0x3;
	s5 =	sadd.s32 $0x80, s4;
	s6 =	sadd.s32 $0x100, s4  }
0xf: {  	s7 =	sadd.s32 $0x180, s4;
	s9 =	sadd.s32 $0x200, s4;
	s11 =	sadd.s32 s11, s12  }
0x10: {  	v0 =	vimm.f32 $1.000000000e+00;
	v1 =	vimm.f32 $0.0e+00;
	s12 =	sadd.s32 $0xD000, s13;
	s13 =	simm.s32 $0x100;
	s17 =	sshrl.u32 s4, $0x3  }
.LBB2_1:
0x11: {  	[tilespmem:$0x0] =	vst v0  }
0x12: {  	[tilespmem:$0x100] =	vst v1  }
0x13: {  	[tilespmem:$0x10] =	vst v0  }
0x14: {  	[tilespmem:$0x110] =	vst v1  }
0x15: {  	[tilespmem:$0x20] =	vst v0  }
0x16: {  	[tilespmem:$0x120] =	vst v1  }
0x17: {  	[tilespmem:$0x30] =	vst v0  }
0x18: {  	[tilespmem:$0x130] =	vst v1  }
0x19: {  	[tilespmem:$0x40] =	vst v0  }
0x1a: {  	[tilespmem:$0x140] =	vst v1  }
0x1b: {  	[tilespmem:$0x50] =	vst v0  }
0x1c: {  	[tilespmem:$0x150] =	vst v1  }
0x1d: {  	[tilespmem:$0x60] =	vst v0  }
0x1e: {  	[tilespmem:$0x160] =	vst v1  }
0x1f: {  	[tilespmem:$0x70] =	vst v0  }
0x20: {  	[tilespmem:$0x170] =	vst v1  }
0x21: {  	[spmem:s4] =	stream.linear.scatter [tilespmem:s13], [sflag:$0x1], $0x80, $0x38;
	[tilespmem:$0x400] =	vst v63  }
0x22: {  	_ =	swait.ge [sflag:s14], $0x80  }
0x23: {  	[sflag:s14] =	ssyncset.done $0x0  }
0x24: {  	[sflag:s14] =	ssyncadd.s32 $0xFFFFFF80  }
0x25: {  	[spmem:s5] =	stream.linear.scatter [tilespmem:s13], [sflag:$0x1], $0x80, $0x38;
	[tilespmem:$0x400] =	vst v63  }
0x26: {  	_ =	swait.ge [sflag:s14], $0x80  }
0x27: {  	[sflag:s14] =	ssyncset.done $0x0  }
0x28: {  	[sflag:s14] =	ssyncadd.s32 $0xFFFFFF80  }
0x29: {  	[spmem:s6] =	stream.linear.scatter [tilespmem:s13], [sflag:$0x1], $0x80, $0x38;
	[tilespmem:$0x400] =	vst v63  }
0x2a: {  	_ =	swait.ge [sflag:s14], $0x80  }
0x2b: {  	[sflag:s14] =	ssyncset.done $0x0  }
0x2c: {  	[sflag:s14] =	ssyncadd.s32 $0xFFFFFF80  }
0x2d: {  	[spmem:s7] =	stream.linear.scatter [tilespmem:s13], [sflag:$0x1], $0x80, $0x38;
	[tilespmem:$0x400] =	vst v63  }
0x2e: {  	_ =	swait.ge [sflag:s14], $0x80  }
0x2f: {  	[sflag:s14] =	ssyncset.done $0x0  }
0x30: {  	[sflag:s14] =	ssyncadd.s32 $0xFFFFFF80  }
0x31: {  	[spmem:s9] =	stream.linear.scatter [tilespmem:s13], [sflag:$0x1], $0x80, $0x38;
	[tilespmem:$0x400] =	vst v63  }
0x32: {  	_ =	swait.ge [sflag:s14], $0x80  }
0x33: {  	[sflag:s14] =	ssyncset.done $0x0  }
0x34: {  	[sflag:s14] =	ssyncadd.s32 $0xFFFFFF80  }
0x35: {  	[bflag:$0x0] =	sbarrier.arrive $0xFFFF  }
0x36: {  	[tilespmem:s15], [sflag:$0x1] =	stream.linear.gather [hbm4b:s12+s3], $0x80, $0x38;
	[tilespmem:$0x400] =	vst v63  }
0x37: {  	p0 =	sne.s32 s8, $0x1;
	_ =	swait.ge [sflag:s14], $0x80  }
.Ltmp0:
0x38: {  	[sflag:s14] =	ssyncset.done $0x0;
	(pc) =	sbr.rel @!p0 .LBB2_3-.Ltmp0, $4  }
0x39: {  	[sflag:s14] =	ssyncadd.s32 $0xFFFFFF80  }
0x3a: {  	[spmem:s2] =	stream.indirect.scatter.add.f32 [tilespmem:s3], [sflag:$0x1], $0x1, s15, s15, $0xb8;
	[tilespmem:$0x400] =	vst v63  }
0x3b: {  	_ =	swait.ge [sflag:s14], $0x80  }
0x3c: {  	s19 =	sadd.s32 $0xFFFFFFFF, s8;
	s20 =	smov.u32 s12;
	[sflag:s14] =	ssyncset.done $0x0  }
.LBB2_2:
0x3d: {  	p0 =	sne.s32 s19, $0x1;
	[sflag:s14] =	ssyncadd.s32 $0xFFFFFF80;
	s20 =	sadd.s32 $0x10, s20  }
0x3e: {  	[tilespmem:s15], [sflag:$0x1] =	stream.linear.gather [hbm4b:s20+s3], $0x80, $0x38;
	[tilespmem:$0x400] =	vst v63  }
0x3f: {  	s19 =	sadd.s32 $0xFFFFFFFF, s19;
	_ =	swait.ge [sflag:s14], $0x80  }
.Ltmp1:
0x40: {  	[sflag:s14] =	ssyncset.done $0x0;
	(pc) =	sbr.rel @p0 .LBB2_2-.Ltmp1, $4  }
0x41: {  	[sflag:s14] =	ssyncadd.s32 $0xFFFFFF80  }
0x42: {  	[spmem:s2] =	stream.indirect.scatter.add.f32 [tilespmem:s3], [sflag:$0x1], $0x1, s15, s15, $0xb8;
	[tilespmem:$0x400] =	vst v63  }
0x43: {  	_ =	swait.ge [sflag:s14], $0x80  }
0x44: {  	[sflag:s14] =	ssyncset.done $0x0  }
.LBB2_3:
0x45: {  	s18 =	sadd.s32 $0x1, s18  }
0x46: {  	[sflag:s14] =	ssyncadd.s32 $0xFFFFFF80;
	p0 =	sne.s32 s18, s10  }
.Ltmp2:
0x47: {  	[bflag:$0x0] =	sbarrier.arrive $0xFFFF;
	(pc) =	sbr.rel @p0 .LBB2_1-.Ltmp2, $4  }
0x48: {  	[hbm:s11], [sflag:s16] =	dma.local [spmem:s17], $0x50  }
0x49: {  	_ =	swait.ge [sflag:s14], $0x50  }
0x4a: {  	[sflag:s14] =	ssyncset.done $0x0  }
0x4b: {  	[sflag:s14] =	ssyncadd.s32 $0xFFFFFFB0  }
0x4c: {  	_ =	sfence.sel $0x180000  }
0x4d: {  	[bflag:$0x0] =	sbarrier.arrive $0xFFFF  }
0x4e: {  	p0 =	sne.s32 s0, $0x0;
	_ =	strace $0x90000047  }
0x4f: {  	s0 =	sadd.s32 @!p0 $0x100000, s1;
	[bflag:$0x2] =	sbarrier.arrive $0xFFFF  }
0x50: {  	[sflag:s0] =	ssyncadd.tile.s32 @!p0 $0x1;
	_ =	shalt  }
.Lfunc_end2:
_tile_overlayer_lowered:
.L_overlay_start_2:
0x51: {  	(tag) =	ssettag $0x2  }
0x52: {  	s0 =	rddreg [dreg:$0x0];
	s2 =	stileid.u32  }
0x53: {  	s1 =	rddreg [dreg:$0x1];
	p0 =	sne.s32 s2, $0x0  }
0x54: {  	s3 =	rddreg [dreg:$0x2];
	[bflag:$0x3] =	sbarrier.arrive $0xFFFF;
	s2 =	simm.s32 @!p0 $0x1C01  }
0x55: {  	[timem:s3], [sflag:s2] =	dma.local @!p0 [hbm:s0], s1  }
0x56: {  	s0 =	simm.s32 @!p0 $0x1  }
0x57: {  	_ =	swait.ge @!p0 [sflag:s0], s1  }
0x58: {  	s1 =	ssub.s32 @!p0 $0x0, s1;
	[sflag:s0] =	ssyncset.done @!p0 $0x0  }
0x59: {  	[sflag:s0] =	ssyncadd.s32 @!p0 s1  }
0x5a: {  	[bflag:$0x3] =	sbarrier.arrive $0xFFFF  }
0x5b: {  	_ =	shalt  }

</sc_bundles>
